<compile_context>
chip_gen: v7x
topology: tpu7x:2x2x1
jax: 0.10.2.dev20260603
libtpu: 0.0.44.dev20260713+nightly
codegen_flags: <defaults>
</compile_context>

<pallas_src>
import functools

import jax
import jax.numpy as jnp
from jax import lax
from jax.experimental import pallas as pl
from jax.experimental.pallas import tpu as pltpu
from jax.experimental.pallas import tpu_sc as plsc

_N = 10000
_E = 320000
_D = 128

_NC = 2
_NS = 16
_CHUNK = 128
_N_PAD = 10240
_HROWS = _N_PAD // _D
_ROWS_PER_TILE = _N_PAD // _NS
_E_PAD = 327680
_E_TILE = _E_PAD // (_NC * _NS)
_N_CHUNKS = _E_TILE // _CHUNK
_HALF_CHUNKS = _N_CHUNKS // 2

_mesh = plsc.VectorSubcoreMesh(core_axis_name="c", subcore_axis_name="s")


def _zero_vmem_rows(buf, nrows, ncols):
    def row(i, _):
        def col(j, __):
            buf[i, pl.ds(j * 16, 16)] = jnp.zeros((16,), jnp.float32)
            return 0
        return lax.fori_loop(0, ncols // 16, col, 0)
    lax.fori_loop(0, nrows, row, 0)


def _deg_body(src_hbm, dst_hbm, do_hbm, di_hbm, do_sh, di_sh, ho_v, hi_v,
              sidx_v, didx_v, iota_v):
    c = lax.axis_index("c")
    s = lax.axis_index("s")

    _zero_vmem_rows(ho_v, _HROWS, _D)
    _zero_vmem_rows(hi_v, _HROWS, _D)

    def mkiota(j, _):
        iota_v[pl.ds(j * 16, 16)] = lax.iota(jnp.int32, 16) + j * 16
        return 0
    lax.fori_loop(0, _HROWS // 16, mkiota, 0)

    @pl.when(s < _HROWS // 8)
    def _():
        pltpu.sync_copy(ho_v.at[pl.ds(0, 8)], do_sh.at[pl.ds(s * 8, 8)])
        pltpu.sync_copy(ho_v.at[pl.ds(0, 8)], di_sh.at[pl.ds(s * 8, 8)])
    plsc.subcore_barrier()

    rbase = (c * _NS + s) * _N_CHUNKS
    pltpu.sync_copy(src_hbm.at[pl.ds(rbase, _N_CHUNKS)], sidx_v)
    pltpu.sync_copy(dst_hbm.at[pl.ds(rbase, _N_CHUNKS)], didx_v)

    ones = jnp.full((16,), 1.0, jnp.float32)

    def chunk(g, _):
        def hist(j, __):
            ix = sidx_v[g, pl.ds(j * 16, 16)]
            plsc.addupdate_scatter(
                ho_v, [lax.shift_right_logical(ix, 7),
                       lax.bitwise_and(ix, 127)], ones)
            iy = didx_v[g, pl.ds(j * 16, 16)]
            plsc.addupdate_scatter(
                hi_v, [lax.shift_right_logical(iy, 7),
                       lax.bitwise_and(iy, 127)], ones)
            return 0
        return lax.fori_loop(0, _CHUNK // 16, hist, 0)
    lax.fori_loop(0, _N_CHUNKS, chunk, 0)

    pltpu.sync_copy(ho_v, do_sh.at[iota_v], add=True)
    pltpu.sync_copy(hi_v, di_sh.at[iota_v], add=True)
    plsc.subcore_barrier()

    @pl.when(s < _HROWS // 8)
    def _():
        pltpu.sync_copy(do_sh.at[pl.ds(s * 8, 8)],
                        do_hbm.at[pl.ds(c * _HROWS + s * 8, 8)])
        pltpu.sync_copy(di_sh.at[pl.ds(s * 8, 8)],
                        di_hbm.at[pl.ds(c * _HROWS + s * 8, 8)])


_deg_kernel = functools.partial(
    pl.kernel,
    out_type=[
        jax.ShapeDtypeStruct((_NC * _HROWS, _D), jnp.float32),
        jax.ShapeDtypeStruct((_NC * _HROWS, _D), jnp.float32),
    ],
    mesh=_mesh,
    compiler_params=pltpu.CompilerParams(needs_layout_passes=False),
    scratch_types=[
        pltpu.VMEM_SHARED((_HROWS, _D), jnp.float32),
        pltpu.VMEM_SHARED((_HROWS, _D), jnp.float32),
        pltpu.VMEM((_HROWS, _D), jnp.float32),
        pltpu.VMEM((_HROWS, _D), jnp.float32),
        pltpu.VMEM((_N_CHUNKS, _CHUNK), jnp.int32),
        pltpu.VMEM((_N_CHUNKS, _CHUNK), jnp.int32),
        pltpu.VMEM((_HROWS,), jnp.int32),
    ],
)(_deg_body)


def _agg_body(table_hbm, src_hbm, dst_hbm, out_hbm, acc_sh, idx_s, idx_d,
              rows0, rows1, sem0, sem1):
    c = lax.axis_index("c")
    s = lax.axis_index("s")

    rbase = (c * _NS + s) * _N_CHUNKS

    pltpu.async_copy(src_hbm.at[pl.ds(rbase, _HALF_CHUNKS)], idx_s, sem0)
    pltpu.async_copy(dst_hbm.at[pl.ds(rbase, _HALF_CHUNKS)], idx_d, sem1)

    _zero_vmem_rows(rows1, _CHUNK, _D)

    def zcopy(k, _):
        r = s * _ROWS_PER_TILE + k * _CHUNK
        pltpu.sync_copy(rows1, acc_sh.at[pl.ds(r, _CHUNK)])
        return 0
    lax.fori_loop(0, _ROWS_PER_TILE // _CHUNK, zcopy, 0)

    pltpu.make_async_copy(src_hbm.at[pl.ds(rbase, _HALF_CHUNKS)], idx_s,
                          sem0).wait()
    pltpu.make_async_copy(dst_hbm.at[pl.ds(rbase, _HALF_CHUNKS)], idx_d,
                          sem1).wait()

    def gather(g, rows, sem):
        gc = jnp.minimum(g, _HALF_CHUNKS - 1)
        return pltpu.async_copy(table_hbm.at[idx_s.at[gc]], rows, sem)

    gather(0, rows0, sem0)
    plsc.subcore_barrier()

    for p in range(_N_CHUNKS // _HALF_CHUNKS):
        if p > 0:
            pltpu.sync_copy(
                src_hbm.at[pl.ds(rbase + p * _HALF_CHUNKS, _HALF_CHUNKS)],
                idx_s)
            pltpu.sync_copy(
                dst_hbm.at[pl.ds(rbase + p * _HALF_CHUNKS, _HALF_CHUNKS)],
                idx_d)
            gather(0, rows0, sem0)

        def body(k, _):
            g0 = 2 * k
            pltpu.make_async_copy(table_hbm.at[idx_s.at[0]], rows0,
                                  sem0).wait()
            gather(g0 + 1, rows1, sem1)
            pltpu.sync_copy(rows0, acc_sh.at[idx_d.at[g0]], add=True)
            pltpu.make_async_copy(table_hbm.at[idx_s.at[0]], rows1,
                                  sem1).wait()
            gather(g0 + 2, rows0, sem0)
            pltpu.sync_copy(rows1, acc_sh.at[idx_d.at[g0 + 1]], add=True)
            return 0
        lax.fori_loop(0, _HALF_CHUNKS // 2, body, 0)
        pltpu.make_async_copy(table_hbm.at[idx_s.at[0]], rows0, sem0).wait()

    plsc.subcore_barrier()

    def wb(k, _):
        r = s * _ROWS_PER_TILE + k * _CHUNK
        pltpu.sync_copy(acc_sh.at[pl.ds(r, _CHUNK)],
                        out_hbm.at[pl.ds(c * _N_PAD + r, _CHUNK)])
        return 0
    lax.fori_loop(0, _ROWS_PER_TILE // _CHUNK, wb, 0)


_agg_kernel = functools.partial(
    pl.kernel,
    out_type=jax.ShapeDtypeStruct((_NC * _N_PAD, _D), jnp.float32),
    mesh=_mesh,
    scratch_types=[
        pltpu.VMEM_SHARED((_N_PAD, _D), jnp.float32),
        pltpu.VMEM((_HALF_CHUNKS, _CHUNK), jnp.int32),
        pltpu.VMEM((_HALF_CHUNKS, _CHUNK), jnp.int32),
        pltpu.VMEM((_CHUNK, _D), jnp.float32),
        pltpu.VMEM((_CHUNK, _D), jnp.float32),
        pltpu.SemaphoreType.DMA,
        pltpu.SemaphoreType.DMA,
    ],
)(_agg_body)


def _norm_mat(deg_ref, j):
    d = deg_ref[0, j:j + 1, :] + deg_ref[1, j:j + 1, :]
    nr = jnp.where(d > 0, lax.rsqrt(d), 0.0)
    return jnp.transpose(jnp.broadcast_to(nr, (_D, _D)))


def _tc1_body(x_ref, do_ref, w1_ref, t1_ref):
    for j in range(8):
        xs = x_ref[pl.ds(_D * j, _D), :] * _norm_mat(do_ref, j)
        t1_ref[pl.ds(_D * j, _D), :] = jnp.dot(
            xs, w1_ref[...], preferred_element_type=jnp.float32)


def _tc2_body(a1_ref, do_ref, di_ref, b1_ref, w2_ref, t2_ref):
    for j in range(8):
        a1 = a1_ref[0, pl.ds(_D * j, _D), :] + a1_ref[1, pl.ds(_D * j, _D), :]
        h = jax.nn.relu(a1 * _norm_mat(di_ref, j) + b1_ref[...])
        t2_ref[pl.ds(_D * j, _D), :] = jnp.dot(
            h * _norm_mat(do_ref, j), w2_ref[...],
            preferred_element_type=jnp.float32)


def _tc3_body(a2_ref, di_ref, b2_ref, out_ref):
    for j in range(8):
        a2 = a2_ref[0, pl.ds(_D * j, _D), :] + a2_ref[1, pl.ds(_D * j, _D), :]
        out_ref[pl.ds(_D * j, _D), :] = jax.nn.relu(
            a2 * _norm_mat(di_ref, j) + b2_ref[...])


def kernel(node_features, edge_index, W1, b1, W2, b2):
    src = edge_index[0]
    dst = edge_index[1]
    npad = _E_PAD - _E
    pad = _N + jnp.arange(npad, dtype=jnp.int32) % (_N_PAD - _N)
    src_p = jnp.concatenate([src, pad]).reshape(_E_PAD // _CHUNK, _CHUNK)
    dst_p = jnp.concatenate([dst, pad]).reshape(_E_PAD // _CHUNK, _CHUNK)
    b1r = b1.reshape(1, _D)
    b2r = b2.reshape(1, _D)
    x_pad = jnp.zeros((_N_PAD, _D), jnp.float32).at[0:_N].set(node_features)

    deg_out_p, deg_in_p = _deg_kernel(src_p, dst_p)
    do_p = deg_out_p.reshape(_NC, _HROWS, _D)
    di_p = deg_in_p.reshape(_NC, _HROWS, _D)

    blk = 8 * _D
    nblk = _N_PAD // blk
    deg_spec = pl.BlockSpec((_NC, 8, _D), lambda i: (0, i, 0))
    w_spec = pl.BlockSpec((_D, _D), lambda i: (0, 0))
    b_spec = pl.BlockSpec((1, _D), lambda i: (0, 0))
    row_spec = pl.BlockSpec((blk, _D), lambda i: (i, 0))
    agg_spec = pl.BlockSpec((_NC, blk, _D), lambda i: (0, i, 0))

    t1 = pl.pallas_call(
        _tc1_body,
        grid=(nblk,),
        in_specs=[row_spec, deg_spec, w_spec],
        out_specs=row_spec,
        out_shape=jax.ShapeDtypeStruct((_N_PAD, _D), jnp.float32),
    )(x_pad, do_p, W1)

    a1 = _agg_kernel(t1, src_p, dst_p).reshape(_NC, _N_PAD, _D)

    t2 = pl.pallas_call(
        _tc2_body,
        grid=(nblk,),
        in_specs=[agg_spec, deg_spec, deg_spec, b_spec, w_spec],
        out_specs=row_spec,
        out_shape=jax.ShapeDtypeStruct((_N_PAD, _D), jnp.float32),
    )(a1, do_p, di_p, b1r, W2)

    a2 = _agg_kernel(t2, src_p, dst_p).reshape(_NC, _N_PAD, _D)

    out = pl.pallas_call(
        _tc3_body,
        grid=(nblk,),
        in_specs=[agg_spec, deg_spec, b_spec],
        out_specs=row_spec,
        out_shape=jax.ShapeDtypeStruct((_N, _D), jnp.float32),
    )(a2, di_p, b2r)

    return out

# --- scband reference (transcript-rebuilt; emitter-appended) ---
"""Pipeline reference for scband-gnnmodel-19121194402005 (READ-ONLY COPY).

The authoritative reference and input builder live on the scoring server;
editing this copy changes nothing except your own understanding.
"""

import jax, jax.numpy as jnp
import numpy as np

N = 10000
E = 320000
D_IN = 128
D_HID = 128


def setup_inputs(seed: int = 0) -> dict:
    key = jax.random.key(seed)
    k1, k2, k3, k4, k5, k6 = jax.random.split(key, 6)
    x = jax.random.normal(k1, (N, D_IN), dtype=jnp.float32)
    edge_index = jax.random.randint(k2, (2, E), 0, N, dtype=jnp.int32)
    # Glorot-style init like DGL GraphConv default
    s1 = (6.0 / (D_IN + D_HID)) ** 0.5
    s2 = (6.0 / (D_HID + D_HID)) ** 0.5
    W1 = jax.random.uniform(k3, (D_IN, D_HID), dtype=jnp.float32, minval=-s1, maxval=s1)
    b1 = jnp.zeros((D_HID,), dtype=jnp.float32)
    W2 = jax.random.uniform(k4, (D_HID, D_HID), dtype=jnp.float32, minval=-s2, maxval=s2)
    b2 = jnp.zeros((D_HID,), dtype=jnp.float32)
    return {"node_features": x, "edge_index": edge_index, "W1": W1, "b1": b1, "W2": W2, "b2": b2}


def _graph_conv(x, src, dst, W, b):
    # DGL GraphConv with norm='both':
    # h = ReLU( D_in^{-1/2} A D_out^{-1/2} x W + b )
    ones = jnp.ones((src.shape[0],), dtype=x.dtype)
    deg_out = jnp.zeros((N,), dtype=x.dtype).at[src].add(ones)
    deg_in = jnp.zeros((N,), dtype=x.dtype).at[dst].add(ones)
    norm_out = jnp.where(deg_out > 0, deg_out ** -0.5, 0.0)
    norm_in = jnp.where(deg_in > 0, deg_in ** -0.5, 0.0)
    h = x * norm_out[:, None]
    msg = jnp.take(h, src, axis=0)
    agg = jnp.zeros((N, h.shape[1]), dtype=x.dtype).at[dst].add(msg)
    agg = agg * norm_in[:, None]
    return jax.nn.relu(agg @ W + b)


def reference(node_features, edge_index, W1, b1, W2, b2):
    src = edge_index[0]
    dst = edge_index[1]
    h = _graph_conv(node_features, src, dst, W1, b1)
    h = _graph_conv(h, src, dst, W2, b2)
    return h

if __name__ == "__main__":
    import jax
    _d = setup_inputs()
    print(jax.jit(kernel)(*tuple(_d.values())))

</pallas_src>

<mosaic_0001>
#map = affine_map<(d0, d1) -> (0, 0)>
module attributes {stable_mosaic.version = 14 : i64} {
  func.func @_deg_body(%arg0: i32, %arg1: i32, %arg2: memref<2560x128xi32, #tpu.memory_space<hbm>>, %arg3: memref<2560x128xi32, #tpu.memory_space<hbm>>, %arg4: memref<160x128xf32, #tpu.memory_space<hbm>>, %arg5: memref<160x128xf32, #tpu.memory_space<hbm>>, %arg6: memref<80x128xf32, #tpu.memory_space<vmem_shared>>, %arg7: memref<80x128xf32, #tpu.memory_space<vmem_shared>>, %arg8: memref<80x128xf32, #tpu.memory_space<vmem>>, %arg9: memref<80x128xf32, #tpu.memory_space<vmem>>, %arg10: memref<80x128xi32, #tpu.memory_space<vmem>>, %arg11: memref<80x128xi32, #tpu.memory_space<vmem>>, %arg12: memref<80xi32, #tpu.memory_space<vmem>>) attributes {dimension_semantics = [#tpu.dimension_semantics<core_parallel>, #tpu.dimension_semantics<subcore_parallel>], iteration_bounds = array<i64: 2, 16>, scalar_prefetch = 0 : i64, scratch_operands = 7 : i64, tpu.core_type = #tpu.core_type<sc_vector_subcore>, window_params = [{transform_indices = #map}, {transform_indices = #map}, {transform_indices = #map}, {transform_indices = #map}]} {
    %scan3A = arith.constant 0 : i32
    %scan3A_0 = arith.constant 0 : i32
    %scan3A_1 = arith.constant 80 : i32
    %scan3A_2 = arith.addi %scan3A_0, %scan3A_1 : i32
    %scan3A_3 = arith.constant 1 : i32
    %scan3A_4 = scf.for %scan3A_39 = %scan3A_0 to %scan3A_2 step %scan3A_3 iter_args(%scan3A_40 = %scan3A) -> (i32)  : i32 {
      %scan3A_41 = arith.constant 0 : i32
      %scan3A_42 = arith.constant 0 : i32
      %scan3A_43 = arith.constant 8 : i32
      %scan3A_44 = arith.addi %scan3A_42, %scan3A_43 : i32
      %scan3A_45 = arith.constant 1 : i32
      %scan3A_46 = scf.for %scan3A_48 = %scan3A_42 to %scan3A_44 step %scan3A_45 iter_args(%scan3A_49 = %scan3A_41) -> (i32)  : i32 {
        %broadcast_in_dim3A_50 = arith.constant 0.000000e+00 : f32
        %broadcast_in_dim3A_51 = vector.broadcast %broadcast_in_dim3A_50 : f32 to vector<16xf32>
        %mul3A_52 = arith.constant 16 : i32
        %mul3A_53 = arith.muli %scan3A_48, %mul3A_52 : i32
        %swap3A = arith.index_cast %scan3A_39 : i32 to index
        %swap3A_54 = arith.index_cast %mul3A_53 : i32 to index
        %swap3A_55 = tpu.vector_load %arg8[%swap3A, %swap3A_54] {strides = array<i32>} : memref<80x128xf32, #tpu.memory_space<vmem>>, vector<16xf32>,
        tpu.vector_store %arg8[%swap3A, %swap3A_54], %broadcast_in_dim3A_51 {strides = array<i32>} : memref<80x128xf32, #tpu.memory_space<vmem>>, vector<16xf32>,
        %scan3A_56 = arith.constant 0 : i32
        scf.yield %scan3A_56 : i32
      }
      %scan3A_47 = arith.constant 8 : i32
      scf.yield %scan3A_46 : i32
    }
    %scan3A_5 = arith.constant 80 : i32
    %scan3A_6 = arith.constant 0 : i32
    %scan3A_7 = arith.constant 0 : i32
    %scan3A_8 = arith.constant 80 : i32
    %scan3A_9 = arith.addi %scan3A_7, %scan3A_8 : i32
    %scan3A_10 = arith.constant 1 : i32
    %scan3A_11 = scf.for %scan3A_39 = %scan3A_7 to %scan3A_9 step %scan3A_10 iter_args(%scan3A_40 = %scan3A_6) -> (i32)  : i32 {
      %scan3A_41 = arith.constant 0 : i32
      %scan3A_42 = arith.constant 0 : i32
      %scan3A_43 = arith.constant 8 : i32
      %scan3A_44 = arith.addi %scan3A_42, %scan3A_43 : i32
      %scan3A_45 = arith.constant 1 : i32
      %scan3A_46 = scf.for %scan3A_48 = %scan3A_42 to %scan3A_44 step %scan3A_45 iter_args(%scan3A_49 = %scan3A_41) -> (i32)  : i32 {
        %broadcast_in_dim3A_50 = arith.constant 0.000000e+00 : f32
        %broadcast_in_dim3A_51 = vector.broadcast %broadcast_in_dim3A_50 : f32 to vector<16xf32>
        %mul3A_52 = arith.constant 16 : i32
        %mul3A_53 = arith.muli %scan3A_48, %mul3A_52 : i32
        %swap3A = arith.index_cast %scan3A_39 : i32 to index
        %swap3A_54 = arith.index_cast %mul3A_53 : i32 to index
        %swap3A_55 = tpu.vector_load %arg9[%swap3A, %swap3A_54] {strides = array<i32>} : memref<80x128xf32, #tpu.memory_space<vmem>>, vector<16xf32>,
        tpu.vector_store %arg9[%swap3A, %swap3A_54], %broadcast_in_dim3A_51 {strides = array<i32>} : memref<80x128xf32, #tpu.memory_space<vmem>>, vector<16xf32>,
        %scan3A_56 = arith.constant 0 : i32
        scf.yield %scan3A_56 : i32
      }
      %scan3A_47 = arith.constant 8 : i32
      scf.yield %scan3A_46 : i32
    }
    %scan3A_12 = arith.constant 80 : i32
    %scan3A_13 = arith.constant 0 : i32
    %scan3A_14 = arith.constant 0 : i32
    %scan3A_15 = arith.constant 5 : i32
    %scan3A_16 = arith.addi %scan3A_14, %scan3A_15 : i32
    %scan3A_17 = arith.constant 1 : i32
    %scan3A_18 = scf.for %scan3A_39 = %scan3A_14 to %scan3A_16 step %scan3A_17 iter_args(%scan3A_40 = %scan3A_13) -> (i32)  : i32 {
      %iota3A = tpu.iota {dimensions = array<i32: 0>} : vector<16xi32>
      %mul3A_41 = arith.constant 16 : i32
      %mul3A_42 = arith.muli %scan3A_39, %mul3A_41 : i32
      %add3A_43 = vector.broadcast %mul3A_42 : i32 to vector<16xi32>
      %add3A_44 = arith.addi %iota3A, %add3A_43 : vector<16xi32>
      %mul3A_45 = arith.constant 16 : i32
      %mul3A_46 = arith.muli %scan3A_39, %mul3A_45 : i32
      %swap3A = arith.index_cast %mul3A_46 : i32 to index
      %swap3A_47 = tpu.vector_load %arg12[%swap3A] {strides = array<i32>} : memref<80xi32, #tpu.memory_space<vmem>>, vector<16xi32>,
      tpu.vector_store %arg12[%swap3A], %add3A_44 {strides = array<i32>} : memref<80xi32, #tpu.memory_space<vmem>>, vector<16xi32>,
      %scan3A_48 = arith.constant 0 : i32
      scf.yield %scan3A_48 : i32
    }
    %scan3A_19 = arith.constant 5 : i32
    %lt3A = arith.constant 10 : i32
    %lt3A_20 = arith.cmpi slt, %arg1, %lt3A : i32
    %convert_element_type3A = arith.extui %lt3A_20 : i1 to i32
    %cond3A = arith.constant 0 : i32
    %cond3A_21 = arith.cmpi ne, %convert_element_type3A, %cond3A : i32
    scf.if %cond3A_21 {
      %mul3A_39 = arith.constant 8 : i32
      %mul3A_40 = arith.muli %arg1, %mul3A_39 : i32
      "tpu.region"() ({
        %run_scoped3A = tpu.sem_alloc : memref<!tpu.dma_semaphore, #tpu.memory_space<semaphore_mem>>
        %dma_start3A = arith.constant 0 : i32
        %dma_start3A_43 = arith.constant 0 : i32
        %dma_start3A_44 = tpu.memref_slice %arg8[%dma_start3A, %dma_start3A_43] : memref<80x128xf32, #tpu.memory_space<vmem>> -> memref<8x128xf32, #tpu.memory_space<vmem>>
        %dma_start3A_45 = arith.constant 0 : i32
        %dma_start3A_46 = tpu.memref_slice %arg6[%mul3A_40, %dma_start3A_45] : memref<80x128xf32, #tpu.memory_space<vmem_shared>> -> memref<8x128xf32, #tpu.memory_space<vmem_shared>>
        %dma_start3A_47 = arith.constant 0 : i32
        %dma_start3A_48 = tpu.memref_slice %arg6[%mul3A_40, %dma_start3A_47] : memref<80x128xf32, #tpu.memory_space<vmem_shared>> -> memref<8x128xf32, #tpu.memory_space<vmem_shared>>
        %dma_start3A_49 = arith.constant 0 : i32
        %dma_start3A_50 = arith.constant 0 : i32
        %dma_start3A_51 = tpu.memref_slice %arg8[%dma_start3A_49, %dma_start3A_50] : memref<80x128xf32, #tpu.memory_space<vmem>> -> memref<8x128xf32, #tpu.memory_space<vmem>>
        tpu.enqueue_dma source(%dma_start3A_51 : memref<8x128xf32, #tpu.memory_space<vmem>>) target(%dma_start3A_48 : memref<8x128xf32, #tpu.memory_space<vmem_shared>>) target_semaphore(%run_scoped3A : memref<!tpu.dma_semaphore, #tpu.memory_space<semaphore_mem>>)
        %dma_wait3A = arith.constant 0 : i32
        %dma_wait3A_52 = arith.constant 0 : i32
        %dma_wait3A_53 = tpu.memref_slice %arg8[%dma_wait3A, %dma_wait3A_52] : memref<80x128xf32, #tpu.memory_space<vmem>> -> memref<8x128xf32, #tpu.memory_space<vmem>>
        %dma_wait3A_54 = arith.constant 0 : i32
        %dma_wait3A_55 = tpu.memref_slice %arg6[%mul3A_40, %dma_wait3A_54] : memref<80x128xf32, #tpu.memory_space<vmem_shared>> -> memref<8x128xf32, #tpu.memory_space<vmem_shared>>
        %dma_wait3A_56 = arith.constant 0 : i32
        %dma_wait3A_57 = tpu.memref_slice %arg6[%mul3A_40, %dma_wait3A_56] : memref<80x128xf32, #tpu.memory_space<vmem_shared>> -> memref<8x128xf32, #tpu.memory_space<vmem_shared>>
        %dma_wait3A_58 = arith.constant 0 : i32
        %dma_wait3A_59 = arith.constant 0 : i32
        %dma_wait3A_60 = tpu.memref_slice %arg8[%dma_wait3A_58, %dma_wait3A_59] : memref<80x128xf32, #tpu.memory_space<vmem>> -> memref<8x128xf32, #tpu.memory_space<vmem>>
        tpu.wait_dma2 semaphore(%run_scoped3A : memref<!tpu.dma_semaphore, #tpu.memory_space<semaphore_mem>>) src(%dma_wait3A_60 : memref<8x128xf32, #tpu.memory_space<vmem>>) dst(%dma_wait3A_57 : memref<8x128xf32, #tpu.memory_space<vmem_shared>>)
        tpu.yield
      }) : () -> ()
      %mul3A_41 = arith.constant 8 : i32
      %mul3A_42 = arith.muli %arg1, %mul3A_41 : i32
      "tpu.region"() ({
        %run_scoped3A = tpu.sem_alloc : memref<!tpu.dma_semaphore, #tpu.memory_space<semaphore_mem>>
        %dma_start3A = arith.constant 0 : i32
        %dma_start3A_43 = arith.constant 0 : i32
        %dma_start3A_44 = tpu.memref_slice %arg8[%dma_start3A, %dma_start3A_43] : memref<80x128xf32, #tpu.memory_space<vmem>> -> memref<8x128xf32, #tpu.memory_space<vmem>>
        %dma_start3A_45 = arith.constant 0 : i32
        %dma_start3A_46 = tpu.memref_slice %arg7[%mul3A_42, %dma_start3A_45] : memref<80x128xf32, #tpu.memory_space<vmem_shared>> -> memref<8x128xf32, #tpu.memory_space<vmem_shared>>
        %dma_start3A_47 = arith.constant 0 : i32
        %dma_start3A_48 = tpu.memref_slice %arg7[%mul3A_42, %dma_start3A_47] : memref<80x128xf32, #tpu.memory_space<vmem_shared>> -> memref<8x128xf32, #tpu.memory_space<vmem_shared>>
        %dma_start3A_49 = arith.constant 0 : i32
        %dma_start3A_50 = arith.constant 0 : i32
        %dma_start3A_51 = tpu.memref_slice %arg8[%dma_start3A_49, %dma_start3A_50] : memref<80x128xf32, #tpu.memory_space<vmem>> -> memref<8x128xf32, #tpu.memory_space<vmem>>
        tpu.enqueue_dma source(%dma_start3A_51 : memref<8x128xf32, #tpu.memory_space<vmem>>) target(%dma_start3A_48 : memref<8x128xf32, #tpu.memory_space<vmem_shared>>) target_semaphore(%run_scoped3A : memref<!tpu.dma_semaphore, #tpu.memory_space<semaphore_mem>>)
        %dma_wait3A = arith.constant 0 : i32
        %dma_wait3A_52 = arith.constant 0 : i32
        %dma_wait3A_53 = tpu.memref_slice %arg8[%dma_wait3A, %dma_wait3A_52] : memref<80x128xf32, #tpu.memory_space<vmem>> -> memref<8x128xf32, #tpu.memory_space<vmem>>
        %dma_wait3A_54 = arith.constant 0 : i32
        %dma_wait3A_55 = tpu.memref_slice %arg7[%mul3A_42, %dma_wait3A_54] : memref<80x128xf32, #tpu.memory_space<vmem_shared>> -> memref<8x128xf32, #tpu.memory_space<vmem_shared>>
        %dma_wait3A_56 = arith.constant 0 : i32
        %dma_wait3A_57 = tpu.memref_slice %arg7[%mul3A_42, %dma_wait3A_56] : memref<80x128xf32, #tpu.memory_space<vmem_shared>> -> memref<8x128xf32, #tpu.memory_space<vmem_shared>>
        %dma_wait3A_58 = arith.constant 0 : i32
        %dma_wait3A_59 = arith.constant 0 : i32
        %dma_wait3A_60 = tpu.memref_slice %arg8[%dma_wait3A_58, %dma_wait3A_59] : memref<80x128xf32, #tpu.memory_space<vmem>> -> memref<8x128xf32, #tpu.memory_space<vmem>>
        tpu.wait_dma2 semaphore(%run_scoped3A : memref<!tpu.dma_semaphore, #tpu.memory_space<semaphore_mem>>) src(%dma_wait3A_60 : memref<8x128xf32, #tpu.memory_space<vmem>>) dst(%dma_wait3A_57 : memref<8x128xf32, #tpu.memory_space<vmem_shared>>)
        tpu.yield
      }) : () -> ()
    } else {
    }
    %barrier3A = arith.constant 0 : index
    tpu.barrier barrier_id(%barrier3A)
    %mul3A = arith.constant 16 : i32
    %mul3A_22 = arith.muli %arg0, %mul3A : i32
    %add3A = arith.addi %mul3A_22, %arg1 : i32
    %mul3A_23 = arith.constant 80 : i32
    %mul3A_24 = arith.muli %add3A, %mul3A_23 : i32
    "tpu.region"() ({
      %run_scoped3A = tpu.sem_alloc : memref<!tpu.dma_semaphore, #tpu.memory_space<semaphore_mem>>
      %dma_start3A = arith.constant 0 : i32
      %dma_start3A_39 = tpu.memref_slice %arg2[%mul3A_24, %dma_start3A] : memref<2560x128xi32, #tpu.memory_space<hbm>> -> memref<80x128xi32, #tpu.memory_space<hbm>>
      %dma_start3A_40 = arith.constant 0 : i32
      %dma_start3A_41 = tpu.memref_slice %arg2[%mul3A_24, %dma_start3A_40] : memref<2560x128xi32, #tpu.memory_space<hbm>> -> memref<80x128xi32, #tpu.memory_space<hbm>>
      tpu.enqueue_dma source(%dma_start3A_41 : memref<80x128xi32, #tpu.memory_space<hbm>>) target(%arg10 : memref<80x128xi32, #tpu.memory_space<vmem>>) target_semaphore(%run_scoped3A : memref<!tpu.dma_semaphore, #tpu.memory_space<semaphore_mem>>)
      %dma_wait3A = arith.constant 0 : i32
      %dma_wait3A_42 = tpu.memref_slice %arg2[%mul3A_24, %dma_wait3A] : memref<2560x128xi32, #tpu.memory_space<hbm>> -> memref<80x128xi32, #tpu.memory_space<hbm>>
      %dma_wait3A_43 = arith.constant 0 : i32
      %dma_wait3A_44 = tpu.memref_slice %arg2[%mul3A_24, %dma_wait3A_43] : memref<2560x128xi32, #tpu.memory_space<hbm>> -> memref<80x128xi32, #tpu.memory_space<hbm>>
      tpu.wait_dma2 semaphore(%run_scoped3A : memref<!tpu.dma_semaphore, #tpu.memory_space<semaphore_mem>>) src(%dma_wait3A_44 : memref<80x128xi32, #tpu.memory_space<hbm>>) dst(%arg10 : memref<80x128xi32, #tpu.memory_space<vmem>>)
      tpu.yield
    }) : () -> ()
    "tpu.region"() ({
      %run_scoped3A = tpu.sem_alloc : memref<!tpu.dma_semaphore, #tpu.memory_space<semaphore_mem>>
      %dma_start3A = arith.constant 0 : i32
      %dma_start3A_39 = tpu.memref_slice %arg3[%mul3A_24, %dma_start3A] : memref<2560x128xi32, #tpu.memory_space<hbm>> -> memref<80x128xi32, #tpu.memory_space<hbm>>
      %dma_start3A_40 = arith.constant 0 : i32
      %dma_start3A_41 = tpu.memref_slice %arg3[%mul3A_24, %dma_start3A_40] : memref<2560x128xi32, #tpu.memory_space<hbm>> -> memref<80x128xi32, #tpu.memory_space<hbm>>
      tpu.enqueue_dma source(%dma_start3A_41 : memref<80x128xi32, #tpu.memory_space<hbm>>) target(%arg11 : memref<80x128xi32, #tpu.memory_space<vmem>>) target_semaphore(%run_scoped3A : memref<!tpu.dma_semaphore, #tpu.memory_space<semaphore_mem>>)
      %dma_wait3A = arith.constant 0 : i32
      %dma_wait3A_42 = tpu.memref_slice %arg3[%mul3A_24, %dma_wait3A] : memref<2560x128xi32, #tpu.memory_space<hbm>> -> memref<80x128xi32, #tpu.memory_space<hbm>>
      %dma_wait3A_43 = arith.constant 0 : i32
      %dma_wait3A_44 = tpu.memref_slice %arg3[%mul3A_24, %dma_wait3A_43] : memref<2560x128xi32, #tpu.memory_space<hbm>> -> memref<80x128xi32, #tpu.memory_space<hbm>>
      tpu.wait_dma2 semaphore(%run_scoped3A : memref<!tpu.dma_semaphore, #tpu.memory_space<semaphore_mem>>) src(%dma_wait3A_44 : memref<80x128xi32, #tpu.memory_space<hbm>>) dst(%arg11 : memref<80x128xi32, #tpu.memory_space<vmem>>)
      tpu.yield
    }) : () -> ()
    %broadcast_in_dim3A = arith.constant 1.000000e+00 : f32
    %broadcast_in_dim3A_25 = vector.broadcast %broadcast_in_dim3A : f32 to vector<16xf32>
    %scan3A_26 = arith.constant 0 : i32
    %scan3A_27 = arith.constant 0 : i32
    %scan3A_28 = arith.constant 80 : i32
    %scan3A_29 = arith.addi %scan3A_27, %scan3A_28 : i32
    %scan3A_30 = arith.constant 1 : i32
    %scan3A_31 = scf.for %scan3A_39 = %scan3A_27 to %scan3A_29 step %scan3A_30 iter_args(%scan3A_40 = %scan3A_26) -> (i32)  : i32 {
      %scan3A_41 = arith.constant 0 : i32
      %scan3A_42 = arith.constant 0 : i32
      %scan3A_43 = arith.constant 8 : i32
      %scan3A_44 = arith.addi %scan3A_42, %scan3A_43 : i32
      %scan3A_45 = arith.constant 1 : i32
      %scan3A_46 = scf.for %scan3A_48 = %scan3A_42 to %scan3A_44 step %scan3A_45 iter_args(%scan3A_49 = %scan3A_41) -> (i32)  : i32 {
        %mul3A_50 = arith.constant 16 : i32
        %mul3A_51 = arith.muli %scan3A_48, %mul3A_50 : i32
        %get3A = arith.index_cast %scan3A_39 : i32 to index
        %get3A_52 = arith.index_cast %mul3A_51 : i32 to index
        %get3A_53 = tpu.vector_load %arg10[%get3A, %get3A_52] {strides = array<i32>} : memref<80x128xi32, #tpu.memory_space<vmem>>, vector<16xi32>,
        %shift_right_logical3A = arith.constant 7 : i32
        %shift_right_logical3A_54 = vector.broadcast %shift_right_logical3A : i32 to vector<16xi32>
        %shift_right_logical3A_55 = arith.shrui %get3A_53, %shift_right_logical3A_54 : vector<16xi32>
        %and3A = arith.constant 127 : i32
        %and3A_56 = vector.broadcast %and3A : i32 to vector<16xi32>
        %and3A_57 = arith.andi %get3A_53, %and3A_56 : vector<16xi32>
        tpu.vector_store_idx %arg8[%shift_right_logical3A_55, %and3A_57], %broadcast_in_dim3A_25 {add = true} : memref<80x128xf32, #tpu.memory_space<vmem>>[vector<16xi32>, vector<16xi32>], vector<16xf32>,
        %mul3A_58 = arith.constant 16 : i32
        %mul3A_59 = arith.muli %scan3A_48, %mul3A_58 : i32
        %get3A_60 = arith.index_cast %scan3A_39 : i32 to index
        %get3A_61 = arith.index_cast %mul3A_59 : i32 to index
        %get3A_62 = tpu.vector_load %arg11[%get3A_60, %get3A_61] {strides = array<i32>} : memref<80x128xi32, #tpu.memory_space<vmem>>, vector<16xi32>,
        %shift_right_logical3A_63 = arith.constant 7 : i32
        %shift_right_logical3A_64 = vector.broadcast %shift_right_logical3A_63 : i32 to vector<16xi32>
        %shift_right_logical3A_65 = arith.shrui %get3A_62, %shift_right_logical3A_64 : vector<16xi32>
        %and3A_66 = arith.constant 127 : i32
        %and3A_67 = vector.broadcast %and3A_66 : i32 to vector<16xi32>
        %and3A_68 = arith.andi %get3A_62, %and3A_67 : vector<16xi32>
        tpu.vector_store_idx %arg9[%shift_right_logical3A_65, %and3A_68], %broadcast_in_dim3A_25 {add = true} : memref<80x128xf32, #tpu.memory_space<vmem>>[vector<16xi32>, vector<16xi32>], vector<16xf32>,
        %scan3A_69 = arith.constant 0 : i32
        scf.yield %scan3A_69 : i32
      }
      %scan3A_47 = arith.constant 8 : i32
      scf.yield %scan3A_46 : i32
    }
    %scan3A_32 = arith.constant 80 : i32
    "tpu.region"() ({
      %run_scoped3A = tpu.sem_alloc : memref<!tpu.dma_semaphore, #tpu.memory_space<semaphore_mem>>
      %dma_start3A = arith.constant 0 : i32
      %dma_start3A_39 = arith.constant 0 : i32
      %dma_start3A_40 = tpu.memref_slice %arg6[%dma_start3A, %dma_start3A_39] : memref<80x128xf32, #tpu.memory_space<vmem_shared>> -> memref<80x128xf32, #tpu.memory_space<vmem_shared>>
      tpu.enqueue_indirect_dma source(%arg8 : memref<80x128xf32, #tpu.memory_space<vmem>>) target(%dma_start3A_40 : memref<80x128xf32, #tpu.memory_space<vmem_shared>>) offsets(%arg12 : memref<80xi32, #tpu.memory_space<vmem>>) semaphore(%run_scoped3A : memref<!tpu.dma_semaphore, #tpu.memory_space<semaphore_mem>>) {add = true}
      %dma_wait3A = arith.constant 0 : i32
      %dma_wait3A_41 = arith.constant 0 : i32
      %dma_wait3A_42 = tpu.memref_slice %arg6[%dma_wait3A, %dma_wait3A_41] : memref<80x128xf32, #tpu.memory_space<vmem_shared>> -> memref<80x128xf32, #tpu.memory_space<vmem_shared>>
      tpu.wait_indirect_dma semaphore(%run_scoped3A : memref<!tpu.dma_semaphore, #tpu.memory_space<semaphore_mem>>) src(%arg8 : memref<80x128xf32, #tpu.memory_space<vmem>>) dst(%dma_wait3A_42 : memref<80x128xf32, #tpu.memory_space<vmem_shared>>)
      tpu.yield
    }) : () -> ()
    "tpu.region"() ({
      %run_scoped3A = tpu.sem_alloc : memref<!tpu.dma_semaphore, #tpu.memory_space<semaphore_mem>>
      %dma_start3A = arith.constant 0 : i32
      %dma_start3A_39 = arith.constant 0 : i32
      %dma_start3A_40 = tpu.memref_slice %arg7[%dma_start3A, %dma_start3A_39] : memref<80x128xf32, #tpu.memory_space<vmem_shared>> -> memref<80x128xf32, #tpu.memory_space<vmem_shared>>
      tpu.enqueue_indirect_dma source(%arg9 : memref<80x128xf32, #tpu.memory_space<vmem>>) target(%dma_start3A_40 : memref<80x128xf32, #tpu.memory_space<vmem_shared>>) offsets(%arg12 : memref<80xi32, #tpu.memory_space<vmem>>) semaphore(%run_scoped3A : memref<!tpu.dma_semaphore, #tpu.memory_space<semaphore_mem>>) {add = true}
      %dma_wait3A = arith.constant 0 : i32
      %dma_wait3A_41 = arith.constant 0 : i32
      %dma_wait3A_42 = tpu.memref_slice %arg7[%dma_wait3A, %dma_wait3A_41] : memref<80x128xf32, #tpu.memory_space<vmem_shared>> -> memref<80x128xf32, #tpu.memory_space<vmem_shared>>
      tpu.wait_indirect_dma semaphore(%run_scoped3A : memref<!tpu.dma_semaphore, #tpu.memory_space<semaphore_mem>>) src(%arg9 : memref<80x128xf32, #tpu.memory_space<vmem>>) dst(%dma_wait3A_42 : memref<80x128xf32, #tpu.memory_space<vmem_shared>>)
      tpu.yield
    }) : () -> ()
    %barrier3A_33 = arith.constant 0 : index
    tpu.barrier barrier_id(%barrier3A_33)
    %lt3A_34 = arith.constant 10 : i32
    %lt3A_35 = arith.cmpi slt, %arg1, %lt3A_34 : i32
    %convert_element_type3A_36 = arith.extui %lt3A_35 : i1 to i32
    %cond3A_37 = arith.constant 0 : i32
    %cond3A_38 = arith.cmpi ne, %convert_element_type3A_36, %cond3A_37 : i32
    scf.if %cond3A_38 {
      %mul3A_39 = arith.constant 8 : i32
      %mul3A_40 = arith.muli %arg1, %mul3A_39 : i32
      %mul3A_41 = arith.constant 80 : i32
      %mul3A_42 = arith.muli %arg0, %mul3A_41 : i32
      %mul3A_43 = arith.constant 8 : i32
      %mul3A_44 = arith.muli %arg1, %mul3A_43 : i32
      %add3A_45 = arith.addi %mul3A_42, %mul3A_44 : i32
      "tpu.region"() ({
        %run_scoped3A = tpu.sem_alloc : memref<!tpu.dma_semaphore, #tpu.memory_space<semaphore_mem>>
        %dma_start3A = arith.constant 0 : i32
        %dma_start3A_53 = tpu.memref_slice %arg4[%add3A_45, %dma_start3A] : memref<160x128xf32, #tpu.memory_space<hbm>> -> memref<8x128xf32, #tpu.memory_space<hbm>>
        %dma_start3A_54 = arith.constant 0 : i32
        %dma_start3A_55 = tpu.memref_slice %arg6[%mul3A_40, %dma_start3A_54] : memref<80x128xf32, #tpu.memory_space<vmem_shared>> -> memref<8x128xf32, #tpu.memory_space<vmem_shared>>
        tpu.enqueue_dma source(%dma_start3A_55 : memref<8x128xf32, #tpu.memory_space<vmem_shared>>) target(%dma_start3A_53 : memref<8x128xf32, #tpu.memory_space<hbm>>) target_semaphore(%run_scoped3A : memref<!tpu.dma_semaphore, #tpu.memory_space<semaphore_mem>>)
        %dma_wait3A = arith.constant 0 : i32
        %dma_wait3A_56 = tpu.memref_slice %arg4[%add3A_45, %dma_wait3A] : memref<160x128xf32, #tpu.memory_space<hbm>> -> memref<8x128xf32, #tpu.memory_space<hbm>>
        %dma_wait3A_57 = arith.constant 0 : i32
        %dma_wait3A_58 = tpu.memref_slice %arg6[%mul3A_40, %dma_wait3A_57] : memref<80x128xf32, #tpu.memory_space<vmem_shared>> -> memref<8x128xf32, #tpu.memory_space<vmem_shared>>
        tpu.wait_dma2 semaphore(%run_scoped3A : memref<!tpu.dma_semaphore, #tpu.memory_space<semaphore_mem>>) src(%dma_wait3A_58 : memref<8x128xf32, #tpu.memory_space<vmem_shared>>) dst(%dma_wait3A_56 : memref<8x128xf32, #tpu.memory_space<hbm>>)
        tpu.yield
      }) : () -> ()
      %mul3A_46 = arith.constant 8 : i32
      %mul3A_47 = arith.muli %arg1, %mul3A_46 : i32
      %mul3A_48 = arith.constant 80 : i32
      %mul3A_49 = arith.muli %arg0, %mul3A_48 : i32
      %mul3A_50 = arith.constant 8 : i32
      %mul3A_51 = arith.muli %arg1, %mul3A_50 : i32
      %add3A_52 = arith.addi %mul3A_49, %mul3A_51 : i32
      "tpu.region"() ({
        %run_scoped3A = tpu.sem_alloc : memref<!tpu.dma_semaphore, #tpu.memory_space<semaphore_mem>>
        %dma_start3A = arith.constant 0 : i32
        %dma_start3A_53 = tpu.memref_slice %arg5[%add3A_52, %dma_start3A] : memref<160x128xf32, #tpu.memory_space<hbm>> -> memref<8x128xf32, #tpu.memory_space<hbm>>
        %dma_start3A_54 = arith.constant 0 : i32
        %dma_start3A_55 = tpu.memref_slice %arg7[%mul3A_47, %dma_start3A_54] : memref<80x128xf32, #tpu.memory_space<vmem_shared>> -> memref<8x128xf32, #tpu.memory_space<vmem_shared>>
        tpu.enqueue_dma source(%dma_start3A_55 : memref<8x128xf32, #tpu.memory_space<vmem_shared>>) target(%dma_start3A_53 : memref<8x128xf32, #tpu.memory_space<hbm>>) target_semaphore(%run_scoped3A : memref<!tpu.dma_semaphore, #tpu.memory_space<semaphore_mem>>)
        %dma_wait3A = arith.constant 0 : i32
        %dma_wait3A_56 = tpu.memref_slice %arg5[%add3A_52, %dma_wait3A] : memref<160x128xf32, #tpu.memory_space<hbm>> -> memref<8x128xf32, #tpu.memory_space<hbm>>
        %dma_wait3A_57 = arith.constant 0 : i32
        %dma_wait3A_58 = tpu.memref_slice %arg7[%mul3A_47, %dma_wait3A_57] : memref<80x128xf32, #tpu.memory_space<vmem_shared>> -> memref<8x128xf32, #tpu.memory_space<vmem_shared>>
        tpu.wait_dma2 semaphore(%run_scoped3A : memref<!tpu.dma_semaphore, #tpu.memory_space<semaphore_mem>>) src(%dma_wait3A_58 : memref<8x128xf32, #tpu.memory_space<vmem_shared>>) dst(%dma_wait3A_56 : memref<8x128xf32, #tpu.memory_space<hbm>>)
        tpu.yield
      }) : () -> ()
    } else {
    }
    return
  }
}

#map = affine_map<(d0, d1) -> (0, 0)>
module attributes {stable_mosaic.version = 14 : i64} {
  func.func @_agg_body(%arg0: i32, %arg1: i32, %arg2: memref<10240x128xf32, #tpu.memory_space<hbm>>, %arg3: memref<2560x128xi32, #tpu.memory_space<hbm>>, %arg4: memref<2560x128xi32, #tpu.memory_space<hbm>>, %arg5: memref<20480x128xf32, #tpu.memory_space<hbm>>, %arg6: memref<10240x128xf32, #tpu.memory_space<vmem_shared>>, %arg7: memref<40x128xi32, #tpu.memory_space<vmem>>, %arg8: memref<40x128xi32, #tpu.memory_space<vmem>>, %arg9: memref<128x128xf32, #tpu.memory_space<vmem>>, %arg10: memref<128x128xf32, #tpu.memory_space<vmem>>, %arg11: memref<!tpu.dma_semaphore, #tpu.memory_space<semaphore_mem>>, %arg12: memref<!tpu.dma_semaphore, #tpu.memory_space<semaphore_mem>>) attributes {dimension_semantics = [#tpu.dimension_semantics<core_parallel>, #tpu.dimension_semantics<subcore_parallel>], iteration_bounds = array<i64: 2, 16>, scalar_prefetch = 0 : i64, scratch_operands = 7 : i64, tpu.core_type = #tpu.core_type<sc_vector_subcore>, window_params = [{transform_indices = #map}, {transform_indices = #map}, {transform_indices = #map}, {transform_indices = #map}]} {
    %mul3A = arith.constant 16 : i32
    %mul3A_0 = arith.muli %arg0, %mul3A : i32
    %add3A = arith.addi %mul3A_0, %arg1 : i32
    %mul3A_1 = arith.constant 80 : i32
    %mul3A_2 = arith.muli %add3A, %mul3A_1 : i32
    %dma_start3A = arith.constant 0 : i32
    %dma_start3A_3 = tpu.memref_slice %arg3[%mul3A_2, %dma_start3A] : memref<2560x128xi32, #tpu.memory_space<hbm>> -> memref<40x128xi32, #tpu.memory_space<hbm>>
    %dma_start3A_4 = arith.constant 0 : i32
    %dma_start3A_5 = tpu.memref_slice %arg3[%mul3A_2, %dma_start3A_4] : memref<2560x128xi32, #tpu.memory_space<hbm>> -> memref<40x128xi32, #tpu.memory_space<hbm>>
    tpu.enqueue_dma source(%dma_start3A_5 : memref<40x128xi32, #tpu.memory_space<hbm>>) target(%arg7 : memref<40x128xi32, #tpu.memory_space<vmem>>) target_semaphore(%arg11 : memref<!tpu.dma_semaphore, #tpu.memory_space<semaphore_mem>>)
    %dma_start3A_6 = arith.constant 0 : i32
    %dma_start3A_7 = tpu.memref_slice %arg4[%mul3A_2, %dma_start3A_6] : memref<2560x128xi32, #tpu.memory_space<hbm>> -> memref<40x128xi32, #tpu.memory_space<hbm>>
    %dma_start3A_8 = arith.constant 0 : i32
    %dma_start3A_9 = tpu.memref_slice %arg4[%mul3A_2, %dma_start3A_8] : memref<2560x128xi32, #tpu.memory_space<hbm>> -> memref<40x128xi32, #tpu.memory_space<hbm>>
    tpu.enqueue_dma source(%dma_start3A_9 : memref<40x128xi32, #tpu.memory_space<hbm>>) target(%arg8 : memref<40x128xi32, #tpu.memory_space<vmem>>) target_semaphore(%arg12 : memref<!tpu.dma_semaphore, #tpu.memory_space<semaphore_mem>>)
    %scan3A = arith.constant 0 : i32
    %scan3A_10 = arith.constant 0 : i32
    %scan3A_11 = arith.constant 128 : i32
    %scan3A_12 = arith.addi %scan3A_10, %scan3A_11 : i32
    %scan3A_13 = arith.constant 1 : i32
    %scan3A_14 = scf.for %scan3A_87 = %scan3A_10 to %scan3A_12 step %scan3A_13 iter_args(%scan3A_88 = %scan3A) -> (i32)  : i32 {
      %scan3A_89 = arith.constant 0 : i32
      %scan3A_90 = arith.constant 0 : i32
      %scan3A_91 = arith.constant 8 : i32
      %scan3A_92 = arith.addi %scan3A_90, %scan3A_91 : i32
      %scan3A_93 = arith.constant 1 : i32
      %scan3A_94 = scf.for %scan3A_96 = %scan3A_90 to %scan3A_92 step %scan3A_93 iter_args(%scan3A_97 = %scan3A_89) -> (i32)  : i32 {
        %broadcast_in_dim3A = arith.constant 0.000000e+00 : f32
        %broadcast_in_dim3A_98 = vector.broadcast %broadcast_in_dim3A : f32 to vector<16xf32>
        %mul3A_99 = arith.constant 16 : i32
        %mul3A_100 = arith.muli %scan3A_96, %mul3A_99 : i32
        %swap3A = arith.index_cast %scan3A_87 : i32 to index
        %swap3A_101 = arith.index_cast %mul3A_100 : i32 to index
        %swap3A_102 = tpu.vector_load %arg10[%swap3A, %swap3A_101] {strides = array<i32>} : memref<128x128xf32, #tpu.memory_space<vmem>>, vector<1x16xf32>,
        %swap3A_103 = vector.shape_cast %swap3A_102 : vector<1x16xf32> to vector<16xf32>
        %swap3A_104 = vector.shape_cast %broadcast_in_dim3A_98 : vector<16xf32> to vector<1x16xf32>
        tpu.vector_store %arg10[%swap3A, %swap3A_101], %swap3A_104 {strides = array<i32>} : memref<128x128xf32, #tpu.memory_space<vmem>>, vector<1x16xf32>,
        %scan3A_105 = arith.constant 0 : i32
        scf.yield %scan3A_105 : i32
      }
      %scan3A_95 = arith.constant 8 : i32
      scf.yield %scan3A_94 : i32
    }
    %scan3A_15 = arith.constant 128 : i32
    %scan3A_16 = arith.constant 0 : i32
    %scan3A_17 = arith.constant 0 : i32
    %scan3A_18 = arith.constant 5 : i32
    %scan3A_19 = arith.addi %scan3A_17, %scan3A_18 : i32
    %scan3A_20 = arith.constant 1 : i32
    %scan3A_21 = scf.for %scan3A_87 = %scan3A_17 to %scan3A_19 step %scan3A_20 iter_args(%scan3A_88 = %scan3A_16) -> (i32)  : i32 {
      %mul3A_89 = arith.constant 640 : i32
      %mul3A_90 = arith.muli %arg1, %mul3A_89 : i32
      %mul3A_91 = arith.constant 128 : i32
      %mul3A_92 = arith.muli %scan3A_87, %mul3A_91 : i32
      %add3A_93 = arith.addi %mul3A_90, %mul3A_92 : i32
      "tpu.region"() ({
        %run_scoped3A = tpu.sem_alloc : memref<!tpu.dma_semaphore, #tpu.memory_space<semaphore_mem>>
        %dma_start3A_95 = arith.constant 0 : i32
        %dma_start3A_96 = tpu.memref_slice %arg6[%add3A_93, %dma_start3A_95] : memref<10240x128xf32, #tpu.memory_space<vmem_shared>> -> memref<128x128xf32, #tpu.memory_space<vmem_shared>>
        %dma_start3A_97 = arith.constant 0 : i32
        %dma_start3A_98 = tpu.memref_slice %arg6[%add3A_93, %dma_start3A_97] : memref<10240x128xf32, #tpu.memory_space<vmem_shared>> -> memref<128x128xf32, #tpu.memory_space<vmem_shared>>
        tpu.enqueue_dma source(%arg10 : memref<128x128xf32, #tpu.memory_space<vmem>>) target(%dma_start3A_98 : memref<128x128xf32, #tpu.memory_space<vmem_shared>>) target_semaphore(%run_scoped3A : memref<!tpu.dma_semaphore, #tpu.memory_space<semaphore_mem>>)
        %dma_wait3A_99 = arith.constant 0 : i32
        %dma_wait3A_100 = tpu.memref_slice %arg6[%add3A_93, %dma_wait3A_99] : memref<10240x128xf32, #tpu.memory_space<vmem_shared>> -> memref<128x128xf32, #tpu.memory_space<vmem_shared>>
        %dma_wait3A_101 = arith.constant 0 : i32
        %dma_wait3A_102 = tpu.memref_slice %arg6[%add3A_93, %dma_wait3A_101] : memref<10240x128xf32, #tpu.memory_space<vmem_shared>> -> memref<128x128xf32, #tpu.memory_space<vmem_shared>>
        tpu.wait_dma2 semaphore(%run_scoped3A : memref<!tpu.dma_semaphore, #tpu.memory_space<semaphore_mem>>) src(%arg10 : memref<128x128xf32, #tpu.memory_space<vmem>>) dst(%dma_wait3A_102 : memref<128x128xf32, #tpu.memory_space<vmem_shared>>)
        tpu.yield
      }) : () -> ()
      %scan3A_94 = arith.constant 0 : i32
      scf.yield %scan3A_94 : i32
    }
    %scan3A_22 = arith.constant 5 : i32
    %dma_wait3A = arith.constant 0 : i32
    %dma_wait3A_23 = tpu.memref_slice %arg3[%mul3A_2, %dma_wait3A] : memref<2560x128xi32, #tpu.memory_space<hbm>> -> memref<40x128xi32, #tpu.memory_space<hbm>>
    %dma_wait3A_24 = arith.constant 0 : i32
    %dma_wait3A_25 = tpu.memref_slice %arg3[%mul3A_2, %dma_wait3A_24] : memref<2560x128xi32, #tpu.memory_space<hbm>> -> memref<40x128xi32, #tpu.memory_space<hbm>>
    tpu.wait_dma2 semaphore(%arg11 : memref<!tpu.dma_semaphore, #tpu.memory_space<semaphore_mem>>) src(%dma_wait3A_25 : memref<40x128xi32, #tpu.memory_space<hbm>>) dst(%arg7 : memref<40x128xi32, #tpu.memory_space<vmem>>)
    %dma_wait3A_26 = arith.constant 0 : i32
    %dma_wait3A_27 = tpu.memref_slice %arg4[%mul3A_2, %dma_wait3A_26] : memref<2560x128xi32, #tpu.memory_space<hbm>> -> memref<40x128xi32, #tpu.memory_space<hbm>>
    %dma_wait3A_28 = arith.constant 0 : i32
    %dma_wait3A_29 = tpu.memref_slice %arg4[%mul3A_2, %dma_wait3A_28] : memref<2560x128xi32, #tpu.memory_space<hbm>> -> memref<40x128xi32, #tpu.memory_space<hbm>>
    tpu.wait_dma2 semaphore(%arg12 : memref<!tpu.dma_semaphore, #tpu.memory_space<semaphore_mem>>) src(%dma_wait3A_29 : memref<40x128xi32, #tpu.memory_space<hbm>>) dst(%arg8 : memref<40x128xi32, #tpu.memory_space<vmem>>)
    %min3A = arith.constant 0 : i32
    %min3A_30 = arith.constant 39 : i32
    %min3A_31 = arith.minsi %min3A, %min3A_30 : i32
    %dma_start3A_32 = arith.constant 0 : i32
    %dma_start3A_33 = tpu.memref_slice %arg7[%min3A_31, %dma_start3A_32] : memref<40x128xi32, #tpu.memory_space<vmem>> -> memref<1x128xi32, #tpu.memory_space<vmem>>
    %dma_start3A_34 = tpu.memref_squeeze %dma_start3A_33 : memref<1x128xi32, #tpu.memory_space<vmem>> -> memref<128xi32, #tpu.memory_space<vmem>>
    %dma_start3A_35 = arith.constant 0 : i32
    %dma_start3A_36 = arith.constant 0 : i32
    %dma_start3A_37 = tpu.memref_slice %arg2[%dma_start3A_35, %dma_start3A_36] : memref<10240x128xf32, #tpu.memory_space<hbm>> -> memref<10240x128xf32, #tpu.memory_space<hbm>>
    tpu.enqueue_indirect_dma source(%dma_start3A_37 : memref<10240x128xf32, #tpu.memory_space<hbm>>) target(%arg9 : memref<128x128xf32, #tpu.memory_space<vmem>>) offsets(%dma_start3A_34 : memref<128xi32, #tpu.memory_space<vmem>>) semaphore(%arg11 : memref<!tpu.dma_semaphore, #tpu.memory_space<semaphore_mem>>)
    %barrier3A = arith.constant 0 : index
    tpu.barrier barrier_id(%barrier3A)
    %scan3A_38 = arith.constant 0 : i32
    %scan3A_39 = arith.constant 0 : i32
    %scan3A_40 = arith.constant 20 : i32
    %scan3A_41 = arith.addi %scan3A_39, %scan3A_40 : i32
    %scan3A_42 = arith.constant 1 : i32
    %scan3A_43 = scf.for %scan3A_87 = %scan3A_39 to %scan3A_41 step %scan3A_42 iter_args(%scan3A_88 = %scan3A_38) -> (i32)  : i32 {
      %mul3A_89 = arith.constant 2 : i32
      %mul3A_90 = arith.muli %mul3A_89, %scan3A_87 : i32
      %dma_wait3A_91 = arith.constant 0 : i32
      %dma_wait3A_92 = arith.constant 0 : i32
      %dma_wait3A_93 = tpu.memref_slice %arg7[%dma_wait3A_91, %dma_wait3A_92] : memref<40x128xi32, #tpu.memory_space<vmem>> -> memref<1x128xi32, #tpu.memory_space<vmem>>
      %dma_wait3A_94 = tpu.memref_squeeze %dma_wait3A_93 : memref<1x128xi32, #tpu.memory_space<vmem>> -> memref<128xi32, #tpu.memory_space<vmem>>
      %dma_wait3A_95 = arith.constant 0 : i32
      %dma_wait3A_96 = arith.constant 0 : i32
      %dma_wait3A_97 = tpu.memref_slice %arg2[%dma_wait3A_95, %dma_wait3A_96] : memref<10240x128xf32, #tpu.memory_space<hbm>> -> memref<10240x128xf32, #tpu.memory_space<hbm>>
      tpu.wait_indirect_dma semaphore(%arg11 : memref<!tpu.dma_semaphore, #tpu.memory_space<semaphore_mem>>) src(%dma_wait3A_97 : memref<10240x128xf32, #tpu.memory_space<hbm>>) dst(%arg9 : memref<128x128xf32, #tpu.memory_space<vmem>>)
      %add3A_98 = arith.constant 1 : i32
      %add3A_99 = arith.addi %mul3A_90, %add3A_98 : i32
      %min3A_100 = arith.constant 39 : i32
      %min3A_101 = arith.minsi %add3A_99, %min3A_100 : i32
      %dma_start3A_102 = arith.constant 0 : i32
      %dma_start3A_103 = tpu.memref_slice %arg7[%min3A_101, %dma_start3A_102] : memref<40x128xi32, #tpu.memory_space<vmem>> -> memref<1x128xi32, #tpu.memory_space<vmem>>
      %dma_start3A_104 = tpu.memref_squeeze %dma_start3A_103 : memref<1x128xi32, #tpu.memory_space<vmem>> -> memref<128xi32, #tpu.memory_space<vmem>>
      %dma_start3A_105 = arith.constant 0 : i32
      %dma_start3A_106 = arith.constant 0 : i32
      %dma_start3A_107 = tpu.memref_slice %arg2[%dma_start3A_105, %dma_start3A_106] : memref<10240x128xf32, #tpu.memory_space<hbm>> -> memref<10240x128xf32, #tpu.memory_space<hbm>>
      tpu.enqueue_indirect_dma source(%dma_start3A_107 : memref<10240x128xf32, #tpu.memory_space<hbm>>) target(%arg10 : memref<128x128xf32, #tpu.memory_space<vmem>>) offsets(%dma_start3A_104 : memref<128xi32, #tpu.memory_space<vmem>>) semaphore(%arg12 : memref<!tpu.dma_semaphore, #tpu.memory_space<semaphore_mem>>)
      "tpu.region"() ({
        %run_scoped3A = tpu.sem_alloc : memref<!tpu.dma_semaphore, #tpu.memory_space<semaphore_mem>>
        %dma_start3A_128 = arith.constant 0 : i32
        %dma_start3A_129 = tpu.memref_slice %arg8[%mul3A_90, %dma_start3A_128] : memref<40x128xi32, #tpu.memory_space<vmem>> -> memref<1x128xi32, #tpu.memory_space<vmem>>
        %dma_start3A_130 = tpu.memref_squeeze %dma_start3A_129 : memref<1x128xi32, #tpu.memory_space<vmem>> -> memref<128xi32, #tpu.memory_space<vmem>>
        %dma_start3A_131 = arith.constant 0 : i32
        %dma_start3A_132 = arith.constant 0 : i32
        %dma_start3A_133 = tpu.memref_slice %arg6[%dma_start3A_131, %dma_start3A_132] : memref<10240x128xf32, #tpu.memory_space<vmem_shared>> -> memref<10240x128xf32, #tpu.memory_space<vmem_shared>>
        tpu.enqueue_indirect_dma source(%arg9 : memref<128x128xf32, #tpu.memory_space<vmem>>) target(%dma_start3A_133 : memref<10240x128xf32, #tpu.memory_space<vmem_shared>>) offsets(%dma_start3A_130 : memref<128xi32, #tpu.memory_space<vmem>>) semaphore(%run_scoped3A : memref<!tpu.dma_semaphore, #tpu.memory_space<semaphore_mem>>) {add = true}
        %dma_wait3A_134 = arith.constant 0 : i32
        %dma_wait3A_135 = tpu.memref_slice %arg8[%mul3A_90, %dma_wait3A_134] : memref<40x128xi32, #tpu.memory_space<vmem>> -> memref<1x128xi32, #tpu.memory_space<vmem>>
        %dma_wait3A_136 = tpu.memref_squeeze %dma_wait3A_135 : memref<1x128xi32, #tpu.memory_space<vmem>> -> memref<128xi32, #tpu.memory_space<vmem>>
        %dma_wait3A_137 = arith.constant 0 : i32
        %dma_wait3A_138 = arith.constant 0 : i32
        %dma_wait3A_139 = tpu.memref_slice %arg6[%dma_wait3A_137, %dma_wait3A_138] : memref<10240x128xf32, #tpu.memory_space<vmem_shared>> -> memref<10240x128xf32, #tpu.memory_space<vmem_shared>>
        tpu.wait_indirect_dma semaphore(%run_scoped3A : memref<!tpu.dma_semaphore, #tpu.memory_space<semaphore_mem>>) src(%arg9 : memref<128x128xf32, #tpu.memory_space<vmem>>) dst(%dma_wait3A_139 : memref<10240x128xf32, #tpu.memory_space<vmem_shared>>)
        tpu.yield
      }) : () -> ()
      %dma_wait3A_108 = arith.constant 0 : i32
      %dma_wait3A_109 = arith.constant 0 : i32
      %dma_wait3A_110 = tpu.memref_slice %arg7[%dma_wait3A_108, %dma_wait3A_109] : memref<40x128xi32, #tpu.memory_space<vmem>> -> memref<1x128xi32, #tpu.memory_space<vmem>>
      %dma_wait3A_111 = tpu.memref_squeeze %dma_wait3A_110 : memref<1x128xi32, #tpu.memory_space<vmem>> -> memref<128xi32, #tpu.memory_space<vmem>>
      %dma_wait3A_112 = arith.constant 0 : i32
      %dma_wait3A_113 = arith.constant 0 : i32
      %dma_wait3A_114 = tpu.memref_slice %arg2[%dma_wait3A_112, %dma_wait3A_113] : memref<10240x128xf32, #tpu.memory_space<hbm>> -> memref<10240x128xf32, #tpu.memory_space<hbm>>
      tpu.wait_indirect_dma semaphore(%arg12 : memref<!tpu.dma_semaphore, #tpu.memory_space<semaphore_mem>>) src(%dma_wait3A_114 : memref<10240x128xf32, #tpu.memory_space<hbm>>) dst(%arg10 : memref<128x128xf32, #tpu.memory_space<vmem>>)
      %add3A_115 = arith.constant 2 : i32
      %add3A_116 = arith.addi %mul3A_90, %add3A_115 : i32
      %min3A_117 = arith.constant 39 : i32
      %min3A_118 = arith.minsi %add3A_116, %min3A_117 : i32
      %dma_start3A_119 = arith.constant 0 : i32
      %dma_start3A_120 = tpu.memref_slice %arg7[%min3A_118, %dma_start3A_119] : memref<40x128xi32, #tpu.memory_space<vmem>> -> memref<1x128xi32, #tpu.memory_space<vmem>>
      %dma_start3A_121 = tpu.memref_squeeze %dma_start3A_120 : memref<1x128xi32, #tpu.memory_space<vmem>> -> memref<128xi32, #tpu.memory_space<vmem>>
      %dma_start3A_122 = arith.constant 0 : i32
      %dma_start3A_123 = arith.constant 0 : i32
      %dma_start3A_124 = tpu.memref_slice %arg2[%dma_start3A_122, %dma_start3A_123] : memref<10240x128xf32, #tpu.memory_space<hbm>> -> memref<10240x128xf32, #tpu.memory_space<hbm>>
      tpu.enqueue_indirect_dma source(%dma_start3A_124 : memref<10240x128xf32, #tpu.memory_space<hbm>>) target(%arg9 : memref<128x128xf32, #tpu.memory_space<vmem>>) offsets(%dma_start3A_121 : memref<128xi32, #tpu.memory_space<vmem>>) semaphore(%arg11 : memref<!tpu.dma_semaphore, #tpu.memory_space<semaphore_mem>>)
      %add3A_125 = arith.constant 1 : i32
      %add3A_126 = arith.addi %mul3A_90, %add3A_125 : i32
      "tpu.region"() ({
        %run_scoped3A = tpu.sem_alloc : memref<!tpu.dma_semaphore, #tpu.memory_space<semaphore_mem>>
        %dma_start3A_128 = arith.constant 0 : i32
        %dma_start3A_129 = tpu.memref_slice %arg8[%add3A_126, %dma_start3A_128] : memref<40x128xi32, #tpu.memory_space<vmem>> -> memref<1x128xi32, #tpu.memory_space<vmem>>
        %dma_start3A_130 = tpu.memref_squeeze %dma_start3A_129 : memref<1x128xi32, #tpu.memory_space<vmem>> -> memref<128xi32, #tpu.memory_space<vmem>>
        %dma_start3A_131 = arith.constant 0 : i32
        %dma_start3A_132 = arith.constant 0 : i32
        %dma_start3A_133 = tpu.memref_slice %arg6[%dma_start3A_131, %dma_start3A_132] : memref<10240x128xf32, #tpu.memory_space<vmem_shared>> -> memref<10240x128xf32, #tpu.memory_space<vmem_shared>>
        tpu.enqueue_indirect_dma source(%arg10 : memref<128x128xf32, #tpu.memory_space<vmem>>) target(%dma_start3A_133 : memref<10240x128xf32, #tpu.memory_space<vmem_shared>>) offsets(%dma_start3A_130 : memref<128xi32, #tpu.memory_space<vmem>>) semaphore(%run_scoped3A : memref<!tpu.dma_semaphore, #tpu.memory_space<semaphore_mem>>) {add = true}
        %dma_wait3A_134 = arith.constant 0 : i32
        %dma_wait3A_135 = tpu.memref_slice %arg8[%add3A_126, %dma_wait3A_134] : memref<40x128xi32, #tpu.memory_space<vmem>> -> memref<1x128xi32, #tpu.memory_space<vmem>>
        %dma_wait3A_136 = tpu.memref_squeeze %dma_wait3A_135 : memref<1x128xi32, #tpu.memory_space<vmem>> -> memref<128xi32, #tpu.memory_space<vmem>>
        %dma_wait3A_137 = arith.constant 0 : i32
        %dma_wait3A_138 = arith.constant 0 : i32
        %dma_wait3A_139 = tpu.memref_slice %arg6[%dma_wait3A_137, %dma_wait3A_138] : memref<10240x128xf32, #tpu.memory_space<vmem_shared>> -> memref<10240x128xf32, #tpu.memory_space<vmem_shared>>
        tpu.wait_indirect_dma semaphore(%run_scoped3A : memref<!tpu.dma_semaphore, #tpu.memory_space<semaphore_mem>>) src(%arg10 : memref<128x128xf32, #tpu.memory_space<vmem>>) dst(%dma_wait3A_139 : memref<10240x128xf32, #tpu.memory_space<vmem_shared>>)
        tpu.yield
      }) : () -> ()
      %scan3A_127 = arith.constant 0 : i32
      scf.yield %scan3A_127 : i32
    }
    %scan3A_44 = arith.constant 20 : i32
    %dma_wait3A_45 = arith.constant 0 : i32
    %dma_wait3A_46 = arith.constant 0 : i32
    %dma_wait3A_47 = tpu.memref_slice %arg7[%dma_wait3A_45, %dma_wait3A_46] : memref<40x128xi32, #tpu.memory_space<vmem>> -> memref<1x128xi32, #tpu.memory_space<vmem>>
    %dma_wait3A_48 = tpu.memref_squeeze %dma_wait3A_47 : memref<1x128xi32, #tpu.memory_space<vmem>> -> memref<128xi32, #tpu.memory_space<vmem>>
    %dma_wait3A_49 = arith.constant 0 : i32
    %dma_wait3A_50 = arith.constant 0 : i32
    %dma_wait3A_51 = tpu.memref_slice %arg2[%dma_wait3A_49, %dma_wait3A_50] : memref<10240x128xf32, #tpu.memory_space<hbm>> -> memref<10240x128xf32, #tpu.memory_space<hbm>>
    tpu.wait_indirect_dma semaphore(%arg11 : memref<!tpu.dma_semaphore, #tpu.memory_space<semaphore_mem>>) src(%dma_wait3A_51 : memref<10240x128xf32, #tpu.memory_space<hbm>>) dst(%arg9 : memref<128x128xf32, #tpu.memory_space<vmem>>)
    %add3A_52 = arith.constant 40 : i32
    %add3A_53 = arith.addi %mul3A_2, %add3A_52 : i32
    "tpu.region"() ({
      %run_scoped3A = tpu.sem_alloc : memref<!tpu.dma_semaphore, #tpu.memory_space<semaphore_mem>>
      %dma_start3A_87 = arith.constant 0 : i32
      %dma_start3A_88 = tpu.memref_slice %arg3[%add3A_53, %dma_start3A_87] : memref<2560x128xi32, #tpu.memory_space<hbm>> -> memref<40x128xi32, #tpu.memory_space<hbm>>
      %dma_start3A_89 = arith.constant 0 : i32
      %dma_start3A_90 = tpu.memref_slice %arg3[%add3A_53, %dma_start3A_89] : memref<2560x128xi32, #tpu.memory_space<hbm>> -> memref<40x128xi32, #tpu.memory_space<hbm>>
      tpu.enqueue_dma source(%dma_start3A_90 : memref<40x128xi32, #tpu.memory_space<hbm>>) target(%arg7 : memref<40x128xi32, #tpu.memory_space<vmem>>) target_semaphore(%run_scoped3A : memref<!tpu.dma_semaphore, #tpu.memory_space<semaphore_mem>>)
      %dma_wait3A_91 = arith.constant 0 : i32
      %dma_wait3A_92 = tpu.memref_slice %arg3[%add3A_53, %dma_wait3A_91] : memref<2560x128xi32, #tpu.memory_space<hbm>> -> memref<40x128xi32, #tpu.memory_space<hbm>>
      %dma_wait3A_93 = arith.constant 0 : i32
      %dma_wait3A_94 = tpu.memref_slice %arg3[%add3A_53, %dma_wait3A_93] : memref<2560x128xi32, #tpu.memory_space<hbm>> -> memref<40x128xi32, #tpu.memory_space<hbm>>
      tpu.wait_dma2 semaphore(%run_scoped3A : memref<!tpu.dma_semaphore, #tpu.memory_space<semaphore_mem>>) src(%dma_wait3A_94 : memref<40x128xi32, #tpu.memory_space<hbm>>) dst(%arg7 : memref<40x128xi32, #tpu.memory_space<vmem>>)
      tpu.yield
    }) : () -> ()
    %add3A_54 = arith.constant 40 : i32
    %add3A_55 = arith.addi %mul3A_2, %add3A_54 : i32
    "tpu.region"() ({
      %run_scoped3A = tpu.sem_alloc : memref<!tpu.dma_semaphore, #tpu.memory_space<semaphore_mem>>
      %dma_start3A_87 = arith.constant 0 : i32
      %dma_start3A_88 = tpu.memref_slice %arg4[%add3A_55, %dma_start3A_87] : memref<2560x128xi32, #tpu.memory_space<hbm>> -> memref<40x128xi32, #tpu.memory_space<hbm>>
      %dma_start3A_89 = arith.constant 0 : i32
      %dma_start3A_90 = tpu.memref_slice %arg4[%add3A_55, %dma_start3A_89] : memref<2560x128xi32, #tpu.memory_space<hbm>> -> memref<40x128xi32, #tpu.memory_space<hbm>>
      tpu.enqueue_dma source(%dma_start3A_90 : memref<40x128xi32, #tpu.memory_space<hbm>>) target(%arg8 : memref<40x128xi32, #tpu.memory_space<vmem>>) target_semaphore(%run_scoped3A : memref<!tpu.dma_semaphore, #tpu.memory_space<semaphore_mem>>)
      %dma_wait3A_91 = arith.constant 0 : i32
      %dma_wait3A_92 = tpu.memref_slice %arg4[%add3A_55, %dma_wait3A_91] : memref<2560x128xi32, #tpu.memory_space<hbm>> -> memref<40x128xi32, #tpu.memory_space<hbm>>
      %dma_wait3A_93 = arith.constant 0 : i32
      %dma_wait3A_94 = tpu.memref_slice %arg4[%add3A_55, %dma_wait3A_93] : memref<2560x128xi32, #tpu.memory_space<hbm>> -> memref<40x128xi32, #tpu.memory_space<hbm>>
      tpu.wait_dma2 semaphore(%run_scoped3A : memref<!tpu.dma_semaphore, #tpu.memory_space<semaphore_mem>>) src(%dma_wait3A_94 : memref<40x128xi32, #tpu.memory_space<hbm>>) dst(%arg8 : memref<40x128xi32, #tpu.memory_space<vmem>>)
      tpu.yield
    }) : () -> ()
    %min3A_56 = arith.constant 0 : i32
    %min3A_57 = arith.constant 39 : i32
    %min3A_58 = arith.minsi %min3A_56, %min3A_57 : i32
    %dma_start3A_59 = arith.constant 0 : i32
    %dma_start3A_60 = tpu.memref_slice %arg7[%min3A_58, %dma_start3A_59] : memref<40x128xi32, #tpu.memory_space<vmem>> -> memref<1x128xi32, #tpu.memory_space<vmem>>
    %dma_start3A_61 = tpu.memref_squeeze %dma_start3A_60 : memref<1x128xi32, #tpu.memory_space<vmem>> -> memref<128xi32, #tpu.memory_space<vmem>>
    %dma_start3A_62 = arith.constant 0 : i32
    %dma_start3A_63 = arith.constant 0 : i32
    %dma_start3A_64 = tpu.memref_slice %arg2[%dma_start3A_62, %dma_start3A_63] : memref<10240x128xf32, #tpu.memory_space<hbm>> -> memref<10240x128xf32, #tpu.memory_space<hbm>>
    tpu.enqueue_indirect_dma source(%dma_start3A_64 : memref<10240x128xf32, #tpu.memory_space<hbm>>) target(%arg9 : memref<128x128xf32, #tpu.memory_space<vmem>>) offsets(%dma_start3A_61 : memref<128xi32, #tpu.memory_space<vmem>>) semaphore(%arg11 : memref<!tpu.dma_semaphore, #tpu.memory_space<semaphore_mem>>)
    %scan3A_65 = arith.constant 0 : i32
    %scan3A_66 = arith.constant 0 : i32
    %scan3A_67 = arith.constant 20 : i32
    %scan3A_68 = arith.addi %scan3A_66, %scan3A_67 : i32
    %scan3A_69 = arith.constant 1 : i32
    %scan3A_70 = scf.for %scan3A_87 = %scan3A_66 to %scan3A_68 step %scan3A_69 iter_args(%scan3A_88 = %scan3A_65) -> (i32)  : i32 {
      %mul3A_89 = arith.constant 2 : i32
      %mul3A_90 = arith.muli %mul3A_89, %scan3A_87 : i32
      %dma_wait3A_91 = arith.constant 0 : i32
      %dma_wait3A_92 = arith.constant 0 : i32
      %dma_wait3A_93 = tpu.memref_slice %arg7[%dma_wait3A_91, %dma_wait3A_92] : memref<40x128xi32, #tpu.memory_space<vmem>> -> memref<1x128xi32, #tpu.memory_space<vmem>>
      %dma_wait3A_94 = tpu.memref_squeeze %dma_wait3A_93 : memref<1x128xi32, #tpu.memory_space<vmem>> -> memref<128xi32, #tpu.memory_space<vmem>>
      %dma_wait3A_95 = arith.constant 0 : i32
      %dma_wait3A_96 = arith.constant 0 : i32
      %dma_wait3A_97 = tpu.memref_slice %arg2[%dma_wait3A_95, %dma_wait3A_96] : memref<10240x128xf32, #tpu.memory_space<hbm>> -> memref<10240x128xf32, #tpu.memory_space<hbm>>
      tpu.wait_indirect_dma semaphore(%arg11 : memref<!tpu.dma_semaphore, #tpu.memory_space<semaphore_mem>>) src(%dma_wait3A_97 : memref<10240x128xf32, #tpu.memory_space<hbm>>) dst(%arg9 : memref<128x128xf32, #tpu.memory_space<vmem>>)
      %add3A_98 = arith.constant 1 : i32
      %add3A_99 = arith.addi %mul3A_90, %add3A_98 : i32
      %min3A_100 = arith.constant 39 : i32
      %min3A_101 = arith.minsi %add3A_99, %min3A_100 : i32
      %dma_start3A_102 = arith.constant 0 : i32
      %dma_start3A_103 = tpu.memref_slice %arg7[%min3A_101, %dma_start3A_102] : memref<40x128xi32, #tpu.memory_space<vmem>> -> memref<1x128xi32, #tpu.memory_space<vmem>>
      %dma_start3A_104 = tpu.memref_squeeze %dma_start3A_103 : memref<1x128xi32, #tpu.memory_space<vmem>> -> memref<128xi32, #tpu.memory_space<vmem>>
      %dma_start3A_105 = arith.constant 0 : i32
      %dma_start3A_106 = arith.constant 0 : i32
      %dma_start3A_107 = tpu.memref_slice %arg2[%dma_start3A_105, %dma_start3A_106] : memref<10240x128xf32, #tpu.memory_space<hbm>> -> memref<10240x128xf32, #tpu.memory_space<hbm>>
      tpu.enqueue_indirect_dma source(%dma_start3A_107 : memref<10240x128xf32, #tpu.memory_space<hbm>>) target(%arg10 : memref<128x128xf32, #tpu.memory_space<vmem>>) offsets(%dma_start3A_104 : memref<128xi32, #tpu.memory_space<vmem>>) semaphore(%arg12 : memref<!tpu.dma_semaphore, #tpu.memory_space<semaphore_mem>>)
      "tpu.region"() ({
        %run_scoped3A = tpu.sem_alloc : memref<!tpu.dma_semaphore, #tpu.memory_space<semaphore_mem>>
        %dma_start3A_128 = arith.constant 0 : i32
        %dma_start3A_129 = tpu.memref_slice %arg8[%mul3A_90, %dma_start3A_128] : memref<40x128xi32, #tpu.memory_space<vmem>> -> memref<1x128xi32, #tpu.memory_space<vmem>>
        %dma_start3A_130 = tpu.memref_squeeze %dma_start3A_129 : memref<1x128xi32, #tpu.memory_space<vmem>> -> memref<128xi32, #tpu.memory_space<vmem>>
        %dma_start3A_131 = arith.constant 0 : i32
        %dma_start3A_132 = arith.constant 0 : i32
        %dma_start3A_133 = tpu.memref_slice %arg6[%dma_start3A_131, %dma_start3A_132] : memref<10240x128xf32, #tpu.memory_space<vmem_shared>> -> memref<10240x128xf32, #tpu.memory_space<vmem_shared>>
        tpu.enqueue_indirect_dma source(%arg9 : memref<128x128xf32, #tpu.memory_space<vmem>>) target(%dma_start3A_133 : memref<10240x128xf32, #tpu.memory_space<vmem_shared>>) offsets(%dma_start3A_130 : memref<128xi32, #tpu.memory_space<vmem>>) semaphore(%run_scoped3A : memref<!tpu.dma_semaphore, #tpu.memory_space<semaphore_mem>>) {add = true}
        %dma_wait3A_134 = arith.constant 0 : i32
        %dma_wait3A_135 = tpu.memref_slice %arg8[%mul3A_90, %dma_wait3A_134] : memref<40x128xi32, #tpu.memory_space<vmem>> -> memref<1x128xi32, #tpu.memory_space<vmem>>
        %dma_wait3A_136 = tpu.memref_squeeze %dma_wait3A_135 : memref<1x128xi32, #tpu.memory_space<vmem>> -> memref<128xi32, #tpu.memory_space<vmem>>
        %dma_wait3A_137 = arith.constant 0 : i32
        %dma_wait3A_138 = arith.constant 0 : i32
        %dma_wait3A_139 = tpu.memref_slice %arg6[%dma_wait3A_137, %dma_wait3A_138] : memref<10240x128xf32, #tpu.memory_space<vmem_shared>> -> memref<10240x128xf32, #tpu.memory_space<vmem_shared>>
        tpu.wait_indirect_dma semaphore(%run_scoped3A : memref<!tpu.dma_semaphore, #tpu.memory_space<semaphore_mem>>) src(%arg9 : memref<128x128xf32, #tpu.memory_space<vmem>>) dst(%dma_wait3A_139 : memref<10240x128xf32, #tpu.memory_space<vmem_shared>>)
        tpu.yield
      }) : () -> ()
      %dma_wait3A_108 = arith.constant 0 : i32
      %dma_wait3A_109 = arith.constant 0 : i32
      %dma_wait3A_110 = tpu.memref_slice %arg7[%dma_wait3A_108, %dma_wait3A_109] : memref<40x128xi32, #tpu.memory_space<vmem>> -> memref<1x128xi32, #tpu.memory_space<vmem>>
      %dma_wait3A_111 = tpu.memref_squeeze %dma_wait3A_110 : memref<1x128xi32, #tpu.memory_space<vmem>> -> memref<128xi32, #tpu.memory_space<vmem>>
      %dma_wait3A_112 = arith.constant 0 : i32
      %dma_wait3A_113 = arith.constant 0 : i32
      %dma_wait3A_114 = tpu.memref_slice %arg2[%dma_wait3A_112, %dma_wait3A_113] : memref<10240x128xf32, #tpu.memory_space<hbm>> -> memref<10240x128xf32, #tpu.memory_space<hbm>>
      tpu.wait_indirect_dma semaphore(%arg12 : memref<!tpu.dma_semaphore, #tpu.memory_space<semaphore_mem>>) src(%dma_wait3A_114 : memref<10240x128xf32, #tpu.memory_space<hbm>>) dst(%arg10 : memref<128x128xf32, #tpu.memory_space<vmem>>)
      %add3A_115 = arith.constant 2 : i32
      %add3A_116 = arith.addi %mul3A_90, %add3A_115 : i32
      %min3A_117 = arith.constant 39 : i32
      %min3A_118 = arith.minsi %add3A_116, %min3A_117 : i32
      %dma_start3A_119 = arith.constant 0 : i32
      %dma_start3A_120 = tpu.memref_slice %arg7[%min3A_118, %dma_start3A_119] : memref<40x128xi32, #tpu.memory_space<vmem>> -> memref<1x128xi32, #tpu.memory_space<vmem>>
      %dma_start3A_121 = tpu.memref_squeeze %dma_start3A_120 : memref<1x128xi32, #tpu.memory_space<vmem>> -> memref<128xi32, #tpu.memory_space<vmem>>
      %dma_start3A_122 = arith.constant 0 : i32
      %dma_start3A_123 = arith.constant 0 : i32
      %dma_start3A_124 = tpu.memref_slice %arg2[%dma_start3A_122, %dma_start3A_123] : memref<10240x128xf32, #tpu.memory_space<hbm>> -> memref<10240x128xf32, #tpu.memory_space<hbm>>
      tpu.enqueue_indirect_dma source(%dma_start3A_124 : memref<10240x128xf32, #tpu.memory_space<hbm>>) target(%arg9 : memref<128x128xf32, #tpu.memory_space<vmem>>) offsets(%dma_start3A_121 : memref<128xi32, #tpu.memory_space<vmem>>) semaphore(%arg11 : memref<!tpu.dma_semaphore, #tpu.memory_space<semaphore_mem>>)
      %add3A_125 = arith.constant 1 : i32
      %add3A_126 = arith.addi %mul3A_90, %add3A_125 : i32
      "tpu.region"() ({
        %run_scoped3A = tpu.sem_alloc : memref<!tpu.dma_semaphore, #tpu.memory_space<semaphore_mem>>
        %dma_start3A_128 = arith.constant 0 : i32
        %dma_start3A_129 = tpu.memref_slice %arg8[%add3A_126, %dma_start3A_128] : memref<40x128xi32, #tpu.memory_space<vmem>> -> memref<1x128xi32, #tpu.memory_space<vmem>>
        %dma_start3A_130 = tpu.memref_squeeze %dma_start3A_129 : memref<1x128xi32, #tpu.memory_space<vmem>> -> memref<128xi32, #tpu.memory_space<vmem>>
        %dma_start3A_131 = arith.constant 0 : i32
        %dma_start3A_132 = arith.constant 0 : i32
        %dma_start3A_133 = tpu.memref_slice %arg6[%dma_start3A_131, %dma_start3A_132] : memref<10240x128xf32, #tpu.memory_space<vmem_shared>> -> memref<10240x128xf32, #tpu.memory_space<vmem_shared>>
        tpu.enqueue_indirect_dma source(%arg10 : memref<128x128xf32, #tpu.memory_space<vmem>>) target(%dma_start3A_133 : memref<10240x128xf32, #tpu.memory_space<vmem_shared>>) offsets(%dma_start3A_130 : memref<128xi32, #tpu.memory_space<vmem>>) semaphore(%run_scoped3A : memref<!tpu.dma_semaphore, #tpu.memory_space<semaphore_mem>>) {add = true}
        %dma_wait3A_134 = arith.constant 0 : i32
        %dma_wait3A_135 = tpu.memref_slice %arg8[%add3A_126, %dma_wait3A_134] : memref<40x128xi32, #tpu.memory_space<vmem>> -> memref<1x128xi32, #tpu.memory_space<vmem>>
        %dma_wait3A_136 = tpu.memref_squeeze %dma_wait3A_135 : memref<1x128xi32, #tpu.memory_space<vmem>> -> memref<128xi32, #tpu.memory_space<vmem>>
        %dma_wait3A_137 = arith.constant 0 : i32
        %dma_wait3A_138 = arith.constant 0 : i32
        %dma_wait3A_139 = tpu.memref_slice %arg6[%dma_wait3A_137, %dma_wait3A_138] : memref<10240x128xf32, #tpu.memory_space<vmem_shared>> -> memref<10240x128xf32, #tpu.memory_space<vmem_shared>>
        tpu.wait_indirect_dma semaphore(%run_scoped3A : memref<!tpu.dma_semaphore, #tpu.memory_space<semaphore_mem>>) src(%arg10 : memref<128x128xf32, #tpu.memory_space<vmem>>) dst(%dma_wait3A_139 : memref<10240x128xf32, #tpu.memory_space<vmem_shared>>)
        tpu.yield
      }) : () -> ()
      %scan3A_127 = arith.constant 0 : i32
      scf.yield %scan3A_127 : i32
    }
    %scan3A_71 = arith.constant 20 : i32
    %dma_wait3A_72 = arith.constant 0 : i32
    %dma_wait3A_73 = arith.constant 0 : i32
    %dma_wait3A_74 = tpu.memref_slice %arg7[%dma_wait3A_72, %dma_wait3A_73] : memref<40x128xi32, #tpu.memory_space<vmem>> -> memref<1x128xi32, #tpu.memory_space<vmem>>
    %dma_wait3A_75 = tpu.memref_squeeze %dma_wait3A_74 : memref<1x128xi32, #tpu.memory_space<vmem>> -> memref<128xi32, #tpu.memory_space<vmem>>
    %dma_wait3A_76 = arith.constant 0 : i32
    %dma_wait3A_77 = arith.constant 0 : i32
    %dma_wait3A_78 = tpu.memref_slice %arg2[%dma_wait3A_76, %dma_wait3A_77] : memref<10240x128xf32, #tpu.memory_space<hbm>> -> memref<10240x128xf32, #tpu.memory_space<hbm>>
    tpu.wait_indirect_dma semaphore(%arg11 : memref<!tpu.dma_semaphore, #tpu.memory_space<semaphore_mem>>) src(%dma_wait3A_78 : memref<10240x128xf32, #tpu.memory_space<hbm>>) dst(%arg9 : memref<128x128xf32, #tpu.memory_space<vmem>>)
    %barrier3A_79 = arith.constant 0 : index
    tpu.barrier barrier_id(%barrier3A_79)
    %scan3A_80 = arith.constant 0 : i32
    %scan3A_81 = arith.constant 0 : i32
    %scan3A_82 = arith.constant 5 : i32
    %scan3A_83 = arith.addi %scan3A_81, %scan3A_82 : i32
    %scan3A_84 = arith.constant 1 : i32
    %scan3A_85 = scf.for %scan3A_87 = %scan3A_81 to %scan3A_83 step %scan3A_84 iter_args(%scan3A_88 = %scan3A_80) -> (i32)  : i32 {
      %mul3A_89 = arith.constant 640 : i32
      %mul3A_90 = arith.muli %arg1, %mul3A_89 : i32
      %mul3A_91 = arith.constant 128 : i32
      %mul3A_92 = arith.muli %scan3A_87, %mul3A_91 : i32
      %add3A_93 = arith.addi %mul3A_90, %mul3A_92 : i32
      %mul3A_94 = arith.constant 10240 : i32
      %mul3A_95 = arith.muli %arg0, %mul3A_94 : i32
      %add3A_96 = arith.addi %mul3A_95, %add3A_93 : i32
      "tpu.region"() ({
        %run_scoped3A = tpu.sem_alloc : memref<!tpu.dma_semaphore, #tpu.memory_space<semaphore_mem>>
        %dma_start3A_98 = arith.constant 0 : i32
        %dma_start3A_99 = tpu.memref_slice %arg5[%add3A_96, %dma_start3A_98] : memref<20480x128xf32, #tpu.memory_space<hbm>> -> memref<128x128xf32, #tpu.memory_space<hbm>>
        %dma_start3A_100 = arith.constant 0 : i32
        %dma_start3A_101 = tpu.memref_slice %arg6[%add3A_93, %dma_start3A_100] : memref<10240x128xf32, #tpu.memory_space<vmem_shared>> -> memref<128x128xf32, #tpu.memory_space<vmem_shared>>
        tpu.enqueue_dma source(%dma_start3A_101 : memref<128x128xf32, #tpu.memory_space<vmem_shared>>) target(%dma_start3A_99 : memref<128x128xf32, #tpu.memory_space<hbm>>) target_semaphore(%run_scoped3A : memref<!tpu.dma_semaphore, #tpu.memory_space<semaphore_mem>>)
        %dma_wait3A_102 = arith.constant 0 : i32
        %dma_wait3A_103 = tpu.memref_slice %arg5[%add3A_96, %dma_wait3A_102] : memref<20480x128xf32, #tpu.memory_space<hbm>> -> memref<128x128xf32, #tpu.memory_space<hbm>>
        %dma_wait3A_104 = arith.constant 0 : i32
        %dma_wait3A_105 = tpu.memref_slice %arg6[%add3A_93, %dma_wait3A_104] : memref<10240x128xf32, #tpu.memory_space<vmem_shared>> -> memref<128x128xf32, #tpu.memory_space<vmem_shared>>
        tpu.wait_dma2 semaphore(%run_scoped3A : memref<!tpu.dma_semaphore, #tpu.memory_space<semaphore_mem>>) src(%dma_wait3A_105 : memref<128x128xf32, #tpu.memory_space<vmem_shared>>) dst(%dma_wait3A_103 : memref<128x128xf32, #tpu.memory_space<hbm>>)
        tpu.yield
      }) : () -> ()
      %scan3A_97 = arith.constant 0 : i32
      scf.yield %scan3A_97 : i32
    }
    %scan3A_86 = arith.constant 5 : i32
    return
  }
}

#map = affine_map<(d0, d1) -> (0, 0)>
module attributes {stable_mosaic.version = 14 : i64} {
  func.func @_agg_body(%arg0: i32, %arg1: i32, %arg2: memref<10240x128xf32, #tpu.memory_space<hbm>>, %arg3: memref<2560x128xi32, #tpu.memory_space<hbm>>, %arg4: memref<2560x128xi32, #tpu.memory_space<hbm>>, %arg5: memref<20480x128xf32, #tpu.memory_space<hbm>>, %arg6: memref<10240x128xf32, #tpu.memory_space<vmem_shared>>, %arg7: memref<40x128xi32, #tpu.memory_space<vmem>>, %arg8: memref<40x128xi32, #tpu.memory_space<vmem>>, %arg9: memref<128x128xf32, #tpu.memory_space<vmem>>, %arg10: memref<128x128xf32, #tpu.memory_space<vmem>>, %arg11: memref<!tpu.dma_semaphore, #tpu.memory_space<semaphore_mem>>, %arg12: memref<!tpu.dma_semaphore, #tpu.memory_space<semaphore_mem>>) attributes {dimension_semantics = [#tpu.dimension_semantics<core_parallel>, #tpu.dimension_semantics<subcore_parallel>], iteration_bounds = array<i64: 2, 16>, scalar_prefetch = 0 : i64, scratch_operands = 7 : i64, tpu.core_type = #tpu.core_type<sc_vector_subcore>, window_params = [{transform_indices = #map}, {transform_indices = #map}, {transform_indices = #map}, {transform_indices = #map}]} {
    %mul3A = arith.constant 16 : i32
    %mul3A_0 = arith.muli %arg0, %mul3A : i32
    %add3A = arith.addi %mul3A_0, %arg1 : i32
    %mul3A_1 = arith.constant 80 : i32
    %mul3A_2 = arith.muli %add3A, %mul3A_1 : i32
    %dma_start3A = arith.constant 0 : i32
    %dma_start3A_3 = tpu.memref_slice %arg3[%mul3A_2, %dma_start3A] : memref<2560x128xi32, #tpu.memory_space<hbm>> -> memref<40x128xi32, #tpu.memory_space<hbm>>
    %dma_start3A_4 = arith.constant 0 : i32
    %dma_start3A_5 = tpu.memref_slice %arg3[%mul3A_2, %dma_start3A_4] : memref<2560x128xi32, #tpu.memory_space<hbm>> -> memref<40x128xi32, #tpu.memory_space<hbm>>
    tpu.enqueue_dma source(%dma_start3A_5 : memref<40x128xi32, #tpu.memory_space<hbm>>) target(%arg7 : memref<40x128xi32, #tpu.memory_space<vmem>>) target_semaphore(%arg11 : memref<!tpu.dma_semaphore, #tpu.memory_space<semaphore_mem>>)
    %dma_start3A_6 = arith.constant 0 : i32
    %dma_start3A_7 = tpu.memref_slice %arg4[%mul3A_2, %dma_start3A_6] : memref<2560x128xi32, #tpu.memory_space<hbm>> -> memref<40x128xi32, #tpu.memory_space<hbm>>
    %dma_start3A_8 = arith.constant 0 : i32
    %dma_start3A_9 = tpu.memref_slice %arg4[%mul3A_2, %dma_start3A_8] : memref<2560x128xi32, #tpu.memory_space<hbm>> -> memref<40x128xi32, #tpu.memory_space<hbm>>
    tpu.enqueue_dma source(%dma_start3A_9 : memref<40x128xi32, #tpu.memory_space<hbm>>) target(%arg8 : memref<40x128xi32, #tpu.memory_space<vmem>>) target_semaphore(%arg12 : memref<!tpu.dma_semaphore, #tpu.memory_space<semaphore_mem>>)
    %scan3A = arith.constant 0 : i32
    %scan3A_10 = arith.constant 0 : i32
    %scan3A_11 = arith.constant 128 : i32
    %scan3A_12 = arith.addi %scan3A_10, %scan3A_11 : i32
    %scan3A_13 = arith.constant 1 : i32
    %scan3A_14 = scf.for %scan3A_87 = %scan3A_10 to %scan3A_12 step %scan3A_13 iter_args(%scan3A_88 = %scan3A) -> (i32)  : i32 {
      %scan3A_89 = arith.constant 0 : i32
      %scan3A_90 = arith.constant 0 : i32
      %scan3A_91 = arith.constant 8 : i32
      %scan3A_92 = arith.addi %scan3A_90, %scan3A_91 : i32
      %scan3A_93 = arith.constant 1 : i32
      %scan3A_94 = scf.for %scan3A_96 = %scan3A_90 to %scan3A_92 step %scan3A_93 iter_args(%scan3A_97 = %scan3A_89) -> (i32)  : i32 {
        %broadcast_in_dim3A = arith.constant 0.000000e+00 : f32
        %broadcast_in_dim3A_98 = vector.broadcast %broadcast_in_dim3A : f32 to vector<16xf32>
        %mul3A_99 = arith.constant 16 : i32
        %mul3A_100 = arith.muli %scan3A_96, %mul3A_99 : i32
        %swap3A = arith.index_cast %scan3A_87 : i32 to index
        %swap3A_101 = arith.index_cast %mul3A_100 : i32 to index
        %swap3A_102 = tpu.vector_load %arg10[%swap3A, %swap3A_101] {strides = array<i32>} : memref<128x128xf32, #tpu.memory_space<vmem>>, vector<1x16xf32>,
        %swap3A_103 = vector.shape_cast %swap3A_102 : vector<1x16xf32> to vector<16xf32>
        %swap3A_104 = vector.shape_cast %broadcast_in_dim3A_98 : vector<16xf32> to vector<1x16xf32>
        tpu.vector_store %arg10[%swap3A, %swap3A_101], %swap3A_104 {strides = array<i32>} : memref<128x128xf32, #tpu.memory_space<vmem>>, vector<1x16xf32>,
        %scan3A_105 = arith.constant 0 : i32
        scf.yield %scan3A_105 : i32
      }
      %scan3A_95 = arith.constant 8 : i32
      scf.yield %scan3A_94 : i32
    }
    %scan3A_15 = arith.constant 128 : i32
    %scan3A_16 = arith.constant 0 : i32
    %scan3A_17 = arith.constant 0 : i32
    %scan3A_18 = arith.constant 5 : i32
    %scan3A_19 = arith.addi %scan3A_17, %scan3A_18 : i32
    %scan3A_20 = arith.constant 1 : i32
    %scan3A_21 = scf.for %scan3A_87 = %scan3A_17 to %scan3A_19 step %scan3A_20 iter_args(%scan3A_88 = %scan3A_16) -> (i32)  : i32 {
      %mul3A_89 = arith.constant 640 : i32
      %mul3A_90 = arith.muli %arg1, %mul3A_89 : i32
      %mul3A_91 = arith.constant 128 : i32
      %mul3A_92 = arith.muli %scan3A_87, %mul3A_91 : i32
      %add3A_93 = arith.addi %mul3A_90, %mul3A_92 : i32
      "tpu.region"() ({
        %run_scoped3A = tpu.sem_alloc : memref<!tpu.dma_semaphore, #tpu.memory_space<semaphore_mem>>
        %dma_start3A_95 = arith.constant 0 : i32
        %dma_start3A_96 = tpu.memref_slice %arg6[%add3A_93, %dma_start3A_95] : memref<10240x128xf32, #tpu.memory_space<vmem_shared>> -> memref<128x128xf32, #tpu.memory_space<vmem_shared>>
        %dma_start3A_97 = arith.constant 0 : i32
        %dma_start3A_98 = tpu.memref_slice %arg6[%add3A_93, %dma_start3A_97] : memref<10240x128xf32, #tpu.memory_space<vmem_shared>> -> memref<128x128xf32, #tpu.memory_space<vmem_shared>>
        tpu.enqueue_dma source(%arg10 : memref<128x128xf32, #tpu.memory_space<vmem>>) target(%dma_start3A_98 : memref<128x128xf32, #tpu.memory_space<vmem_shared>>) target_semaphore(%run_scoped3A : memref<!tpu.dma_semaphore, #tpu.memory_space<semaphore_mem>>)
        %dma_wait3A_99 = arith.constant 0 : i32
        %dma_wait3A_100 = tpu.memref_slice %arg6[%add3A_93, %dma_wait3A_99] : memref<10240x128xf32, #tpu.memory_space<vmem_shared>> -> memref<128x128xf32, #tpu.memory_space<vmem_shared>>
        %dma_wait3A_101 = arith.constant 0 : i32
        %dma_wait3A_102 = tpu.memref_slice %arg6[%add3A_93, %dma_wait3A_101] : memref<10240x128xf32, #tpu.memory_space<vmem_shared>> -> memref<128x128xf32, #tpu.memory_space<vmem_shared>>
        tpu.wait_dma2 semaphore(%run_scoped3A : memref<!tpu.dma_semaphore, #tpu.memory_space<semaphore_mem>>) src(%arg10 : memref<128x128xf32, #tpu.memory_space<vmem>>) dst(%dma_wait3A_102 : memref<128x128xf32, #tpu.memory_space<vmem_shared>>)
        tpu.yield
      }) : () -> ()
      %scan3A_94 = arith.constant 0 : i32
      scf.yield %scan3A_94 : i32
    }
    %scan3A_22 = arith.constant 5 : i32
    %dma_wait3A = arith.constant 0 : i32
    %dma_wait3A_23 = tpu.memref_slice %arg3[%mul3A_2, %dma_wait3A] : memref<2560x128xi32, #tpu.memory_space<hbm>> -> memref<40x128xi32, #tpu.memory_space<hbm>>
    %dma_wait3A_24 = arith.constant 0 : i32
    %dma_wait3A_25 = tpu.memref_slice %arg3[%mul3A_2, %dma_wait3A_24] : memref<2560x128xi32, #tpu.memory_space<hbm>> -> memref<40x128xi32, #tpu.memory_space<hbm>>
    tpu.wait_dma2 semaphore(%arg11 : memref<!tpu.dma_semaphore, #tpu.memory_space<semaphore_mem>>) src(%dma_wait3A_25 : memref<40x128xi32, #tpu.memory_space<hbm>>) dst(%arg7 : memref<40x128xi32, #tpu.memory_space<vmem>>)
    %dma_wait3A_26 = arith.constant 0 : i32
    %dma_wait3A_27 = tpu.memref_slice %arg4[%mul3A_2, %dma_wait3A_26] : memref<2560x128xi32, #tpu.memory_space<hbm>> -> memref<40x128xi32, #tpu.memory_space<hbm>>
    %dma_wait3A_28 = arith.constant 0 : i32
    %dma_wait3A_29 = tpu.memref_slice %arg4[%mul3A_2, %dma_wait3A_28] : memref<2560x128xi32, #tpu.memory_space<hbm>> -> memref<40x128xi32, #tpu.memory_space<hbm>>
    tpu.wait_dma2 semaphore(%arg12 : memref<!tpu.dma_semaphore, #tpu.memory_space<semaphore_mem>>) src(%dma_wait3A_29 : memref<40x128xi32, #tpu.memory_space<hbm>>) dst(%arg8 : memref<40x128xi32, #tpu.memory_space<vmem>>)
    %min3A = arith.constant 0 : i32
    %min3A_30 = arith.constant 39 : i32
    %min3A_31 = arith.minsi %min3A, %min3A_30 : i32
    %dma_start3A_32 = arith.constant 0 : i32
    %dma_start3A_33 = tpu.memref_slice %arg7[%min3A_31, %dma_start3A_32] : memref<40x128xi32, #tpu.memory_space<vmem>> -> memref<1x128xi32, #tpu.memory_space<vmem>>
    %dma_start3A_34 = tpu.memref_squeeze %dma_start3A_33 : memref<1x128xi32, #tpu.memory_space<vmem>> -> memref<128xi32, #tpu.memory_space<vmem>>
    %dma_start3A_35 = arith.constant 0 : i32
    %dma_start3A_36 = arith.constant 0 : i32
    %dma_start3A_37 = tpu.memref_slice %arg2[%dma_start3A_35, %dma_start3A_36] : memref<10240x128xf32, #tpu.memory_space<hbm>> -> memref<10240x128xf32, #tpu.memory_space<hbm>>
    tpu.enqueue_indirect_dma source(%dma_start3A_37 : memref<10240x128xf32, #tpu.memory_space<hbm>>) target(%arg9 : memref<128x128xf32, #tpu.memory_space<vmem>>) offsets(%dma_start3A_34 : memref<128xi32, #tpu.memory_space<vmem>>) semaphore(%arg11 : memref<!tpu.dma_semaphore, #tpu.memory_space<semaphore_mem>>)
    %barrier3A = arith.constant 0 : index
    tpu.barrier barrier_id(%barrier3A)
    %scan3A_38 = arith.constant 0 : i32
    %scan3A_39 = arith.constant 0 : i32
    %scan3A_40 = arith.constant 20 : i32
    %scan3A_41 = arith.addi %scan3A_39, %scan3A_40 : i32
    %scan3A_42 = arith.constant 1 : i32
    %scan3A_43 = scf.for %scan3A_87 = %scan3A_39 to %scan3A_41 step %scan3A_42 iter_args(%scan3A_88 = %scan3A_38) -> (i32)  : i32 {
      %mul3A_89 = arith.constant 2 : i32
      %mul3A_90 = arith.muli %mul3A_89, %scan3A_87 : i32
      %dma_wait3A_91 = arith.constant 0 : i32
      %dma_wait3A_92 = arith.constant 0 : i32
      %dma_wait3A_93 = tpu.memref_slice %arg7[%dma_wait3A_91, %dma_wait3A_92] : memref<40x128xi32, #tpu.memory_space<vmem>> -> memref<1x128xi32, #tpu.memory_space<vmem>>
      %dma_wait3A_94 = tpu.memref_squeeze %dma_wait3A_93 : memref<1x128xi32, #tpu.memory_space<vmem>> -> memref<128xi32, #tpu.memory_space<vmem>>
      %dma_wait3A_95 = arith.constant 0 : i32
      %dma_wait3A_96 = arith.constant 0 : i32
      %dma_wait3A_97 = tpu.memref_slice %arg2[%dma_wait3A_95, %dma_wait3A_96] : memref<10240x128xf32, #tpu.memory_space<hbm>> -> memref<10240x128xf32, #tpu.memory_space<hbm>>
      tpu.wait_indirect_dma semaphore(%arg11 : memref<!tpu.dma_semaphore, #tpu.memory_space<semaphore_mem>>) src(%dma_wait3A_97 : memref<10240x128xf32, #tpu.memory_space<hbm>>) dst(%arg9 : memref<128x128xf32, #tpu.memory_space<vmem>>)
      %add3A_98 = arith.constant 1 : i32
      %add3A_99 = arith.addi %mul3A_90, %add3A_98 : i32
      %min3A_100 = arith.constant 39 : i32
      %min3A_101 = arith.minsi %add3A_99, %min3A_100 : i32
      %dma_start3A_102 = arith.constant 0 : i32
      %dma_start3A_103 = tpu.memref_slice %arg7[%min3A_101, %dma_start3A_102] : memref<40x128xi32, #tpu.memory_space<vmem>> -> memref<1x128xi32, #tpu.memory_space<vmem>>
      %dma_start3A_104 = tpu.memref_squeeze %dma_start3A_103 : memref<1x128xi32, #tpu.memory_space<vmem>> -> memref<128xi32, #tpu.memory_space<vmem>>
      %dma_start3A_105 = arith.constant 0 : i32
      %dma_start3A_106 = arith.constant 0 : i32
      %dma_start3A_107 = tpu.memref_slice %arg2[%dma_start3A_105, %dma_start3A_106] : memref<10240x128xf32, #tpu.memory_space<hbm>> -> memref<10240x128xf32, #tpu.memory_space<hbm>>
      tpu.enqueue_indirect_dma source(%dma_start3A_107 : memref<10240x128xf32, #tpu.memory_space<hbm>>) target(%arg10 : memref<128x128xf32, #tpu.memory_space<vmem>>) offsets(%dma_start3A_104 : memref<128xi32, #tpu.memory_space<vmem>>) semaphore(%arg12 : memref<!tpu.dma_semaphore, #tpu.memory_space<semaphore_mem>>)
      "tpu.region"() ({
        %run_scoped3A = tpu.sem_alloc : memref<!tpu.dma_semaphore, #tpu.memory_space<semaphore_mem>>
        %dma_start3A_128 = arith.constant 0 : i32
        %dma_start3A_129 = tpu.memref_slice %arg8[%mul3A_90, %dma_start3A_128] : memref<40x128xi32, #tpu.memory_space<vmem>> -> memref<1x128xi32, #tpu.memory_space<vmem>>
        %dma_start3A_130 = tpu.memref_squeeze %dma_start3A_129 : memref<1x128xi32, #tpu.memory_space<vmem>> -> memref<128xi32, #tpu.memory_space<vmem>>
        %dma_start3A_131 = arith.constant 0 : i32
        %dma_start3A_132 = arith.constant 0 : i32
        %dma_start3A_133 = tpu.memref_slice %arg6[%dma_start3A_131, %dma_start3A_132] : memref<10240x128xf32, #tpu.memory_space<vmem_shared>> -> memref<10240x128xf32, #tpu.memory_space<vmem_shared>>
        tpu.enqueue_indirect_dma source(%arg9 : memref<128x128xf32, #tpu.memory_space<vmem>>) target(%dma_start3A_133 : memref<10240x128xf32, #tpu.memory_space<vmem_shared>>) offsets(%dma_start3A_130 : memref<128xi32, #tpu.memory_space<vmem>>) semaphore(%run_scoped3A : memref<!tpu.dma_semaphore, #tpu.memory_space<semaphore_mem>>) {add = true}
        %dma_wait3A_134 = arith.constant 0 : i32
        %dma_wait3A_135 = tpu.memref_slice %arg8[%mul3A_90, %dma_wait3A_134] : memref<40x128xi32, #tpu.memory_space<vmem>> -> memref<1x128xi32, #tpu.memory_space<vmem>>
        %dma_wait3A_136 = tpu.memref_squeeze %dma_wait3A_135 : memref<1x128xi32, #tpu.memory_space<vmem>> -> memref<128xi32, #tpu.memory_space<vmem>>
        %dma_wait3A_137 = arith.constant 0 : i32
        %dma_wait3A_138 = arith.constant 0 : i32
        %dma_wait3A_139 = tpu.memref_slice %arg6[%dma_wait3A_137, %dma_wait3A_138] : memref<10240x128xf32, #tpu.memory_space<vmem_shared>> -> memref<10240x128xf32, #tpu.memory_space<vmem_shared>>
        tpu.wait_indirect_dma semaphore(%run_scoped3A : memref<!tpu.dma_semaphore, #tpu.memory_space<semaphore_mem>>) src(%arg9 : memref<128x128xf32, #tpu.memory_space<vmem>>) dst(%dma_wait3A_139 : memref<10240x128xf32, #tpu.memory_space<vmem_shared>>)
        tpu.yield
      }) : () -> ()
      %dma_wait3A_108 = arith.constant 0 : i32
      %dma_wait3A_109 = arith.constant 0 : i32
      %dma_wait3A_110 = tpu.memref_slice %arg7[%dma_wait3A_108, %dma_wait3A_109] : memref<40x128xi32, #tpu.memory_space<vmem>> -> memref<1x128xi32, #tpu.memory_space<vmem>>
      %dma_wait3A_111 = tpu.memref_squeeze %dma_wait3A_110 : memref<1x128xi32, #tpu.memory_space<vmem>> -> memref<128xi32, #tpu.memory_space<vmem>>
      %dma_wait3A_112 = arith.constant 0 : i32
      %dma_wait3A_113 = arith.constant 0 : i32
      %dma_wait3A_114 = tpu.memref_slice %arg2[%dma_wait3A_112, %dma_wait3A_113] : memref<10240x128xf32, #tpu.memory_space<hbm>> -> memref<10240x128xf32, #tpu.memory_space<hbm>>
      tpu.wait_indirect_dma semaphore(%arg12 : memref<!tpu.dma_semaphore, #tpu.memory_space<semaphore_mem>>) src(%dma_wait3A_114 : memref<10240x128xf32, #tpu.memory_space<hbm>>) dst(%arg10 : memref<128x128xf32, #tpu.memory_space<vmem>>)
      %add3A_115 = arith.constant 2 : i32
      %add3A_116 = arith.addi %mul3A_90, %add3A_115 : i32
      %min3A_117 = arith.constant 39 : i32
      %min3A_118 = arith.minsi %add3A_116, %min3A_117 : i32
      %dma_start3A_119 = arith.constant 0 : i32
      %dma_start3A_120 = tpu.memref_slice %arg7[%min3A_118, %dma_start3A_119] : memref<40x128xi32, #tpu.memory_space<vmem>> -> memref<1x128xi32, #tpu.memory_space<vmem>>
      %dma_start3A_121 = tpu.memref_squeeze %dma_start3A_120 : memref<1x128xi32, #tpu.memory_space<vmem>> -> memref<128xi32, #tpu.memory_space<vmem>>
      %dma_start3A_122 = arith.constant 0 : i32
      %dma_start3A_123 = arith.constant 0 : i32
      %dma_start3A_124 = tpu.memref_slice %arg2[%dma_start3A_122, %dma_start3A_123] : memref<10240x128xf32, #tpu.memory_space<hbm>> -> memref<10240x128xf32, #tpu.memory_space<hbm>>
      tpu.enqueue_indirect_dma source(%dma_start3A_124 : memref<10240x128xf32, #tpu.memory_space<hbm>>) target(%arg9 : memref<128x128xf32, #tpu.memory_space<vmem>>) offsets(%dma_start3A_121 : memref<128xi32, #tpu.memory_space<vmem>>) semaphore(%arg11 : memref<!tpu.dma_semaphore, #tpu.memory_space<semaphore_mem>>)
      %add3A_125 = arith.constant 1 : i32
      %add3A_126 = arith.addi %mul3A_90, %add3A_125 : i32
      "tpu.region"() ({
        %run_scoped3A = tpu.sem_alloc : memref<!tpu.dma_semaphore, #tpu.memory_space<semaphore_mem>>
        %dma_start3A_128 = arith.constant 0 : i32
        %dma_start3A_129 = tpu.memref_slice %arg8[%add3A_126, %dma_start3A_128] : memref<40x128xi32, #tpu.memory_space<vmem>> -> memref<1x128xi32, #tpu.memory_space<vmem>>
        %dma_start3A_130 = tpu.memref_squeeze %dma_start3A_129 : memref<1x128xi32, #tpu.memory_space<vmem>> -> memref<128xi32, #tpu.memory_space<vmem>>
        %dma_start3A_131 = arith.constant 0 : i32
        %dma_start3A_132 = arith.constant 0 : i32
        %dma_start3A_133 = tpu.memref_slice %arg6[%dma_start3A_131, %dma_start3A_132] : memref<10240x128xf32, #tpu.memory_space<vmem_shared>> -> memref<10240x128xf32, #tpu.memory_space<vmem_shared>>
        tpu.enqueue_indirect_dma source(%arg10 : memref<128x128xf32, #tpu.memory_space<vmem>>) target(%dma_start3A_133 : memref<10240x128xf32, #tpu.memory_space<vmem_shared>>) offsets(%dma_start3A_130 : memref<128xi32, #tpu.memory_space<vmem>>) semaphore(%run_scoped3A : memref<!tpu.dma_semaphore, #tpu.memory_space<semaphore_mem>>) {add = true}
        %dma_wait3A_134 = arith.constant 0 : i32
        %dma_wait3A_135 = tpu.memref_slice %arg8[%add3A_126, %dma_wait3A_134] : memref<40x128xi32, #tpu.memory_space<vmem>> -> memref<1x128xi32, #tpu.memory_space<vmem>>
        %dma_wait3A_136 = tpu.memref_squeeze %dma_wait3A_135 : memref<1x128xi32, #tpu.memory_space<vmem>> -> memref<128xi32, #tpu.memory_space<vmem>>
        %dma_wait3A_137 = arith.constant 0 : i32
        %dma_wait3A_138 = arith.constant 0 : i32
        %dma_wait3A_139 = tpu.memref_slice %arg6[%dma_wait3A_137, %dma_wait3A_138] : memref<10240x128xf32, #tpu.memory_space<vmem_shared>> -> memref<10240x128xf32, #tpu.memory_space<vmem_shared>>
        tpu.wait_indirect_dma semaphore(%run_scoped3A : memref<!tpu.dma_semaphore, #tpu.memory_space<semaphore_mem>>) src(%arg10 : memref<128x128xf32, #tpu.memory_space<vmem>>) dst(%dma_wait3A_139 : memref<10240x128xf32, #tpu.memory_space<vmem_shared>>)
        tpu.yield
      }) : () -> ()
      %scan3A_127 = arith.constant 0 : i32
      scf.yield %scan3A_127 : i32
    }
    %scan3A_44 = arith.constant 20 : i32
    %dma_wait3A_45 = arith.constant 0 : i32
    %dma_wait3A_46 = arith.constant 0 : i32
    %dma_wait3A_47 = tpu.memref_slice %arg7[%dma_wait3A_45, %dma_wait3A_46] : memref<40x128xi32, #tpu.memory_space<vmem>> -> memref<1x128xi32, #tpu.memory_space<vmem>>
    %dma_wait3A_48 = tpu.memref_squeeze %dma_wait3A_47 : memref<1x128xi32, #tpu.memory_space<vmem>> -> memref<128xi32, #tpu.memory_space<vmem>>
    %dma_wait3A_49 = arith.constant 0 : i32
    %dma_wait3A_50 = arith.constant 0 : i32
    %dma_wait3A_51 = tpu.memref_slice %arg2[%dma_wait3A_49, %dma_wait3A_50] : memref<10240x128xf32, #tpu.memory_space<hbm>> -> memref<10240x128xf32, #tpu.memory_space<hbm>>
    tpu.wait_indirect_dma semaphore(%arg11 : memref<!tpu.dma_semaphore, #tpu.memory_space<semaphore_mem>>) src(%dma_wait3A_51 : memref<10240x128xf32, #tpu.memory_space<hbm>>) dst(%arg9 : memref<128x128xf32, #tpu.memory_space<vmem>>)
    %add3A_52 = arith.constant 40 : i32
    %add3A_53 = arith.addi %mul3A_2, %add3A_52 : i32
    "tpu.region"() ({
      %run_scoped3A = tpu.sem_alloc : memref<!tpu.dma_semaphore, #tpu.memory_space<semaphore_mem>>
      %dma_start3A_87 = arith.constant 0 : i32
      %dma_start3A_88 = tpu.memref_slice %arg3[%add3A_53, %dma_start3A_87] : memref<2560x128xi32, #tpu.memory_space<hbm>> -> memref<40x128xi32, #tpu.memory_space<hbm>>
      %dma_start3A_89 = arith.constant 0 : i32
      %dma_start3A_90 = tpu.memref_slice %arg3[%add3A_53, %dma_start3A_89] : memref<2560x128xi32, #tpu.memory_space<hbm>> -> memref<40x128xi32, #tpu.memory_space<hbm>>
      tpu.enqueue_dma source(%dma_start3A_90 : memref<40x128xi32, #tpu.memory_space<hbm>>) target(%arg7 : memref<40x128xi32, #tpu.memory_space<vmem>>) target_semaphore(%run_scoped3A : memref<!tpu.dma_semaphore, #tpu.memory_space<semaphore_mem>>)
      %dma_wait3A_91 = arith.constant 0 : i32
      %dma_wait3A_92 = tpu.memref_slice %arg3[%add3A_53, %dma_wait3A_91] : memref<2560x128xi32, #tpu.memory_space<hbm>> -> memref<40x128xi32, #tpu.memory_space<hbm>>
      %dma_wait3A_93 = arith.constant 0 : i32
      %dma_wait3A_94 = tpu.memref_slice %arg3[%add3A_53, %dma_wait3A_93] : memref<2560x128xi32, #tpu.memory_space<hbm>> -> memref<40x128xi32, #tpu.memory_space<hbm>>
      tpu.wait_dma2 semaphore(%run_scoped3A : memref<!tpu.dma_semaphore, #tpu.memory_space<semaphore_mem>>) src(%dma_wait3A_94 : memref<40x128xi32, #tpu.memory_space<hbm>>) dst(%arg7 : memref<40x128xi32, #tpu.memory_space<vmem>>)
      tpu.yield
    }) : () -> ()
    %add3A_54 = arith.constant 40 : i32
    %add3A_55 = arith.addi %mul3A_2, %add3A_54 : i32
    "tpu.region"() ({
      %run_scoped3A = tpu.sem_alloc : memref<!tpu.dma_semaphore, #tpu.memory_space<semaphore_mem>>
      %dma_start3A_87 = arith.constant 0 : i32
      %dma_start3A_88 = tpu.memref_slice %arg4[%add3A_55, %dma_start3A_87] : memref<2560x128xi32, #tpu.memory_space<hbm>> -> memref<40x128xi32, #tpu.memory_space<hbm>>
      %dma_start3A_89 = arith.constant 0 : i32
      %dma_start3A_90 = tpu.memref_slice %arg4[%add3A_55, %dma_start3A_89] : memref<2560x128xi32, #tpu.memory_space<hbm>> -> memref<40x128xi32, #tpu.memory_space<hbm>>
      tpu.enqueue_dma source(%dma_start3A_90 : memref<40x128xi32, #tpu.memory_space<hbm>>) target(%arg8 : memref<40x128xi32, #tpu.memory_space<vmem>>) target_semaphore(%run_scoped3A : memref<!tpu.dma_semaphore, #tpu.memory_space<semaphore_mem>>)
      %dma_wait3A_91 = arith.constant 0 : i32
      %dma_wait3A_92 = tpu.memref_slice %arg4[%add3A_55, %dma_wait3A_91] : memref<2560x128xi32, #tpu.memory_space<hbm>> -> memref<40x128xi32, #tpu.memory_space<hbm>>
      %dma_wait3A_93 = arith.constant 0 : i32
      %dma_wait3A_94 = tpu.memref_slice %arg4[%add3A_55, %dma_wait3A_93] : memref<2560x128xi32, #tpu.memory_space<hbm>> -> memref<40x128xi32, #tpu.memory_space<hbm>>
      tpu.wait_dma2 semaphore(%run_scoped3A : memref<!tpu.dma_semaphore, #tpu.memory_space<semaphore_mem>>) src(%dma_wait3A_94 : memref<40x128xi32, #tpu.memory_space<hbm>>) dst(%arg8 : memref<40x128xi32, #tpu.memory_space<vmem>>)
      tpu.yield
    }) : () -> ()
    %min3A_56 = arith.constant 0 : i32
    %min3A_57 = arith.constant 39 : i32
    %min3A_58 = arith.minsi %min3A_56, %min3A_57 : i32
    %dma_start3A_59 = arith.constant 0 : i32
    %dma_start3A_60 = tpu.memref_slice %arg7[%min3A_58, %dma_start3A_59] : memref<40x128xi32, #tpu.memory_space<vmem>> -> memref<1x128xi32, #tpu.memory_space<vmem>>
    %dma_start3A_61 = tpu.memref_squeeze %dma_start3A_60 : memref<1x128xi32, #tpu.memory_space<vmem>> -> memref<128xi32, #tpu.memory_space<vmem>>
    %dma_start3A_62 = arith.constant 0 : i32
    %dma_start3A_63 = arith.constant 0 : i32
    %dma_start3A_64 = tpu.memref_slice %arg2[%dma_start3A_62, %dma_start3A_63] : memref<10240x128xf32, #tpu.memory_space<hbm>> -> memref<10240x128xf32, #tpu.memory_space<hbm>>
    tpu.enqueue_indirect_dma source(%dma_start3A_64 : memref<10240x128xf32, #tpu.memory_space<hbm>>) target(%arg9 : memref<128x128xf32, #tpu.memory_space<vmem>>) offsets(%dma_start3A_61 : memref<128xi32, #tpu.memory_space<vmem>>) semaphore(%arg11 : memref<!tpu.dma_semaphore, #tpu.memory_space<semaphore_mem>>)
    %scan3A_65 = arith.constant 0 : i32
    %scan3A_66 = arith.constant 0 : i32
    %scan3A_67 = arith.constant 20 : i32
    %scan3A_68 = arith.addi %scan3A_66, %scan3A_67 : i32
    %scan3A_69 = arith.constant 1 : i32
    %scan3A_70 = scf.for %scan3A_87 = %scan3A_66 to %scan3A_68 step %scan3A_69 iter_args(%scan3A_88 = %scan3A_65) -> (i32)  : i32 {
      %mul3A_89 = arith.constant 2 : i32
      %mul3A_90 = arith.muli %mul3A_89, %scan3A_87 : i32
      %dma_wait3A_91 = arith.constant 0 : i32
      %dma_wait3A_92 = arith.constant 0 : i32
      %dma_wait3A_93 = tpu.memref_slice %arg7[%dma_wait3A_91, %dma_wait3A_92] : memref<40x128xi32, #tpu.memory_space<vmem>> -> memref<1x128xi32, #tpu.memory_space<vmem>>
      %dma_wait3A_94 = tpu.memref_squeeze %dma_wait3A_93 : memref<1x128xi32, #tpu.memory_space<vmem>> -> memref<128xi32, #tpu.memory_space<vmem>>
      %dma_wait3A_95 = arith.constant 0 : i32
      %dma_wait3A_96 = arith.constant 0 : i32
      %dma_wait3A_97 = tpu.memref_slice %arg2[%dma_wait3A_95, %dma_wait3A_96] : memref<10240x128xf32, #tpu.memory_space<hbm>> -> memref<10240x128xf32, #tpu.memory_space<hbm>>
      tpu.wait_indirect_dma semaphore(%arg11 : memref<!tpu.dma_semaphore, #tpu.memory_space<semaphore_mem>>) src(%dma_wait3A_97 : memref<10240x128xf32, #tpu.memory_space<hbm>>) dst(%arg9 : memref<128x128xf32, #tpu.memory_space<vmem>>)
      %add3A_98 = arith.constant 1 : i32
      %add3A_99 = arith.addi %mul3A_90, %add3A_98 : i32
      %min3A_100 = arith.constant 39 : i32
      %min3A_101 = arith.minsi %add3A_99, %min3A_100 : i32
      %dma_start3A_102 = arith.constant 0 : i32
      %dma_start3A_103 = tpu.memref_slice %arg7[%min3A_101, %dma_start3A_102] : memref<40x128xi32, #tpu.memory_space<vmem>> -> memref<1x128xi32, #tpu.memory_space<vmem>>
      %dma_start3A_104 = tpu.memref_squeeze %dma_start3A_103 : memref<1x128xi32, #tpu.memory_space<vmem>> -> memref<128xi32, #tpu.memory_space<vmem>>
      %dma_start3A_105 = arith.constant 0 : i32
      %dma_start3A_106 = arith.constant 0 : i32
      %dma_start3A_107 = tpu.memref_slice %arg2[%dma_start3A_105, %dma_start3A_106] : memref<10240x128xf32, #tpu.memory_space<hbm>> -> memref<10240x128xf32, #tpu.memory_space<hbm>>
      tpu.enqueue_indirect_dma source(%dma_start3A_107 : memref<10240x128xf32, #tpu.memory_space<hbm>>) target(%arg10 : memref<128x128xf32, #tpu.memory_space<vmem>>) offsets(%dma_start3A_104 : memref<128xi32, #tpu.memory_space<vmem>>) semaphore(%arg12 : memref<!tpu.dma_semaphore, #tpu.memory_space<semaphore_mem>>)
      "tpu.region"() ({
        %run_scoped3A = tpu.sem_alloc : memref<!tpu.dma_semaphore, #tpu.memory_space<semaphore_mem>>
        %dma_start3A_128 = arith.constant 0 : i32
        %dma_start3A_129 = tpu.memref_slice %arg8[%mul3A_90, %dma_start3A_128] : memref<40x128xi32, #tpu.memory_space<vmem>> -> memref<1x128xi32, #tpu.memory_space<vmem>>
        %dma_start3A_130 = tpu.memref_squeeze %dma_start3A_129 : memref<1x128xi32, #tpu.memory_space<vmem>> -> memref<128xi32, #tpu.memory_space<vmem>>
        %dma_start3A_131 = arith.constant 0 : i32
        %dma_start3A_132 = arith.constant 0 : i32
        %dma_start3A_133 = tpu.memref_slice %arg6[%dma_start3A_131, %dma_start3A_132] : memref<10240x128xf32, #tpu.memory_space<vmem_shared>> -> memref<10240x128xf32, #tpu.memory_space<vmem_shared>>
        tpu.enqueue_indirect_dma source(%arg9 : memref<128x128xf32, #tpu.memory_space<vmem>>) target(%dma_start3A_133 : memref<10240x128xf32, #tpu.memory_space<vmem_shared>>) offsets(%dma_start3A_130 : memref<128xi32, #tpu.memory_space<vmem>>) semaphore(%run_scoped3A : memref<!tpu.dma_semaphore, #tpu.memory_space<semaphore_mem>>) {add = true}
        %dma_wait3A_134 = arith.constant 0 : i32
        %dma_wait3A_135 = tpu.memref_slice %arg8[%mul3A_90, %dma_wait3A_134] : memref<40x128xi32, #tpu.memory_space<vmem>> -> memref<1x128xi32, #tpu.memory_space<vmem>>
        %dma_wait3A_136 = tpu.memref_squeeze %dma_wait3A_135 : memref<1x128xi32, #tpu.memory_space<vmem>> -> memref<128xi32, #tpu.memory_space<vmem>>
        %dma_wait3A_137 = arith.constant 0 : i32
        %dma_wait3A_138 = arith.constant 0 : i32
        %dma_wait3A_139 = tpu.memref_slice %arg6[%dma_wait3A_137, %dma_wait3A_138] : memref<10240x128xf32, #tpu.memory_space<vmem_shared>> -> memref<10240x128xf32, #tpu.memory_space<vmem_shared>>
        tpu.wait_indirect_dma semaphore(%run_scoped3A : memref<!tpu.dma_semaphore, #tpu.memory_space<semaphore_mem>>) src(%arg9 : memref<128x128xf32, #tpu.memory_space<vmem>>) dst(%dma_wait3A_139 : memref<10240x128xf32, #tpu.memory_space<vmem_shared>>)
        tpu.yield
      }) : () -> ()
      %dma_wait3A_108 = arith.constant 0 : i32
      %dma_wait3A_109 = arith.constant 0 : i32
      %dma_wait3A_110 = tpu.memref_slice %arg7[%dma_wait3A_108, %dma_wait3A_109] : memref<40x128xi32, #tpu.memory_space<vmem>> -> memref<1x128xi32, #tpu.memory_space<vmem>>
      %dma_wait3A_111 = tpu.memref_squeeze %dma_wait3A_110 : memref<1x128xi32, #tpu.memory_space<vmem>> -> memref<128xi32, #tpu.memory_space<vmem>>
      %dma_wait3A_112 = arith.constant 0 : i32
      %dma_wait3A_113 = arith.constant 0 : i32
      %dma_wait3A_114 = tpu.memref_slice %arg2[%dma_wait3A_112, %dma_wait3A_113] : memref<10240x128xf32, #tpu.memory_space<hbm>> -> memref<10240x128xf32, #tpu.memory_space<hbm>>
      tpu.wait_indirect_dma semaphore(%arg12 : memref<!tpu.dma_semaphore, #tpu.memory_space<semaphore_mem>>) src(%dma_wait3A_114 : memref<10240x128xf32, #tpu.memory_space<hbm>>) dst(%arg10 : memref<128x128xf32, #tpu.memory_space<vmem>>)
      %add3A_115 = arith.constant 2 : i32
      %add3A_116 = arith.addi %mul3A_90, %add3A_115 : i32
      %min3A_117 = arith.constant 39 : i32
      %min3A_118 = arith.minsi %add3A_116, %min3A_117 : i32
      %dma_start3A_119 = arith.constant 0 : i32
      %dma_start3A_120 = tpu.memref_slice %arg7[%min3A_118, %dma_start3A_119] : memref<40x128xi32, #tpu.memory_space<vmem>> -> memref<1x128xi32, #tpu.memory_space<vmem>>
      %dma_start3A_121 = tpu.memref_squeeze %dma_start3A_120 : memref<1x128xi32, #tpu.memory_space<vmem>> -> memref<128xi32, #tpu.memory_space<vmem>>
      %dma_start3A_122 = arith.constant 0 : i32
      %dma_start3A_123 = arith.constant 0 : i32
      %dma_start3A_124 = tpu.memref_slice %arg2[%dma_start3A_122, %dma_start3A_123] : memref<10240x128xf32, #tpu.memory_space<hbm>> -> memref<10240x128xf32, #tpu.memory_space<hbm>>
      tpu.enqueue_indirect_dma source(%dma_start3A_124 : memref<10240x128xf32, #tpu.memory_space<hbm>>) target(%arg9 : memref<128x128xf32, #tpu.memory_space<vmem>>) offsets(%dma_start3A_121 : memref<128xi32, #tpu.memory_space<vmem>>) semaphore(%arg11 : memref<!tpu.dma_semaphore, #tpu.memory_space<semaphore_mem>>)
      %add3A_125 = arith.constant 1 : i32
      %add3A_126 = arith.addi %mul3A_90, %add3A_125 : i32
      "tpu.region"() ({
        %run_scoped3A = tpu.sem_alloc : memref<!tpu.dma_semaphore, #tpu.memory_space<semaphore_mem>>
        %dma_start3A_128 = arith.constant 0 : i32
        %dma_start3A_129 = tpu.memref_slice %arg8[%add3A_126, %dma_start3A_128] : memref<40x128xi32, #tpu.memory_space<vmem>> -> memref<1x128xi32, #tpu.memory_space<vmem>>
        %dma_start3A_130 = tpu.memref_squeeze %dma_start3A_129 : memref<1x128xi32, #tpu.memory_space<vmem>> -> memref<128xi32, #tpu.memory_space<vmem>>
        %dma_start3A_131 = arith.constant 0 : i32
        %dma_start3A_132 = arith.constant 0 : i32
        %dma_start3A_133 = tpu.memref_slice %arg6[%dma_start3A_131, %dma_start3A_132] : memref<10240x128xf32, #tpu.memory_space<vmem_shared>> -> memref<10240x128xf32, #tpu.memory_space<vmem_shared>>
        tpu.enqueue_indirect_dma source(%arg10 : memref<128x128xf32, #tpu.memory_space<vmem>>) target(%dma_start3A_133 : memref<10240x128xf32, #tpu.memory_space<vmem_shared>>) offsets(%dma_start3A_130 : memref<128xi32, #tpu.memory_space<vmem>>) semaphore(%run_scoped3A : memref<!tpu.dma_semaphore, #tpu.memory_space<semaphore_mem>>) {add = true}
        %dma_wait3A_134 = arith.constant 0 : i32
        %dma_wait3A_135 = tpu.memref_slice %arg8[%add3A_126, %dma_wait3A_134] : memref<40x128xi32, #tpu.memory_space<vmem>> -> memref<1x128xi32, #tpu.memory_space<vmem>>
        %dma_wait3A_136 = tpu.memref_squeeze %dma_wait3A_135 : memref<1x128xi32, #tpu.memory_space<vmem>> -> memref<128xi32, #tpu.memory_space<vmem>>
        %dma_wait3A_137 = arith.constant 0 : i32
        %dma_wait3A_138 = arith.constant 0 : i32
        %dma_wait3A_139 = tpu.memref_slice %arg6[%dma_wait3A_137, %dma_wait3A_138] : memref<10240x128xf32, #tpu.memory_space<vmem_shared>> -> memref<10240x128xf32, #tpu.memory_space<vmem_shared>>
        tpu.wait_indirect_dma semaphore(%run_scoped3A : memref<!tpu.dma_semaphore, #tpu.memory_space<semaphore_mem>>) src(%arg10 : memref<128x128xf32, #tpu.memory_space<vmem>>) dst(%dma_wait3A_139 : memref<10240x128xf32, #tpu.memory_space<vmem_shared>>)
        tpu.yield
      }) : () -> ()
      %scan3A_127 = arith.constant 0 : i32
      scf.yield %scan3A_127 : i32
    }
    %scan3A_71 = arith.constant 20 : i32
    %dma_wait3A_72 = arith.constant 0 : i32
    %dma_wait3A_73 = arith.constant 0 : i32
    %dma_wait3A_74 = tpu.memref_slice %arg7[%dma_wait3A_72, %dma_wait3A_73] : memref<40x128xi32, #tpu.memory_space<vmem>> -> memref<1x128xi32, #tpu.memory_space<vmem>>
    %dma_wait3A_75 = tpu.memref_squeeze %dma_wait3A_74 : memref<1x128xi32, #tpu.memory_space<vmem>> -> memref<128xi32, #tpu.memory_space<vmem>>
    %dma_wait3A_76 = arith.constant 0 : i32
    %dma_wait3A_77 = arith.constant 0 : i32
    %dma_wait3A_78 = tpu.memref_slice %arg2[%dma_wait3A_76, %dma_wait3A_77] : memref<10240x128xf32, #tpu.memory_space<hbm>> -> memref<10240x128xf32, #tpu.memory_space<hbm>>
    tpu.wait_indirect_dma semaphore(%arg11 : memref<!tpu.dma_semaphore, #tpu.memory_space<semaphore_mem>>) src(%dma_wait3A_78 : memref<10240x128xf32, #tpu.memory_space<hbm>>) dst(%arg9 : memref<128x128xf32, #tpu.memory_space<vmem>>)
    %barrier3A_79 = arith.constant 0 : index
    tpu.barrier barrier_id(%barrier3A_79)
    %scan3A_80 = arith.constant 0 : i32
    %scan3A_81 = arith.constant 0 : i32
    %scan3A_82 = arith.constant 5 : i32
    %scan3A_83 = arith.addi %scan3A_81, %scan3A_82 : i32
    %scan3A_84 = arith.constant 1 : i32
    %scan3A_85 = scf.for %scan3A_87 = %scan3A_81 to %scan3A_83 step %scan3A_84 iter_args(%scan3A_88 = %scan3A_80) -> (i32)  : i32 {
      %mul3A_89 = arith.constant 640 : i32
      %mul3A_90 = arith.muli %arg1, %mul3A_89 : i32
      %mul3A_91 = arith.constant 128 : i32
      %mul3A_92 = arith.muli %scan3A_87, %mul3A_91 : i32
      %add3A_93 = arith.addi %mul3A_90, %mul3A_92 : i32
      %mul3A_94 = arith.constant 10240 : i32
      %mul3A_95 = arith.muli %arg0, %mul3A_94 : i32
      %add3A_96 = arith.addi %mul3A_95, %add3A_93 : i32
      "tpu.region"() ({
        %run_scoped3A = tpu.sem_alloc : memref<!tpu.dma_semaphore, #tpu.memory_space<semaphore_mem>>
        %dma_start3A_98 = arith.constant 0 : i32
        %dma_start3A_99 = tpu.memref_slice %arg5[%add3A_96, %dma_start3A_98] : memref<20480x128xf32, #tpu.memory_space<hbm>> -> memref<128x128xf32, #tpu.memory_space<hbm>>
        %dma_start3A_100 = arith.constant 0 : i32
        %dma_start3A_101 = tpu.memref_slice %arg6[%add3A_93, %dma_start3A_100] : memref<10240x128xf32, #tpu.memory_space<vmem_shared>> -> memref<128x128xf32, #tpu.memory_space<vmem_shared>>
        tpu.enqueue_dma source(%dma_start3A_101 : memref<128x128xf32, #tpu.memory_space<vmem_shared>>) target(%dma_start3A_99 : memref<128x128xf32, #tpu.memory_space<hbm>>) target_semaphore(%run_scoped3A : memref<!tpu.dma_semaphore, #tpu.memory_space<semaphore_mem>>)
        %dma_wait3A_102 = arith.constant 0 : i32
        %dma_wait3A_103 = tpu.memref_slice %arg5[%add3A_96, %dma_wait3A_102] : memref<20480x128xf32, #tpu.memory_space<hbm>> -> memref<128x128xf32, #tpu.memory_space<hbm>>
        %dma_wait3A_104 = arith.constant 0 : i32
        %dma_wait3A_105 = tpu.memref_slice %arg6[%add3A_93, %dma_wait3A_104] : memref<10240x128xf32, #tpu.memory_space<vmem_shared>> -> memref<128x128xf32, #tpu.memory_space<vmem_shared>>
        tpu.wait_dma2 semaphore(%run_scoped3A : memref<!tpu.dma_semaphore, #tpu.memory_space<semaphore_mem>>) src(%dma_wait3A_105 : memref<128x128xf32, #tpu.memory_space<vmem_shared>>) dst(%dma_wait3A_103 : memref<128x128xf32, #tpu.memory_space<hbm>>)
        tpu.yield
      }) : () -> ()
      %scan3A_97 = arith.constant 0 : i32
      scf.yield %scan3A_97 : i32
    }
    %scan3A_86 = arith.constant 5 : i32
    return
  }
}

module attributes {stable_mosaic.version = 14 : i64} {
  func.func @_tc1_body(%arg0: i32, %arg1: memref<1024x128xf32, #tpu.memory_space<vmem>>, %arg2: memref<2x8x128xf32, #tpu.memory_space<vmem>>, %arg3: memref<128x128xf32, #tpu.memory_space<vmem>>, %arg4: memref<1024x128xf32, #tpu.memory_space<vmem>>) attributes {dimension_semantics = [#tpu.dimension_semantics<arbitrary>], iteration_bounds = array<i64: 10>, scalar_prefetch = 0 : i64, scratch_operands = 0 : i64, tpu.core_type = #tpu.core_type<tc>, window_params = [{transform_indices = @transform_0, window_bounds = array<i64: 1024, 128>}, {transform_indices = @transform_1, window_bounds = array<i64: 2, 8, 128>}, {pipeline_mode = #tpu.pipeline_mode<synchronous>, transform_indices = @transform_2, window_bounds = array<i64: 128, 128>}, {transform_indices = @transform_3, window_bounds = array<i64: 1024, 128>}]} {
    %get3A = arith.constant 0 : index
    %get3A_0 = arith.constant 0 : index
    %get3A_1 = vector.load %arg1[%get3A, %get3A_0] : memref<1024x128xf32, #tpu.memory_space<vmem>>, vector<128x128xf32>
    %get3A_2 = arith.constant 0 : index
    %get3A_3 = arith.constant 0 : index
    %get3A_4 = arith.constant 0 : index
    %get3A_5 = vector.load %arg2[%get3A_2, %get3A_3, %get3A_4] : memref<2x8x128xf32, #tpu.memory_space<vmem>>, vector<1x1x128xf32>
    %get3A_6 = vector.shape_cast %get3A_5 : vector<1x1x128xf32> to vector<1x128xf32>
    %get3A_7 = arith.constant 1 : index
    %get3A_8 = arith.constant 0 : index
    %get3A_9 = arith.constant 0 : index
    %get3A_10 = vector.load %arg2[%get3A_7, %get3A_8, %get3A_9] : memref<2x8x128xf32, #tpu.memory_space<vmem>>, vector<1x1x128xf32>
    %get3A_11 = vector.shape_cast %get3A_10 : vector<1x1x128xf32> to vector<1x128xf32>
    %add3A = arith.addf %get3A_6, %get3A_11 : vector<1x128xf32>
    %gt3A = arith.constant 0.000000e+00 : f32
    %gt3A_12 = vector.broadcast %gt3A : f32 to vector<1x128xf32>
    %gt3A_13 = arith.cmpf ogt, %add3A, %gt3A_12 : vector<1x128xf32>
    %rsqrt3A = math.rsqrt %add3A : vector<1x128xf32>
    %jit3A = arith.constant 0.000000e+00 : f32
    %broadcast_in_dim3A = vector.broadcast %jit3A : f32 to vector<1x128xf32>
    %select_n3A = arith.select %gt3A_13, %rsqrt3A, %broadcast_in_dim3A : vector<1x128xi1>, vector<1x128xf32>
    %broadcast_in_dim3A_14 = vector.shape_cast %select_n3A : vector<1x128xf32> to vector<1x128xf32>
    %broadcast_in_dim3A_15 = vector.broadcast %broadcast_in_dim3A_14 : vector<1x128xf32> to vector<128x128xf32>
    %transpose3A = tpu.transpose %broadcast_in_dim3A_15, [1, 0] : vector<128x128xf32> -> vector<128x128xf32>
    %mul3A = arith.mulf %get3A_1, %transpose3A : vector<128x128xf32>
    %get3A_16 = arith.constant 0 : index
    %get3A_17 = arith.constant 0 : index
    %get3A_18 = vector.load %arg3[%get3A_16, %get3A_17] : memref<128x128xf32, #tpu.memory_space<vmem>>, vector<128x128xf32>
    %dot_general3A = arith.constant dense<0.000000e+00> : vector<128x128xf32>
    %dot_general3A_19 = tpu.matmul %mul3A, %get3A_18, %dot_general3A {dimension_numbers = #tpu.dot_dimension_numbers<[1], [0], [0], [1], [0, 0, 1, 1], [], []>, transpose_lhs_hint = false} : vector<128x128xf32>, vector<128x128xf32>, vector<128x128xf32> -> vector<128x128xf32>
    %swap3A = arith.constant 0 : index
    %swap3A_20 = arith.constant 0 : index
    %swap3A_21 = vector.load %arg4[%swap3A, %swap3A_20] : memref<1024x128xf32, #tpu.memory_space<vmem>>, vector<128x128xf32>
    tpu.vector_store %arg4[%swap3A, %swap3A_20], %dot_general3A_19 {strides = array<i32>} : memref<1024x128xf32, #tpu.memory_space<vmem>>, vector<128x128xf32>,
    %get3A_22 = arith.constant 128 : index
    %get3A_23 = arith.constant 0 : index
    %get3A_24 = vector.load %arg1[%get3A_22, %get3A_23] : memref<1024x128xf32, #tpu.memory_space<vmem>>, vector<128x128xf32>
    %get3A_25 = arith.constant 0 : index
    %get3A_26 = arith.constant 1 : index
    %get3A_27 = arith.constant 0 : index
    %get3A_28 = vector.load %arg2[%get3A_25, %get3A_26, %get3A_27] : memref<2x8x128xf32, #tpu.memory_space<vmem>>, vector<1x1x128xf32>
    %get3A_29 = vector.shape_cast %get3A_28 : vector<1x1x128xf32> to vector<1x128xf32>
    %get3A_30 = arith.constant 1 : index
    %get3A_31 = arith.constant 1 : index
    %get3A_32 = arith.constant 0 : index
    %get3A_33 = vector.load %arg2[%get3A_30, %get3A_31, %get3A_32] : memref<2x8x128xf32, #tpu.memory_space<vmem>>, vector<1x1x128xf32>
    %get3A_34 = vector.shape_cast %get3A_33 : vector<1x1x128xf32> to vector<1x128xf32>
    %add3A_35 = arith.addf %get3A_29, %get3A_34 : vector<1x128xf32>
    %gt3A_36 = arith.constant 0.000000e+00 : f32
    %gt3A_37 = vector.broadcast %gt3A_36 : f32 to vector<1x128xf32>
    %gt3A_38 = arith.cmpf ogt, %add3A_35, %gt3A_37 : vector<1x128xf32>
    %rsqrt3A_39 = math.rsqrt %add3A_35 : vector<1x128xf32>
    %jit3A_40 = arith.constant 0.000000e+00 : f32
    %broadcast_in_dim3A_41 = vector.broadcast %jit3A_40 : f32 to vector<1x128xf32>
    %select_n3A_42 = arith.select %gt3A_38, %rsqrt3A_39, %broadcast_in_dim3A_41 : vector<1x128xi1>, vector<1x128xf32>
    %broadcast_in_dim3A_43 = vector.shape_cast %select_n3A_42 : vector<1x128xf32> to vector<1x128xf32>
    %broadcast_in_dim3A_44 = vector.broadcast %broadcast_in_dim3A_43 : vector<1x128xf32> to vector<128x128xf32>
    %transpose3A_45 = tpu.transpose %broadcast_in_dim3A_44, [1, 0] : vector<128x128xf32> -> vector<128x128xf32>
    %mul3A_46 = arith.mulf %get3A_24, %transpose3A_45 : vector<128x128xf32>
    %get3A_47 = arith.constant 0 : index
    %get3A_48 = arith.constant 0 : index
    %get3A_49 = vector.load %arg3[%get3A_47, %get3A_48] : memref<128x128xf32, #tpu.memory_space<vmem>>, vector<128x128xf32>
    %dot_general3A_50 = arith.constant dense<0.000000e+00> : vector<128x128xf32>
    %dot_general3A_51 = tpu.matmul %mul3A_46, %get3A_49, %dot_general3A_50 {dimension_numbers = #tpu.dot_dimension_numbers<[1], [0], [0], [1], [0, 0, 1, 1], [], []>, transpose_lhs_hint = false} : vector<128x128xf32>, vector<128x128xf32>, vector<128x128xf32> -> vector<128x128xf32>
    %swap3A_52 = arith.constant 128 : index
    %swap3A_53 = arith.constant 0 : index
    %swap3A_54 = vector.load %arg4[%swap3A_52, %swap3A_53] : memref<1024x128xf32, #tpu.memory_space<vmem>>, vector<128x128xf32>
    tpu.vector_store %arg4[%swap3A_52, %swap3A_53], %dot_general3A_51 {strides = array<i32>} : memref<1024x128xf32, #tpu.memory_space<vmem>>, vector<128x128xf32>,
    %get3A_55 = arith.constant 256 : index
    %get3A_56 = arith.constant 0 : index
    %get3A_57 = vector.load %arg1[%get3A_55, %get3A_56] : memref<1024x128xf32, #tpu.memory_space<vmem>>, vector<128x128xf32>
    %get3A_58 = arith.constant 0 : index
    %get3A_59 = arith.constant 2 : index
    %get3A_60 = arith.constant 0 : index
    %get3A_61 = vector.load %arg2[%get3A_58, %get3A_59, %get3A_60] : memref<2x8x128xf32, #tpu.memory_space<vmem>>, vector<1x1x128xf32>
    %get3A_62 = vector.shape_cast %get3A_61 : vector<1x1x128xf32> to vector<1x128xf32>
    %get3A_63 = arith.constant 1 : index
    %get3A_64 = arith.constant 2 : index
    %get3A_65 = arith.constant 0 : index
    %get3A_66 = vector.load %arg2[%get3A_63, %get3A_64, %get3A_65] : memref<2x8x128xf32, #tpu.memory_space<vmem>>, vector<1x1x128xf32>
    %get3A_67 = vector.shape_cast %get3A_66 : vector<1x1x128xf32> to vector<1x128xf32>
    %add3A_68 = arith.addf %get3A_62, %get3A_67 : vector<1x128xf32>
    %gt3A_69 = arith.constant 0.000000e+00 : f32
    %gt3A_70 = vector.broadcast %gt3A_69 : f32 to vector<1x128xf32>
    %gt3A_71 = arith.cmpf ogt, %add3A_68, %gt3A_70 : vector<1x128xf32>
    %rsqrt3A_72 = math.rsqrt %add3A_68 : vector<1x128xf32>
    %jit3A_73 = arith.constant 0.000000e+00 : f32
    %broadcast_in_dim3A_74 = vector.broadcast %jit3A_73 : f32 to vector<1x128xf32>
    %select_n3A_75 = arith.select %gt3A_71, %rsqrt3A_72, %broadcast_in_dim3A_74 : vector<1x128xi1>, vector<1x128xf32>
    %broadcast_in_dim3A_76 = vector.shape_cast %select_n3A_75 : vector<1x128xf32> to vector<1x128xf32>
    %broadcast_in_dim3A_77 = vector.broadcast %broadcast_in_dim3A_76 : vector<1x128xf32> to vector<128x128xf32>
    %transpose3A_78 = tpu.transpose %broadcast_in_dim3A_77, [1, 0] : vector<128x128xf32> -> vector<128x128xf32>
    %mul3A_79 = arith.mulf %get3A_57, %transpose3A_78 : vector<128x128xf32>
    %get3A_80 = arith.constant 0 : index
    %get3A_81 = arith.constant 0 : index
    %get3A_82 = vector.load %arg3[%get3A_80, %get3A_81] : memref<128x128xf32, #tpu.memory_space<vmem>>, vector<128x128xf32>
    %dot_general3A_83 = arith.constant dense<0.000000e+00> : vector<128x128xf32>
    %dot_general3A_84 = tpu.matmul %mul3A_79, %get3A_82, %dot_general3A_83 {dimension_numbers = #tpu.dot_dimension_numbers<[1], [0], [0], [1], [0, 0, 1, 1], [], []>, transpose_lhs_hint = false} : vector<128x128xf32>, vector<128x128xf32>, vector<128x128xf32> -> vector<128x128xf32>
    %swap3A_85 = arith.constant 256 : index
    %swap3A_86 = arith.constant 0 : index
    %swap3A_87 = vector.load %arg4[%swap3A_85, %swap3A_86] : memref<1024x128xf32, #tpu.memory_space<vmem>>, vector<128x128xf32>
    tpu.vector_store %arg4[%swap3A_85, %swap3A_86], %dot_general3A_84 {strides = array<i32>} : memref<1024x128xf32, #tpu.memory_space<vmem>>, vector<128x128xf32>,
    %get3A_88 = arith.constant 384 : index
    %get3A_89 = arith.constant 0 : index
    %get3A_90 = vector.load %arg1[%get3A_88, %get3A_89] : memref<1024x128xf32, #tpu.memory_space<vmem>>, vector<128x128xf32>
    %get3A_91 = arith.constant 0 : index
    %get3A_92 = arith.constant 3 : index
    %get3A_93 = arith.constant 0 : index
    %get3A_94 = vector.load %arg2[%get3A_91, %get3A_92, %get3A_93] : memref<2x8x128xf32, #tpu.memory_space<vmem>>, vector<1x1x128xf32>
    %get3A_95 = vector.shape_cast %get3A_94 : vector<1x1x128xf32> to vector<1x128xf32>
    %get3A_96 = arith.constant 1 : index
    %get3A_97 = arith.constant 3 : index
    %get3A_98 = arith.constant 0 : index
    %get3A_99 = vector.load %arg2[%get3A_96, %get3A_97, %get3A_98] : memref<2x8x128xf32, #tpu.memory_space<vmem>>, vector<1x1x128xf32>
    %get3A_100 = vector.shape_cast %get3A_99 : vector<1x1x128xf32> to vector<1x128xf32>
    %add3A_101 = arith.addf %get3A_95, %get3A_100 : vector<1x128xf32>
    %gt3A_102 = arith.constant 0.000000e+00 : f32
    %gt3A_103 = vector.broadcast %gt3A_102 : f32 to vector<1x128xf32>
    %gt3A_104 = arith.cmpf ogt, %add3A_101, %gt3A_103 : vector<1x128xf32>
    %rsqrt3A_105 = math.rsqrt %add3A_101 : vector<1x128xf32>
    %jit3A_106 = arith.constant 0.000000e+00 : f32
    %broadcast_in_dim3A_107 = vector.broadcast %jit3A_106 : f32 to vector<1x128xf32>
    %select_n3A_108 = arith.select %gt3A_104, %rsqrt3A_105, %broadcast_in_dim3A_107 : vector<1x128xi1>, vector<1x128xf32>
    %broadcast_in_dim3A_109 = vector.shape_cast %select_n3A_108 : vector<1x128xf32> to vector<1x128xf32>
    %broadcast_in_dim3A_110 = vector.broadcast %broadcast_in_dim3A_109 : vector<1x128xf32> to vector<128x128xf32>
    %transpose3A_111 = tpu.transpose %broadcast_in_dim3A_110, [1, 0] : vector<128x128xf32> -> vector<128x128xf32>
    %mul3A_112 = arith.mulf %get3A_90, %transpose3A_111 : vector<128x128xf32>
    %get3A_113 = arith.constant 0 : index
    %get3A_114 = arith.constant 0 : index
    %get3A_115 = vector.load %arg3[%get3A_113, %get3A_114] : memref<128x128xf32, #tpu.memory_space<vmem>>, vector<128x128xf32>
    %dot_general3A_116 = arith.constant dense<0.000000e+00> : vector<128x128xf32>
    %dot_general3A_117 = tpu.matmul %mul3A_112, %get3A_115, %dot_general3A_116 {dimension_numbers = #tpu.dot_dimension_numbers<[1], [0], [0], [1], [0, 0, 1, 1], [], []>, transpose_lhs_hint = false} : vector<128x128xf32>, vector<128x128xf32>, vector<128x128xf32> -> vector<128x128xf32>
    %swap3A_118 = arith.constant 384 : index
    %swap3A_119 = arith.constant 0 : index
    %swap3A_120 = vector.load %arg4[%swap3A_118, %swap3A_119] : memref<1024x128xf32, #tpu.memory_space<vmem>>, vector<128x128xf32>
    tpu.vector_store %arg4[%swap3A_118, %swap3A_119], %dot_general3A_117 {strides = array<i32>} : memref<1024x128xf32, #tpu.memory_space<vmem>>, vector<128x128xf32>,
    %get3A_121 = arith.constant 512 : index
    %get3A_122 = arith.constant 0 : index
    %get3A_123 = vector.load %arg1[%get3A_121, %get3A_122] : memref<1024x128xf32, #tpu.memory_space<vmem>>, vector<128x128xf32>
    %get3A_124 = arith.constant 0 : index
    %get3A_125 = arith.constant 4 : index
    %get3A_126 = arith.constant 0 : index
    %get3A_127 = vector.load %arg2[%get3A_124, %get3A_125, %get3A_126] : memref<2x8x128xf32, #tpu.memory_space<vmem>>, vector<1x1x128xf32>
    %get3A_128 = vector.shape_cast %get3A_127 : vector<1x1x128xf32> to vector<1x128xf32>
    %get3A_129 = arith.constant 1 : index
    %get3A_130 = arith.constant 4 : index
    %get3A_131 = arith.constant 0 : index
    %get3A_132 = vector.load %arg2[%get3A_129, %get3A_130, %get3A_131] : memref<2x8x128xf32, #tpu.memory_space<vmem>>, vector<1x1x128xf32>
    %get3A_133 = vector.shape_cast %get3A_132 : vector<1x1x128xf32> to vector<1x128xf32>
    %add3A_134 = arith.addf %get3A_128, %get3A_133 : vector<1x128xf32>
    %gt3A_135 = arith.constant 0.000000e+00 : f32
    %gt3A_136 = vector.broadcast %gt3A_135 : f32 to vector<1x128xf32>
    %gt3A_137 = arith.cmpf ogt, %add3A_134, %gt3A_136 : vector<1x128xf32>
    %rsqrt3A_138 = math.rsqrt %add3A_134 : vector<1x128xf32>
    %jit3A_139 = arith.constant 0.000000e+00 : f32
    %broadcast_in_dim3A_140 = vector.broadcast %jit3A_139 : f32 to vector<1x128xf32>
    %select_n3A_141 = arith.select %gt3A_137, %rsqrt3A_138, %broadcast_in_dim3A_140 : vector<1x128xi1>, vector<1x128xf32>
    %broadcast_in_dim3A_142 = vector.shape_cast %select_n3A_141 : vector<1x128xf32> to vector<1x128xf32>
    %broadcast_in_dim3A_143 = vector.broadcast %broadcast_in_dim3A_142 : vector<1x128xf32> to vector<128x128xf32>
    %transpose3A_144 = tpu.transpose %broadcast_in_dim3A_143, [1, 0] : vector<128x128xf32> -> vector<128x128xf32>
    %mul3A_145 = arith.mulf %get3A_123, %transpose3A_144 : vector<128x128xf32>
    %get3A_146 = arith.constant 0 : index
    %get3A_147 = arith.constant 0 : index
    %get3A_148 = vector.load %arg3[%get3A_146, %get3A_147] : memref<128x128xf32, #tpu.memory_space<vmem>>, vector<128x128xf32>
    %dot_general3A_149 = arith.constant dense<0.000000e+00> : vector<128x128xf32>
    %dot_general3A_150 = tpu.matmul %mul3A_145, %get3A_148, %dot_general3A_149 {dimension_numbers = #tpu.dot_dimension_numbers<[1], [0], [0], [1], [0, 0, 1, 1], [], []>, transpose_lhs_hint = false} : vector<128x128xf32>, vector<128x128xf32>, vector<128x128xf32> -> vector<128x128xf32>
    %swap3A_151 = arith.constant 512 : index
    %swap3A_152 = arith.constant 0 : index
    %swap3A_153 = vector.load %arg4[%swap3A_151, %swap3A_152] : memref<1024x128xf32, #tpu.memory_space<vmem>>, vector<128x128xf32>
    tpu.vector_store %arg4[%swap3A_151, %swap3A_152], %dot_general3A_150 {strides = array<i32>} : memref<1024x128xf32, #tpu.memory_space<vmem>>, vector<128x128xf32>,
    %get3A_154 = arith.constant 640 : index
    %get3A_155 = arith.constant 0 : index
    %get3A_156 = vector.load %arg1[%get3A_154, %get3A_155] : memref<1024x128xf32, #tpu.memory_space<vmem>>, vector<128x128xf32>
    %get3A_157 = arith.constant 0 : index
    %get3A_158 = arith.constant 5 : index
    %get3A_159 = arith.constant 0 : index
    %get3A_160 = vector.load %arg2[%get3A_157, %get3A_158, %get3A_159] : memref<2x8x128xf32, #tpu.memory_space<vmem>>, vector<1x1x128xf32>
    %get3A_161 = vector.shape_cast %get3A_160 : vector<1x1x128xf32> to vector<1x128xf32>
    %get3A_162 = arith.constant 1 : index
    %get3A_163 = arith.constant 5 : index
    %get3A_164 = arith.constant 0 : index
    %get3A_165 = vector.load %arg2[%get3A_162, %get3A_163, %get3A_164] : memref<2x8x128xf32, #tpu.memory_space<vmem>>, vector<1x1x128xf32>
    %get3A_166 = vector.shape_cast %get3A_165 : vector<1x1x128xf32> to vector<1x128xf32>
    %add3A_167 = arith.addf %get3A_161, %get3A_166 : vector<1x128xf32>
    %gt3A_168 = arith.constant 0.000000e+00 : f32
    %gt3A_169 = vector.broadcast %gt3A_168 : f32 to vector<1x128xf32>
    %gt3A_170 = arith.cmpf ogt, %add3A_167, %gt3A_169 : vector<1x128xf32>
    %rsqrt3A_171 = math.rsqrt %add3A_167 : vector<1x128xf32>
    %jit3A_172 = arith.constant 0.000000e+00 : f32
    %broadcast_in_dim3A_173 = vector.broadcast %jit3A_172 : f32 to vector<1x128xf32>
    %select_n3A_174 = arith.select %gt3A_170, %rsqrt3A_171, %broadcast_in_dim3A_173 : vector<1x128xi1>, vector<1x128xf32>
    %broadcast_in_dim3A_175 = vector.shape_cast %select_n3A_174 : vector<1x128xf32> to vector<1x128xf32>
    %broadcast_in_dim3A_176 = vector.broadcast %broadcast_in_dim3A_175 : vector<1x128xf32> to vector<128x128xf32>
    %transpose3A_177 = tpu.transpose %broadcast_in_dim3A_176, [1, 0] : vector<128x128xf32> -> vector<128x128xf32>
    %mul3A_178 = arith.mulf %get3A_156, %transpose3A_177 : vector<128x128xf32>
    %get3A_179 = arith.constant 0 : index
    %get3A_180 = arith.constant 0 : index
    %get3A_181 = vector.load %arg3[%get3A_179, %get3A_180] : memref<128x128xf32, #tpu.memory_space<vmem>>, vector<128x128xf32>
    %dot_general3A_182 = arith.constant dense<0.000000e+00> : vector<128x128xf32>
    %dot_general3A_183 = tpu.matmul %mul3A_178, %get3A_181, %dot_general3A_182 {dimension_numbers = #tpu.dot_dimension_numbers<[1], [0], [0], [1], [0, 0, 1, 1], [], []>, transpose_lhs_hint = false} : vector<128x128xf32>, vector<128x128xf32>, vector<128x128xf32> -> vector<128x128xf32>
    %swap3A_184 = arith.constant 640 : index
    %swap3A_185 = arith.constant 0 : index
    %swap3A_186 = vector.load %arg4[%swap3A_184, %swap3A_185] : memref<1024x128xf32, #tpu.memory_space<vmem>>, vector<128x128xf32>
    tpu.vector_store %arg4[%swap3A_184, %swap3A_185], %dot_general3A_183 {strides = array<i32>} : memref<1024x128xf32, #tpu.memory_space<vmem>>, vector<128x128xf32>,
    %get3A_187 = arith.constant 768 : index
    %get3A_188 = arith.constant 0 : index
    %get3A_189 = vector.load %arg1[%get3A_187, %get3A_188] : memref<1024x128xf32, #tpu.memory_space<vmem>>, vector<128x128xf32>
    %get3A_190 = arith.constant 0 : index
    %get3A_191 = arith.constant 6 : index
    %get3A_192 = arith.constant 0 : index
    %get3A_193 = vector.load %arg2[%get3A_190, %get3A_191, %get3A_192] : memref<2x8x128xf32, #tpu.memory_space<vmem>>, vector<1x1x128xf32>
    %get3A_194 = vector.shape_cast %get3A_193 : vector<1x1x128xf32> to vector<1x128xf32>
    %get3A_195 = arith.constant 1 : index
    %get3A_196 = arith.constant 6 : index
    %get3A_197 = arith.constant 0 : index
    %get3A_198 = vector.load %arg2[%get3A_195, %get3A_196, %get3A_197] : memref<2x8x128xf32, #tpu.memory_space<vmem>>, vector<1x1x128xf32>
    %get3A_199 = vector.shape_cast %get3A_198 : vector<1x1x128xf32> to vector<1x128xf32>
    %add3A_200 = arith.addf %get3A_194, %get3A_199 : vector<1x128xf32>
    %gt3A_201 = arith.constant 0.000000e+00 : f32
    %gt3A_202 = vector.broadcast %gt3A_201 : f32 to vector<1x128xf32>
    %gt3A_203 = arith.cmpf ogt, %add3A_200, %gt3A_202 : vector<1x128xf32>
    %rsqrt3A_204 = math.rsqrt %add3A_200 : vector<1x128xf32>
    %jit3A_205 = arith.constant 0.000000e+00 : f32
    %broadcast_in_dim3A_206 = vector.broadcast %jit3A_205 : f32 to vector<1x128xf32>
    %select_n3A_207 = arith.select %gt3A_203, %rsqrt3A_204, %broadcast_in_dim3A_206 : vector<1x128xi1>, vector<1x128xf32>
    %broadcast_in_dim3A_208 = vector.shape_cast %select_n3A_207 : vector<1x128xf32> to vector<1x128xf32>
    %broadcast_in_dim3A_209 = vector.broadcast %broadcast_in_dim3A_208 : vector<1x128xf32> to vector<128x128xf32>
    %transpose3A_210 = tpu.transpose %broadcast_in_dim3A_209, [1, 0] : vector<128x128xf32> -> vector<128x128xf32>
    %mul3A_211 = arith.mulf %get3A_189, %transpose3A_210 : vector<128x128xf32>
    %get3A_212 = arith.constant 0 : index
    %get3A_213 = arith.constant 0 : index
    %get3A_214 = vector.load %arg3[%get3A_212, %get3A_213] : memref<128x128xf32, #tpu.memory_space<vmem>>, vector<128x128xf32>
    %dot_general3A_215 = arith.constant dense<0.000000e+00> : vector<128x128xf32>
    %dot_general3A_216 = tpu.matmul %mul3A_211, %get3A_214, %dot_general3A_215 {dimension_numbers = #tpu.dot_dimension_numbers<[1], [0], [0], [1], [0, 0, 1, 1], [], []>, transpose_lhs_hint = false} : vector<128x128xf32>, vector<128x128xf32>, vector<128x128xf32> -> vector<128x128xf32>
    %swap3A_217 = arith.constant 768 : index
    %swap3A_218 = arith.constant 0 : index
    %swap3A_219 = vector.load %arg4[%swap3A_217, %swap3A_218] : memref<1024x128xf32, #tpu.memory_space<vmem>>, vector<128x128xf32>
    tpu.vector_store %arg4[%swap3A_217, %swap3A_218], %dot_general3A_216 {strides = array<i32>} : memref<1024x128xf32, #tpu.memory_space<vmem>>, vector<128x128xf32>,
    %get3A_220 = arith.constant 896 : index
    %get3A_221 = arith.constant 0 : index
    %get3A_222 = vector.load %arg1[%get3A_220, %get3A_221] : memref<1024x128xf32, #tpu.memory_space<vmem>>, vector<128x128xf32>
    %get3A_223 = arith.constant 0 : index
    %get3A_224 = arith.constant 7 : index
    %get3A_225 = arith.constant 0 : index
    %get3A_226 = vector.load %arg2[%get3A_223, %get3A_224, %get3A_225] : memref<2x8x128xf32, #tpu.memory_space<vmem>>, vector<1x1x128xf32>
    %get3A_227 = vector.shape_cast %get3A_226 : vector<1x1x128xf32> to vector<1x128xf32>
    %get3A_228 = arith.constant 1 : index
    %get3A_229 = arith.constant 7 : index
    %get3A_230 = arith.constant 0 : index
    %get3A_231 = vector.load %arg2[%get3A_228, %get3A_229, %get3A_230] : memref<2x8x128xf32, #tpu.memory_space<vmem>>, vector<1x1x128xf32>
    %get3A_232 = vector.shape_cast %get3A_231 : vector<1x1x128xf32> to vector<1x128xf32>
    %add3A_233 = arith.addf %get3A_227, %get3A_232 : vector<1x128xf32>
    %gt3A_234 = arith.constant 0.000000e+00 : f32
    %gt3A_235 = vector.broadcast %gt3A_234 : f32 to vector<1x128xf32>
    %gt3A_236 = arith.cmpf ogt, %add3A_233, %gt3A_235 : vector<1x128xf32>
    %rsqrt3A_237 = math.rsqrt %add3A_233 : vector<1x128xf32>
    %jit3A_238 = arith.constant 0.000000e+00 : f32
    %broadcast_in_dim3A_239 = vector.broadcast %jit3A_238 : f32 to vector<1x128xf32>
    %select_n3A_240 = arith.select %gt3A_236, %rsqrt3A_237, %broadcast_in_dim3A_239 : vector<1x128xi1>, vector<1x128xf32>
    %broadcast_in_dim3A_241 = vector.shape_cast %select_n3A_240 : vector<1x128xf32> to vector<1x128xf32>
    %broadcast_in_dim3A_242 = vector.broadcast %broadcast_in_dim3A_241 : vector<1x128xf32> to vector<128x128xf32>
    %transpose3A_243 = tpu.transpose %broadcast_in_dim3A_242, [1, 0] : vector<128x128xf32> -> vector<128x128xf32>
    %mul3A_244 = arith.mulf %get3A_222, %transpose3A_243 : vector<128x128xf32>
    %get3A_245 = arith.constant 0 : index
    %get3A_246 = arith.constant 0 : index
    %get3A_247 = vector.load %arg3[%get3A_245, %get3A_246] : memref<128x128xf32, #tpu.memory_space<vmem>>, vector<128x128xf32>
    %dot_general3A_248 = arith.constant dense<0.000000e+00> : vector<128x128xf32>
    %dot_general3A_249 = tpu.matmul %mul3A_244, %get3A_247, %dot_general3A_248 {dimension_numbers = #tpu.dot_dimension_numbers<[1], [0], [0], [1], [0, 0, 1, 1], [], []>, transpose_lhs_hint = false} : vector<128x128xf32>, vector<128x128xf32>, vector<128x128xf32> -> vector<128x128xf32>
    %swap3A_250 = arith.constant 896 : index
    %swap3A_251 = arith.constant 0 : index
    %swap3A_252 = vector.load %arg4[%swap3A_250, %swap3A_251] : memref<1024x128xf32, #tpu.memory_space<vmem>>, vector<128x128xf32>
    tpu.vector_store %arg4[%swap3A_250, %swap3A_251], %dot_general3A_249 {strides = array<i32>} : memref<1024x128xf32, #tpu.memory_space<vmem>>, vector<128x128xf32>,
    return
  }
  func.func @transform_0(%arg0: i32) -> (i32, i32) {
    %c0_i32 = arith.constant 0 : i32
    %c0_i32_0 = arith.constant 0 : i32
    return %arg0, %c0_i32 : i32, i32
  }
  func.func @transform_1(%arg0: i32) -> (i32, i32, i32) {
    %c0_i32 = arith.constant 0 : i32
    %c0_i32_0 = arith.constant 0 : i32
    %c0_i32_1 = arith.constant 0 : i32
    return %c0_i32, %arg0, %c0_i32_0 : i32, i32, i32
  }
  func.func @transform_2(%arg0: i32) -> (i32, i32) {
    %c0_i32 = arith.constant 0 : i32
    %c0_i32_0 = arith.constant 0 : i32
    %c0_i32_1 = arith.constant 0 : i32
    return %c0_i32, %c0_i32_0 : i32, i32
  }
  func.func @transform_3(%arg0: i32) -> (i32, i32) {
    %c0_i32 = arith.constant 0 : i32
    %c0_i32_0 = arith.constant 0 : i32
    return %arg0, %c0_i32 : i32, i32
  }
}

module attributes {stable_mosaic.version = 14 : i64} {
  func.func @_tc2_body(%arg0: i32, %arg1: memref<2x1024x128xf32, #tpu.memory_space<vmem>>, %arg2: memref<2x8x128xf32, #tpu.memory_space<vmem>>, %arg3: memref<2x8x128xf32, #tpu.memory_space<vmem>>, %arg4: memref<1x128xf32, #tpu.memory_space<vmem>>, %arg5: memref<128x128xf32, #tpu.memory_space<vmem>>, %arg6: memref<1024x128xf32, #tpu.memory_space<vmem>>) attributes {dimension_semantics = [#tpu.dimension_semantics<arbitrary>], iteration_bounds = array<i64: 10>, scalar_prefetch = 0 : i64, scratch_operands = 0 : i64, tpu.core_type = #tpu.core_type<tc>, window_params = [{transform_indices = @transform_0, window_bounds = array<i64: 2, 1024, 128>}, {transform_indices = @transform_1, window_bounds = array<i64: 2, 8, 128>}, {transform_indices = @transform_2, window_bounds = array<i64: 2, 8, 128>}, {pipeline_mode = #tpu.pipeline_mode<synchronous>, transform_indices = @transform_3, window_bounds = array<i64: 1, 128>}, {pipeline_mode = #tpu.pipeline_mode<synchronous>, transform_indices = @transform_4, window_bounds = array<i64: 128, 128>}, {transform_indices = @transform_5, window_bounds = array<i64: 1024, 128>}]} {
    %get3A = arith.constant 0 : index
    %get3A_0 = arith.constant 0 : index
    %get3A_1 = arith.constant 0 : index
    %get3A_2 = vector.load %arg1[%get3A, %get3A_0, %get3A_1] : memref<2x1024x128xf32, #tpu.memory_space<vmem>>, vector<1x128x128xf32>
    %get3A_3 = vector.shape_cast %get3A_2 : vector<1x128x128xf32> to vector<128x128xf32>
    %get3A_4 = arith.constant 1 : index
    %get3A_5 = arith.constant 0 : index
    %get3A_6 = arith.constant 0 : index
    %get3A_7 = vector.load %arg1[%get3A_4, %get3A_5, %get3A_6] : memref<2x1024x128xf32, #tpu.memory_space<vmem>>, vector<1x128x128xf32>
    %get3A_8 = vector.shape_cast %get3A_7 : vector<1x128x128xf32> to vector<128x128xf32>
    %add3A = arith.addf %get3A_3, %get3A_8 : vector<128x128xf32>
    %get3A_9 = arith.constant 0 : index
    %get3A_10 = arith.constant 0 : index
    %get3A_11 = arith.constant 0 : index
    %get3A_12 = vector.load %arg3[%get3A_9, %get3A_10, %get3A_11] : memref<2x8x128xf32, #tpu.memory_space<vmem>>, vector<1x1x128xf32>
    %get3A_13 = vector.shape_cast %get3A_12 : vector<1x1x128xf32> to vector<1x128xf32>
    %get3A_14 = arith.constant 1 : index
    %get3A_15 = arith.constant 0 : index
    %get3A_16 = arith.constant 0 : index
    %get3A_17 = vector.load %arg3[%get3A_14, %get3A_15, %get3A_16] : memref<2x8x128xf32, #tpu.memory_space<vmem>>, vector<1x1x128xf32>
    %get3A_18 = vector.shape_cast %get3A_17 : vector<1x1x128xf32> to vector<1x128xf32>
    %add3A_19 = arith.addf %get3A_13, %get3A_18 : vector<1x128xf32>
    %gt3A = arith.constant 0.000000e+00 : f32
    %gt3A_20 = vector.broadcast %gt3A : f32 to vector<1x128xf32>
    %gt3A_21 = arith.cmpf ogt, %add3A_19, %gt3A_20 : vector<1x128xf32>
    %rsqrt3A = math.rsqrt %add3A_19 : vector<1x128xf32>
    %jit3A = arith.constant 0.000000e+00 : f32
    %broadcast_in_dim3A = vector.broadcast %jit3A : f32 to vector<1x128xf32>
    %select_n3A = arith.select %gt3A_21, %rsqrt3A, %broadcast_in_dim3A : vector<1x128xi1>, vector<1x128xf32>
    %broadcast_in_dim3A_22 = vector.shape_cast %select_n3A : vector<1x128xf32> to vector<1x128xf32>
    %broadcast_in_dim3A_23 = vector.broadcast %broadcast_in_dim3A_22 : vector<1x128xf32> to vector<128x128xf32>
    %transpose3A = tpu.transpose %broadcast_in_dim3A_23, [1, 0] : vector<128x128xf32> -> vector<128x128xf32>
    %mul3A = arith.mulf %add3A, %transpose3A : vector<128x128xf32>
    %get3A_24 = arith.constant 0 : index
    %get3A_25 = arith.constant 0 : index
    %get3A_26 = vector.load %arg4[%get3A_24, %get3A_25] : memref<1x128xf32, #tpu.memory_space<vmem>>, vector<1x128xf32>
    %add3A_27 = vector.broadcast %get3A_26 : vector<1x128xf32> to vector<128x128xf32>
    %add3A_28 = arith.addf %mul3A, %add3A_27 : vector<128x128xf32>
    %max3A = arith.constant 0.000000e+00 : f32
    %max3A_29 = vector.broadcast %max3A : f32 to vector<128x128xf32>
    %max3A_30 = arith.maximumf %add3A_28, %max3A_29 : vector<128x128xf32>
    %get3A_31 = arith.constant 0 : index
    %get3A_32 = arith.constant 0 : index
    %get3A_33 = arith.constant 0 : index
    %get3A_34 = vector.load %arg2[%get3A_31, %get3A_32, %get3A_33] : memref<2x8x128xf32, #tpu.memory_space<vmem>>, vector<1x1x128xf32>
    %get3A_35 = vector.shape_cast %get3A_34 : vector<1x1x128xf32> to vector<1x128xf32>
    %get3A_36 = arith.constant 1 : index
    %get3A_37 = arith.constant 0 : index
    %get3A_38 = arith.constant 0 : index
    %get3A_39 = vector.load %arg2[%get3A_36, %get3A_37, %get3A_38] : memref<2x8x128xf32, #tpu.memory_space<vmem>>, vector<1x1x128xf32>
    %get3A_40 = vector.shape_cast %get3A_39 : vector<1x1x128xf32> to vector<1x128xf32>
    %add3A_41 = arith.addf %get3A_35, %get3A_40 : vector<1x128xf32>
    %gt3A_42 = arith.constant 0.000000e+00 : f32
    %gt3A_43 = vector.broadcast %gt3A_42 : f32 to vector<1x128xf32>
    %gt3A_44 = arith.cmpf ogt, %add3A_41, %gt3A_43 : vector<1x128xf32>
    %rsqrt3A_45 = math.rsqrt %add3A_41 : vector<1x128xf32>
    %jit3A_46 = arith.constant 0.000000e+00 : f32
    %broadcast_in_dim3A_47 = vector.broadcast %jit3A_46 : f32 to vector<1x128xf32>
    %select_n3A_48 = arith.select %gt3A_44, %rsqrt3A_45, %broadcast_in_dim3A_47 : vector<1x128xi1>, vector<1x128xf32>
    %broadcast_in_dim3A_49 = vector.shape_cast %select_n3A_48 : vector<1x128xf32> to vector<1x128xf32>
    %broadcast_in_dim3A_50 = vector.broadcast %broadcast_in_dim3A_49 : vector<1x128xf32> to vector<128x128xf32>
    %transpose3A_51 = tpu.transpose %broadcast_in_dim3A_50, [1, 0] : vector<128x128xf32> -> vector<128x128xf32>
    %mul3A_52 = arith.mulf %max3A_30, %transpose3A_51 : vector<128x128xf32>
    %get3A_53 = arith.constant 0 : index
    %get3A_54 = arith.constant 0 : index
    %get3A_55 = vector.load %arg5[%get3A_53, %get3A_54] : memref<128x128xf32, #tpu.memory_space<vmem>>, vector<128x128xf32>
    %dot_general3A = arith.constant dense<0.000000e+00> : vector<128x128xf32>
    %dot_general3A_56 = tpu.matmul %mul3A_52, %get3A_55, %dot_general3A {dimension_numbers = #tpu.dot_dimension_numbers<[1], [0], [0], [1], [0, 0, 1, 1], [], []>, transpose_lhs_hint = false} : vector<128x128xf32>, vector<128x128xf32>, vector<128x128xf32> -> vector<128x128xf32>
    %swap3A = arith.constant 0 : index
    %swap3A_57 = arith.constant 0 : index
    %swap3A_58 = vector.load %arg6[%swap3A, %swap3A_57] : memref<1024x128xf32, #tpu.memory_space<vmem>>, vector<128x128xf32>
    tpu.vector_store %arg6[%swap3A, %swap3A_57], %dot_general3A_56 {strides = array<i32>} : memref<1024x128xf32, #tpu.memory_space<vmem>>, vector<128x128xf32>,
    %get3A_59 = arith.constant 0 : index
    %get3A_60 = arith.constant 128 : index
    %get3A_61 = arith.constant 0 : index
    %get3A_62 = vector.load %arg1[%get3A_59, %get3A_60, %get3A_61] : memref<2x1024x128xf32, #tpu.memory_space<vmem>>, vector<1x128x128xf32>
    %get3A_63 = vector.shape_cast %get3A_62 : vector<1x128x128xf32> to vector<128x128xf32>
    %get3A_64 = arith.constant 1 : index
    %get3A_65 = arith.constant 128 : index
    %get3A_66 = arith.constant 0 : index
    %get3A_67 = vector.load %arg1[%get3A_64, %get3A_65, %get3A_66] : memref<2x1024x128xf32, #tpu.memory_space<vmem>>, vector<1x128x128xf32>
    %get3A_68 = vector.shape_cast %get3A_67 : vector<1x128x128xf32> to vector<128x128xf32>
    %add3A_69 = arith.addf %get3A_63, %get3A_68 : vector<128x128xf32>
    %get3A_70 = arith.constant 0 : index
    %get3A_71 = arith.constant 1 : index
    %get3A_72 = arith.constant 0 : index
    %get3A_73 = vector.load %arg3[%get3A_70, %get3A_71, %get3A_72] : memref<2x8x128xf32, #tpu.memory_space<vmem>>, vector<1x1x128xf32>
    %get3A_74 = vector.shape_cast %get3A_73 : vector<1x1x128xf32> to vector<1x128xf32>
    %get3A_75 = arith.constant 1 : index
    %get3A_76 = arith.constant 1 : index
    %get3A_77 = arith.constant 0 : index
    %get3A_78 = vector.load %arg3[%get3A_75, %get3A_76, %get3A_77] : memref<2x8x128xf32, #tpu.memory_space<vmem>>, vector<1x1x128xf32>
    %get3A_79 = vector.shape_cast %get3A_78 : vector<1x1x128xf32> to vector<1x128xf32>
    %add3A_80 = arith.addf %get3A_74, %get3A_79 : vector<1x128xf32>
    %gt3A_81 = arith.constant 0.000000e+00 : f32
    %gt3A_82 = vector.broadcast %gt3A_81 : f32 to vector<1x128xf32>
    %gt3A_83 = arith.cmpf ogt, %add3A_80, %gt3A_82 : vector<1x128xf32>
    %rsqrt3A_84 = math.rsqrt %add3A_80 : vector<1x128xf32>
    %jit3A_85 = arith.constant 0.000000e+00 : f32
    %broadcast_in_dim3A_86 = vector.broadcast %jit3A_85 : f32 to vector<1x128xf32>
    %select_n3A_87 = arith.select %gt3A_83, %rsqrt3A_84, %broadcast_in_dim3A_86 : vector<1x128xi1>, vector<1x128xf32>
    %broadcast_in_dim3A_88 = vector.shape_cast %select_n3A_87 : vector<1x128xf32> to vector<1x128xf32>
    %broadcast_in_dim3A_89 = vector.broadcast %broadcast_in_dim3A_88 : vector<1x128xf32> to vector<128x128xf32>
    %transpose3A_90 = tpu.transpose %broadcast_in_dim3A_89, [1, 0] : vector<128x128xf32> -> vector<128x128xf32>
    %mul3A_91 = arith.mulf %add3A_69, %transpose3A_90 : vector<128x128xf32>
    %get3A_92 = arith.constant 0 : index
    %get3A_93 = arith.constant 0 : index
    %get3A_94 = vector.load %arg4[%get3A_92, %get3A_93] : memref<1x128xf32, #tpu.memory_space<vmem>>, vector<1x128xf32>
    %add3A_95 = vector.broadcast %get3A_94 : vector<1x128xf32> to vector<128x128xf32>
    %add3A_96 = arith.addf %mul3A_91, %add3A_95 : vector<128x128xf32>
    %max3A_97 = arith.constant 0.000000e+00 : f32
    %max3A_98 = vector.broadcast %max3A_97 : f32 to vector<128x128xf32>
    %max3A_99 = arith.maximumf %add3A_96, %max3A_98 : vector<128x128xf32>
    %get3A_100 = arith.constant 0 : index
    %get3A_101 = arith.constant 1 : index
    %get3A_102 = arith.constant 0 : index
    %get3A_103 = vector.load %arg2[%get3A_100, %get3A_101, %get3A_102] : memref<2x8x128xf32, #tpu.memory_space<vmem>>, vector<1x1x128xf32>
    %get3A_104 = vector.shape_cast %get3A_103 : vector<1x1x128xf32> to vector<1x128xf32>
    %get3A_105 = arith.constant 1 : index
    %get3A_106 = arith.constant 1 : index
    %get3A_107 = arith.constant 0 : index
    %get3A_108 = vector.load %arg2[%get3A_105, %get3A_106, %get3A_107] : memref<2x8x128xf32, #tpu.memory_space<vmem>>, vector<1x1x128xf32>
    %get3A_109 = vector.shape_cast %get3A_108 : vector<1x1x128xf32> to vector<1x128xf32>
    %add3A_110 = arith.addf %get3A_104, %get3A_109 : vector<1x128xf32>
    %gt3A_111 = arith.constant 0.000000e+00 : f32
    %gt3A_112 = vector.broadcast %gt3A_111 : f32 to vector<1x128xf32>
    %gt3A_113 = arith.cmpf ogt, %add3A_110, %gt3A_112 : vector<1x128xf32>
    %rsqrt3A_114 = math.rsqrt %add3A_110 : vector<1x128xf32>
    %jit3A_115 = arith.constant 0.000000e+00 : f32
    %broadcast_in_dim3A_116 = vector.broadcast %jit3A_115 : f32 to vector<1x128xf32>
    %select_n3A_117 = arith.select %gt3A_113, %rsqrt3A_114, %broadcast_in_dim3A_116 : vector<1x128xi1>, vector<1x128xf32>
    %broadcast_in_dim3A_118 = vector.shape_cast %select_n3A_117 : vector<1x128xf32> to vector<1x128xf32>
    %broadcast_in_dim3A_119 = vector.broadcast %broadcast_in_dim3A_118 : vector<1x128xf32> to vector<128x128xf32>
    %transpose3A_120 = tpu.transpose %broadcast_in_dim3A_119, [1, 0] : vector<128x128xf32> -> vector<128x128xf32>
    %mul3A_121 = arith.mulf %max3A_99, %transpose3A_120 : vector<128x128xf32>
    %get3A_122 = arith.constant 0 : index
    %get3A_123 = arith.constant 0 : index
    %get3A_124 = vector.load %arg5[%get3A_122, %get3A_123] : memref<128x128xf32, #tpu.memory_space<vmem>>, vector<128x128xf32>
    %dot_general3A_125 = arith.constant dense<0.000000e+00> : vector<128x128xf32>
    %dot_general3A_126 = tpu.matmul %mul3A_121, %get3A_124, %dot_general3A_125 {dimension_numbers = #tpu.dot_dimension_numbers<[1], [0], [0], [1], [0, 0, 1, 1], [], []>, transpose_lhs_hint = false} : vector<128x128xf32>, vector<128x128xf32>, vector<128x128xf32> -> vector<128x128xf32>
    %swap3A_127 = arith.constant 128 : index
    %swap3A_128 = arith.constant 0 : index
    %swap3A_129 = vector.load %arg6[%swap3A_127, %swap3A_128] : memref<1024x128xf32, #tpu.memory_space<vmem>>, vector<128x128xf32>
    tpu.vector_store %arg6[%swap3A_127, %swap3A_128], %dot_general3A_126 {strides = array<i32>} : memref<1024x128xf32, #tpu.memory_space<vmem>>, vector<128x128xf32>,
    %get3A_130 = arith.constant 0 : index
    %get3A_131 = arith.constant 256 : index
    %get3A_132 = arith.constant 0 : index
    %get3A_133 = vector.load %arg1[%get3A_130, %get3A_131, %get3A_132] : memref<2x1024x128xf32, #tpu.memory_space<vmem>>, vector<1x128x128xf32>
    %get3A_134 = vector.shape_cast %get3A_133 : vector<1x128x128xf32> to vector<128x128xf32>
    %get3A_135 = arith.constant 1 : index
    %get3A_136 = arith.constant 256 : index
    %get3A_137 = arith.constant 0 : index
    %get3A_138 = vector.load %arg1[%get3A_135, %get3A_136, %get3A_137] : memref<2x1024x128xf32, #tpu.memory_space<vmem>>, vector<1x128x128xf32>
    %get3A_139 = vector.shape_cast %get3A_138 : vector<1x128x128xf32> to vector<128x128xf32>
    %add3A_140 = arith.addf %get3A_134, %get3A_139 : vector<128x128xf32>
    %get3A_141 = arith.constant 0 : index
    %get3A_142 = arith.constant 2 : index
    %get3A_143 = arith.constant 0 : index
    %get3A_144 = vector.load %arg3[%get3A_141, %get3A_142, %get3A_143] : memref<2x8x128xf32, #tpu.memory_space<vmem>>, vector<1x1x128xf32>
    %get3A_145 = vector.shape_cast %get3A_144 : vector<1x1x128xf32> to vector<1x128xf32>
    %get3A_146 = arith.constant 1 : index
    %get3A_147 = arith.constant 2 : index
    %get3A_148 = arith.constant 0 : index
    %get3A_149 = vector.load %arg3[%get3A_146, %get3A_147, %get3A_148] : memref<2x8x128xf32, #tpu.memory_space<vmem>>, vector<1x1x128xf32>
    %get3A_150 = vector.shape_cast %get3A_149 : vector<1x1x128xf32> to vector<1x128xf32>
    %add3A_151 = arith.addf %get3A_145, %get3A_150 : vector<1x128xf32>
    %gt3A_152 = arith.constant 0.000000e+00 : f32
    %gt3A_153 = vector.broadcast %gt3A_152 : f32 to vector<1x128xf32>
    %gt3A_154 = arith.cmpf ogt, %add3A_151, %gt3A_153 : vector<1x128xf32>
    %rsqrt3A_155 = math.rsqrt %add3A_151 : vector<1x128xf32>
    %jit3A_156 = arith.constant 0.000000e+00 : f32
    %broadcast_in_dim3A_157 = vector.broadcast %jit3A_156 : f32 to vector<1x128xf32>
    %select_n3A_158 = arith.select %gt3A_154, %rsqrt3A_155, %broadcast_in_dim3A_157 : vector<1x128xi1>, vector<1x128xf32>
    %broadcast_in_dim3A_159 = vector.shape_cast %select_n3A_158 : vector<1x128xf32> to vector<1x128xf32>
    %broadcast_in_dim3A_160 = vector.broadcast %broadcast_in_dim3A_159 : vector<1x128xf32> to vector<128x128xf32>
    %transpose3A_161 = tpu.transpose %broadcast_in_dim3A_160, [1, 0] : vector<128x128xf32> -> vector<128x128xf32>
    %mul3A_162 = arith.mulf %add3A_140, %transpose3A_161 : vector<128x128xf32>
    %get3A_163 = arith.constant 0 : index
    %get3A_164 = arith.constant 0 : index
    %get3A_165 = vector.load %arg4[%get3A_163, %get3A_164] : memref<1x128xf32, #tpu.memory_space<vmem>>, vector<1x128xf32>
    %add3A_166 = vector.broadcast %get3A_165 : vector<1x128xf32> to vector<128x128xf32>
    %add3A_167 = arith.addf %mul3A_162, %add3A_166 : vector<128x128xf32>
    %max3A_168 = arith.constant 0.000000e+00 : f32
    %max3A_169 = vector.broadcast %max3A_168 : f32 to vector<128x128xf32>
    %max3A_170 = arith.maximumf %add3A_167, %max3A_169 : vector<128x128xf32>
    %get3A_171 = arith.constant 0 : index
    %get3A_172 = arith.constant 2 : index
    %get3A_173 = arith.constant 0 : index
    %get3A_174 = vector.load %arg2[%get3A_171, %get3A_172, %get3A_173] : memref<2x8x128xf32, #tpu.memory_space<vmem>>, vector<1x1x128xf32>
    %get3A_175 = vector.shape_cast %get3A_174 : vector<1x1x128xf32> to vector<1x128xf32>
    %get3A_176 = arith.constant 1 : index
    %get3A_177 = arith.constant 2 : index
    %get3A_178 = arith.constant 0 : index
    %get3A_179 = vector.load %arg2[%get3A_176, %get3A_177, %get3A_178] : memref<2x8x128xf32, #tpu.memory_space<vmem>>, vector<1x1x128xf32>
    %get3A_180 = vector.shape_cast %get3A_179 : vector<1x1x128xf32> to vector<1x128xf32>
    %add3A_181 = arith.addf %get3A_175, %get3A_180 : vector<1x128xf32>
    %gt3A_182 = arith.constant 0.000000e+00 : f32
    %gt3A_183 = vector.broadcast %gt3A_182 : f32 to vector<1x128xf32>
    %gt3A_184 = arith.cmpf ogt, %add3A_181, %gt3A_183 : vector<1x128xf32>
    %rsqrt3A_185 = math.rsqrt %add3A_181 : vector<1x128xf32>
    %jit3A_186 = arith.constant 0.000000e+00 : f32
    %broadcast_in_dim3A_187 = vector.broadcast %jit3A_186 : f32 to vector<1x128xf32>
    %select_n3A_188 = arith.select %gt3A_184, %rsqrt3A_185, %broadcast_in_dim3A_187 : vector<1x128xi1>, vector<1x128xf32>
    %broadcast_in_dim3A_189 = vector.shape_cast %select_n3A_188 : vector<1x128xf32> to vector<1x128xf32>
    %broadcast_in_dim3A_190 = vector.broadcast %broadcast_in_dim3A_189 : vector<1x128xf32> to vector<128x128xf32>
    %transpose3A_191 = tpu.transpose %broadcast_in_dim3A_190, [1, 0] : vector<128x128xf32> -> vector<128x128xf32>
    %mul3A_192 = arith.mulf %max3A_170, %transpose3A_191 : vector<128x128xf32>
    %get3A_193 = arith.constant 0 : index
    %get3A_194 = arith.constant 0 : index
    %get3A_195 = vector.load %arg5[%get3A_193, %get3A_194] : memref<128x128xf32, #tpu.memory_space<vmem>>, vector<128x128xf32>
    %dot_general3A_196 = arith.constant dense<0.000000e+00> : vector<128x128xf32>
    %dot_general3A_197 = tpu.matmul %mul3A_192, %get3A_195, %dot_general3A_196 {dimension_numbers = #tpu.dot_dimension_numbers<[1], [0], [0], [1], [0, 0, 1, 1], [], []>, transpose_lhs_hint = false} : vector<128x128xf32>, vector<128x128xf32>, vector<128x128xf32> -> vector<128x128xf32>
    %swap3A_198 = arith.constant 256 : index
    %swap3A_199 = arith.constant 0 : index
    %swap3A_200 = vector.load %arg6[%swap3A_198, %swap3A_199] : memref<1024x128xf32, #tpu.memory_space<vmem>>, vector<128x128xf32>
    tpu.vector_store %arg6[%swap3A_198, %swap3A_199], %dot_general3A_197 {strides = array<i32>} : memref<1024x128xf32, #tpu.memory_space<vmem>>, vector<128x128xf32>,
    %get3A_201 = arith.constant 0 : index
    %get3A_202 = arith.constant 384 : index
    %get3A_203 = arith.constant 0 : index
    %get3A_204 = vector.load %arg1[%get3A_201, %get3A_202, %get3A_203] : memref<2x1024x128xf32, #tpu.memory_space<vmem>>, vector<1x128x128xf32>
    %get3A_205 = vector.shape_cast %get3A_204 : vector<1x128x128xf32> to vector<128x128xf32>
    %get3A_206 = arith.constant 1 : index
    %get3A_207 = arith.constant 384 : index
    %get3A_208 = arith.constant 0 : index
    %get3A_209 = vector.load %arg1[%get3A_206, %get3A_207, %get3A_208] : memref<2x1024x128xf32, #tpu.memory_space<vmem>>, vector<1x128x128xf32>
    %get3A_210 = vector.shape_cast %get3A_209 : vector<1x128x128xf32> to vector<128x128xf32>
    %add3A_211 = arith.addf %get3A_205, %get3A_210 : vector<128x128xf32>
    %get3A_212 = arith.constant 0 : index
    %get3A_213 = arith.constant 3 : index
    %get3A_214 = arith.constant 0 : index
    %get3A_215 = vector.load %arg3[%get3A_212, %get3A_213, %get3A_214] : memref<2x8x128xf32, #tpu.memory_space<vmem>>, vector<1x1x128xf32>
    %get3A_216 = vector.shape_cast %get3A_215 : vector<1x1x128xf32> to vector<1x128xf32>
    %get3A_217 = arith.constant 1 : index
    %get3A_218 = arith.constant 3 : index
    %get3A_219 = arith.constant 0 : index
    %get3A_220 = vector.load %arg3[%get3A_217, %get3A_218, %get3A_219] : memref<2x8x128xf32, #tpu.memory_space<vmem>>, vector<1x1x128xf32>
    %get3A_221 = vector.shape_cast %get3A_220 : vector<1x1x128xf32> to vector<1x128xf32>
    %add3A_222 = arith.addf %get3A_216, %get3A_221 : vector<1x128xf32>
    %gt3A_223 = arith.constant 0.000000e+00 : f32
    %gt3A_224 = vector.broadcast %gt3A_223 : f32 to vector<1x128xf32>
    %gt3A_225 = arith.cmpf ogt, %add3A_222, %gt3A_224 : vector<1x128xf32>
    %rsqrt3A_226 = math.rsqrt %add3A_222 : vector<1x128xf32>
    %jit3A_227 = arith.constant 0.000000e+00 : f32
    %broadcast_in_dim3A_228 = vector.broadcast %jit3A_227 : f32 to vector<1x128xf32>
    %select_n3A_229 = arith.select %gt3A_225, %rsqrt3A_226, %broadcast_in_dim3A_228 : vector<1x128xi1>, vector<1x128xf32>
    %broadcast_in_dim3A_230 = vector.shape_cast %select_n3A_229 : vector<1x128xf32> to vector<1x128xf32>
    %broadcast_in_dim3A_231 = vector.broadcast %broadcast_in_dim3A_230 : vector<1x128xf32> to vector<128x128xf32>
    %transpose3A_232 = tpu.transpose %broadcast_in_dim3A_231, [1, 0] : vector<128x128xf32> -> vector<128x128xf32>
    %mul3A_233 = arith.mulf %add3A_211, %transpose3A_232 : vector<128x128xf32>
    %get3A_234 = arith.constant 0 : index
    %get3A_235 = arith.constant 0 : index
    %get3A_236 = vector.load %arg4[%get3A_234, %get3A_235] : memref<1x128xf32, #tpu.memory_space<vmem>>, vector<1x128xf32>
    %add3A_237 = vector.broadcast %get3A_236 : vector<1x128xf32> to vector<128x128xf32>
    %add3A_238 = arith.addf %mul3A_233, %add3A_237 : vector<128x128xf32>
    %max3A_239 = arith.constant 0.000000e+00 : f32
    %max3A_240 = vector.broadcast %max3A_239 : f32 to vector<128x128xf32>
    %max3A_241 = arith.maximumf %add3A_238, %max3A_240 : vector<128x128xf32>
    %get3A_242 = arith.constant 0 : index
    %get3A_243 = arith.constant 3 : index
    %get3A_244 = arith.constant 0 : index
    %get3A_245 = vector.load %arg2[%get3A_242, %get3A_243, %get3A_244] : memref<2x8x128xf32, #tpu.memory_space<vmem>>, vector<1x1x128xf32>
    %get3A_246 = vector.shape_cast %get3A_245 : vector<1x1x128xf32> to vector<1x128xf32>
    %get3A_247 = arith.constant 1 : index
    %get3A_248 = arith.constant 3 : index
    %get3A_249 = arith.constant 0 : index
    %get3A_250 = vector.load %arg2[%get3A_247, %get3A_248, %get3A_249] : memref<2x8x128xf32, #tpu.memory_space<vmem>>, vector<1x1x128xf32>
    %get3A_251 = vector.shape_cast %get3A_250 : vector<1x1x128xf32> to vector<1x128xf32>
    %add3A_252 = arith.addf %get3A_246, %get3A_251 : vector<1x128xf32>
    %gt3A_253 = arith.constant 0.000000e+00 : f32
    %gt3A_254 = vector.broadcast %gt3A_253 : f32 to vector<1x128xf32>
    %gt3A_255 = arith.cmpf ogt, %add3A_252, %gt3A_254 : vector<1x128xf32>
    %rsqrt3A_256 = math.rsqrt %add3A_252 : vector<1x128xf32>
    %jit3A_257 = arith.constant 0.000000e+00 : f32
    %broadcast_in_dim3A_258 = vector.broadcast %jit3A_257 : f32 to vector<1x128xf32>
    %select_n3A_259 = arith.select %gt3A_255, %rsqrt3A_256, %broadcast_in_dim3A_258 : vector<1x128xi1>, vector<1x128xf32>
    %broadcast_in_dim3A_260 = vector.shape_cast %select_n3A_259 : vector<1x128xf32> to vector<1x128xf32>
    %broadcast_in_dim3A_261 = vector.broadcast %broadcast_in_dim3A_260 : vector<1x128xf32> to vector<128x128xf32>
    %transpose3A_262 = tpu.transpose %broadcast_in_dim3A_261, [1, 0] : vector<128x128xf32> -> vector<128x128xf32>
    %mul3A_263 = arith.mulf %max3A_241, %transpose3A_262 : vector<128x128xf32>
    %get3A_264 = arith.constant 0 : index
    %get3A_265 = arith.constant 0 : index
    %get3A_266 = vector.load %arg5[%get3A_264, %get3A_265] : memref<128x128xf32, #tpu.memory_space<vmem>>, vector<128x128xf32>
    %dot_general3A_267 = arith.constant dense<0.000000e+00> : vector<128x128xf32>
    %dot_general3A_268 = tpu.matmul %mul3A_263, %get3A_266, %dot_general3A_267 {dimension_numbers = #tpu.dot_dimension_numbers<[1], [0], [0], [1], [0, 0, 1, 1], [], []>, transpose_lhs_hint = false} : vector<128x128xf32>, vector<128x128xf32>, vector<128x128xf32> -> vector<128x128xf32>
    %swap3A_269 = arith.constant 384 : index
    %swap3A_270 = arith.constant 0 : index
    %swap3A_271 = vector.load %arg6[%swap3A_269, %swap3A_270] : memref<1024x128xf32, #tpu.memory_space<vmem>>, vector<128x128xf32>
    tpu.vector_store %arg6[%swap3A_269, %swap3A_270], %dot_general3A_268 {strides = array<i32>} : memref<1024x128xf32, #tpu.memory_space<vmem>>, vector<128x128xf32>,
    %get3A_272 = arith.constant 0 : index
    %get3A_273 = arith.constant 512 : index
    %get3A_274 = arith.constant 0 : index
    %get3A_275 = vector.load %arg1[%get3A_272, %get3A_273, %get3A_274] : memref<2x1024x128xf32, #tpu.memory_space<vmem>>, vector<1x128x128xf32>
    %get3A_276 = vector.shape_cast %get3A_275 : vector<1x128x128xf32> to vector<128x128xf32>
    %get3A_277 = arith.constant 1 : index
    %get3A_278 = arith.constant 512 : index
    %get3A_279 = arith.constant 0 : index
    %get3A_280 = vector.load %arg1[%get3A_277, %get3A_278, %get3A_279] : memref<2x1024x128xf32, #tpu.memory_space<vmem>>, vector<1x128x128xf32>
    %get3A_281 = vector.shape_cast %get3A_280 : vector<1x128x128xf32> to vector<128x128xf32>
    %add3A_282 = arith.addf %get3A_276, %get3A_281 : vector<128x128xf32>
    %get3A_283 = arith.constant 0 : index
    %get3A_284 = arith.constant 4 : index
    %get3A_285 = arith.constant 0 : index
    %get3A_286 = vector.load %arg3[%get3A_283, %get3A_284, %get3A_285] : memref<2x8x128xf32, #tpu.memory_space<vmem>>, vector<1x1x128xf32>
    %get3A_287 = vector.shape_cast %get3A_286 : vector<1x1x128xf32> to vector<1x128xf32>
    %get3A_288 = arith.constant 1 : index
    %get3A_289 = arith.constant 4 : index
    %get3A_290 = arith.constant 0 : index
    %get3A_291 = vector.load %arg3[%get3A_288, %get3A_289, %get3A_290] : memref<2x8x128xf32, #tpu.memory_space<vmem>>, vector<1x1x128xf32>
    %get3A_292 = vector.shape_cast %get3A_291 : vector<1x1x128xf32> to vector<1x128xf32>
    %add3A_293 = arith.addf %get3A_287, %get3A_292 : vector<1x128xf32>
    %gt3A_294 = arith.constant 0.000000e+00 : f32
    %gt3A_295 = vector.broadcast %gt3A_294 : f32 to vector<1x128xf32>
    %gt3A_296 = arith.cmpf ogt, %add3A_293, %gt3A_295 : vector<1x128xf32>
    %rsqrt3A_297 = math.rsqrt %add3A_293 : vector<1x128xf32>
    %jit3A_298 = arith.constant 0.000000e+00 : f32
    %broadcast_in_dim3A_299 = vector.broadcast %jit3A_298 : f32 to vector<1x128xf32>
    %select_n3A_300 = arith.select %gt3A_296, %rsqrt3A_297, %broadcast_in_dim3A_299 : vector<1x128xi1>, vector<1x128xf32>
    %broadcast_in_dim3A_301 = vector.shape_cast %select_n3A_300 : vector<1x128xf32> to vector<1x128xf32>
    %broadcast_in_dim3A_302 = vector.broadcast %broadcast_in_dim3A_301 : vector<1x128xf32> to vector<128x128xf32>
    %transpose3A_303 = tpu.transpose %broadcast_in_dim3A_302, [1, 0] : vector<128x128xf32> -> vector<128x128xf32>
    %mul3A_304 = arith.mulf %add3A_282, %transpose3A_303 : vector<128x128xf32>
    %get3A_305 = arith.constant 0 : index
    %get3A_306 = arith.constant 0 : index
    %get3A_307 = vector.load %arg4[%get3A_305, %get3A_306] : memref<1x128xf32, #tpu.memory_space<vmem>>, vector<1x128xf32>
    %add3A_308 = vector.broadcast %get3A_307 : vector<1x128xf32> to vector<128x128xf32>
    %add3A_309 = arith.addf %mul3A_304, %add3A_308 : vector<128x128xf32>
    %max3A_310 = arith.constant 0.000000e+00 : f32
    %max3A_311 = vector.broadcast %max3A_310 : f32 to vector<128x128xf32>
    %max3A_312 = arith.maximumf %add3A_309, %max3A_311 : vector<128x128xf32>
    %get3A_313 = arith.constant 0 : index
    %get3A_314 = arith.constant 4 : index
    %get3A_315 = arith.constant 0 : index
    %get3A_316 = vector.load %arg2[%get3A_313, %get3A_314, %get3A_315] : memref<2x8x128xf32, #tpu.memory_space<vmem>>, vector<1x1x128xf32>
    %get3A_317 = vector.shape_cast %get3A_316 : vector<1x1x128xf32> to vector<1x128xf32>
    %get3A_318 = arith.constant 1 : index
    %get3A_319 = arith.constant 4 : index
    %get3A_320 = arith.constant 0 : index
    %get3A_321 = vector.load %arg2[%get3A_318, %get3A_319, %get3A_320] : memref<2x8x128xf32, #tpu.memory_space<vmem>>, vector<1x1x128xf32>
    %get3A_322 = vector.shape_cast %get3A_321 : vector<1x1x128xf32> to vector<1x128xf32>
    %add3A_323 = arith.addf %get3A_317, %get3A_322 : vector<1x128xf32>
    %gt3A_324 = arith.constant 0.000000e+00 : f32
    %gt3A_325 = vector.broadcast %gt3A_324 : f32 to vector<1x128xf32>
    %gt3A_326 = arith.cmpf ogt, %add3A_323, %gt3A_325 : vector<1x128xf32>
    %rsqrt3A_327 = math.rsqrt %add3A_323 : vector<1x128xf32>
    %jit3A_328 = arith.constant 0.000000e+00 : f32
    %broadcast_in_dim3A_329 = vector.broadcast %jit3A_328 : f32 to vector<1x128xf32>
    %select_n3A_330 = arith.select %gt3A_326, %rsqrt3A_327, %broadcast_in_dim3A_329 : vector<1x128xi1>, vector<1x128xf32>
    %broadcast_in_dim3A_331 = vector.shape_cast %select_n3A_330 : vector<1x128xf32> to vector<1x128xf32>
    %broadcast_in_dim3A_332 = vector.broadcast %broadcast_in_dim3A_331 : vector<1x128xf32> to vector<128x128xf32>
    %transpose3A_333 = tpu.transpose %broadcast_in_dim3A_332, [1, 0] : vector<128x128xf32> -> vector<128x128xf32>
    %mul3A_334 = arith.mulf %max3A_312, %transpose3A_333 : vector<128x128xf32>
    %get3A_335 = arith.constant 0 : index
    %get3A_336 = arith.constant 0 : index
    %get3A_337 = vector.load %arg5[%get3A_335, %get3A_336] : memref<128x128xf32, #tpu.memory_space<vmem>>, vector<128x128xf32>
    %dot_general3A_338 = arith.constant dense<0.000000e+00> : vector<128x128xf32>
    %dot_general3A_339 = tpu.matmul %mul3A_334, %get3A_337, %dot_general3A_338 {dimension_numbers = #tpu.dot_dimension_numbers<[1], [0], [0], [1], [0, 0, 1, 1], [], []>, transpose_lhs_hint = false} : vector<128x128xf32>, vector<128x128xf32>, vector<128x128xf32> -> vector<128x128xf32>
    %swap3A_340 = arith.constant 512 : index
    %swap3A_341 = arith.constant 0 : index
    %swap3A_342 = vector.load %arg6[%swap3A_340, %swap3A_341] : memref<1024x128xf32, #tpu.memory_space<vmem>>, vector<128x128xf32>
    tpu.vector_store %arg6[%swap3A_340, %swap3A_341], %dot_general3A_339 {strides = array<i32>} : memref<1024x128xf32, #tpu.memory_space<vmem>>, vector<128x128xf32>,
    %get3A_343 = arith.constant 0 : index
    %get3A_344 = arith.constant 640 : index
    %get3A_345 = arith.constant 0 : index
    %get3A_346 = vector.load %arg1[%get3A_343, %get3A_344, %get3A_345] : memref<2x1024x128xf32, #tpu.memory_space<vmem>>, vector<1x128x128xf32>
    %get3A_347 = vector.shape_cast %get3A_346 : vector<1x128x128xf32> to vector<128x128xf32>
    %get3A_348 = arith.constant 1 : index
    %get3A_349 = arith.constant 640 : index
    %get3A_350 = arith.constant 0 : index
    %get3A_351 = vector.load %arg1[%get3A_348, %get3A_349, %get3A_350] : memref<2x1024x128xf32, #tpu.memory_space<vmem>>, vector<1x128x128xf32>
    %get3A_352 = vector.shape_cast %get3A_351 : vector<1x128x128xf32> to vector<128x128xf32>
    %add3A_353 = arith.addf %get3A_347, %get3A_352 : vector<128x128xf32>
    %get3A_354 = arith.constant 0 : index
    %get3A_355 = arith.constant 5 : index
    %get3A_356 = arith.constant 0 : index
    %get3A_357 = vector.load %arg3[%get3A_354, %get3A_355, %get3A_356] : memref<2x8x128xf32, #tpu.memory_space<vmem>>, vector<1x1x128xf32>
    %get3A_358 = vector.shape_cast %get3A_357 : vector<1x1x128xf32> to vector<1x128xf32>
    %get3A_359 = arith.constant 1 : index
    %get3A_360 = arith.constant 5 : index
    %get3A_361 = arith.constant 0 : index
    %get3A_362 = vector.load %arg3[%get3A_359, %get3A_360, %get3A_361] : memref<2x8x128xf32, #tpu.memory_space<vmem>>, vector<1x1x128xf32>
    %get3A_363 = vector.shape_cast %get3A_362 : vector<1x1x128xf32> to vector<1x128xf32>
    %add3A_364 = arith.addf %get3A_358, %get3A_363 : vector<1x128xf32>
    %gt3A_365 = arith.constant 0.000000e+00 : f32
    %gt3A_366 = vector.broadcast %gt3A_365 : f32 to vector<1x128xf32>
    %gt3A_367 = arith.cmpf ogt, %add3A_364, %gt3A_366 : vector<1x128xf32>
    %rsqrt3A_368 = math.rsqrt %add3A_364 : vector<1x128xf32>
    %jit3A_369 = arith.constant 0.000000e+00 : f32
    %broadcast_in_dim3A_370 = vector.broadcast %jit3A_369 : f32 to vector<1x128xf32>
    %select_n3A_371 = arith.select %gt3A_367, %rsqrt3A_368, %broadcast_in_dim3A_370 : vector<1x128xi1>, vector<1x128xf32>
    %broadcast_in_dim3A_372 = vector.shape_cast %select_n3A_371 : vector<1x128xf32> to vector<1x128xf32>
    %broadcast_in_dim3A_373 = vector.broadcast %broadcast_in_dim3A_372 : vector<1x128xf32> to vector<128x128xf32>
    %transpose3A_374 = tpu.transpose %broadcast_in_dim3A_373, [1, 0] : vector<128x128xf32> -> vector<128x128xf32>
    %mul3A_375 = arith.mulf %add3A_353, %transpose3A_374 : vector<128x128xf32>
    %get3A_376 = arith.constant 0 : index
    %get3A_377 = arith.constant 0 : index
    %get3A_378 = vector.load %arg4[%get3A_376, %get3A_377] : memref<1x128xf32, #tpu.memory_space<vmem>>, vector<1x128xf32>
    %add3A_379 = vector.broadcast %get3A_378 : vector<1x128xf32> to vector<128x128xf32>
    %add3A_380 = arith.addf %mul3A_375, %add3A_379 : vector<128x128xf32>
    %max3A_381 = arith.constant 0.000000e+00 : f32
    %max3A_382 = vector.broadcast %max3A_381 : f32 to vector<128x128xf32>
    %max3A_383 = arith.maximumf %add3A_380, %max3A_382 : vector<128x128xf32>
    %get3A_384 = arith.constant 0 : index
    %get3A_385 = arith.constant 5 : index
    %get3A_386 = arith.constant 0 : index
    %get3A_387 = vector.load %arg2[%get3A_384, %get3A_385, %get3A_386] : memref<2x8x128xf32, #tpu.memory_space<vmem>>, vector<1x1x128xf32>
    %get3A_388 = vector.shape_cast %get3A_387 : vector<1x1x128xf32> to vector<1x128xf32>
    %get3A_389 = arith.constant 1 : index
    %get3A_390 = arith.constant 5 : index
    %get3A_391 = arith.constant 0 : index
    %get3A_392 = vector.load %arg2[%get3A_389, %get3A_390, %get3A_391] : memref<2x8x128xf32, #tpu.memory_space<vmem>>, vector<1x1x128xf32>
    %get3A_393 = vector.shape_cast %get3A_392 : vector<1x1x128xf32> to vector<1x128xf32>
    %add3A_394 = arith.addf %get3A_388, %get3A_393 : vector<1x128xf32>
    %gt3A_395 = arith.constant 0.000000e+00 : f32
    %gt3A_396 = vector.broadcast %gt3A_395 : f32 to vector<1x128xf32>
    %gt3A_397 = arith.cmpf ogt, %add3A_394, %gt3A_396 : vector<1x128xf32>
    %rsqrt3A_398 = math.rsqrt %add3A_394 : vector<1x128xf32>
    %jit3A_399 = arith.constant 0.000000e+00 : f32
    %broadcast_in_dim3A_400 = vector.broadcast %jit3A_399 : f32 to vector<1x128xf32>
    %select_n3A_401 = arith.select %gt3A_397, %rsqrt3A_398, %broadcast_in_dim3A_400 : vector<1x128xi1>, vector<1x128xf32>
    %broadcast_in_dim3A_402 = vector.shape_cast %select_n3A_401 : vector<1x128xf32> to vector<1x128xf32>
    %broadcast_in_dim3A_403 = vector.broadcast %broadcast_in_dim3A_402 : vector<1x128xf32> to vector<128x128xf32>
    %transpose3A_404 = tpu.transpose %broadcast_in_dim3A_403, [1, 0] : vector<128x128xf32> -> vector<128x128xf32>
    %mul3A_405 = arith.mulf %max3A_383, %transpose3A_404 : vector<128x128xf32>
    %get3A_406 = arith.constant 0 : index
    %get3A_407 = arith.constant 0 : index
    %get3A_408 = vector.load %arg5[%get3A_406, %get3A_407] : memref<128x128xf32, #tpu.memory_space<vmem>>, vector<128x128xf32>
    %dot_general3A_409 = arith.constant dense<0.000000e+00> : vector<128x128xf32>
    %dot_general3A_410 = tpu.matmul %mul3A_405, %get3A_408, %dot_general3A_409 {dimension_numbers = #tpu.dot_dimension_numbers<[1], [0], [0], [1], [0, 0, 1, 1], [], []>, transpose_lhs_hint = false} : vector<128x128xf32>, vector<128x128xf32>, vector<128x128xf32> -> vector<128x128xf32>
    %swap3A_411 = arith.constant 640 : index
    %swap3A_412 = arith.constant 0 : index
    %swap3A_413 = vector.load %arg6[%swap3A_411, %swap3A_412] : memref<1024x128xf32, #tpu.memory_space<vmem>>, vector<128x128xf32>
    tpu.vector_store %arg6[%swap3A_411, %swap3A_412], %dot_general3A_410 {strides = array<i32>} : memref<1024x128xf32, #tpu.memory_space<vmem>>, vector<128x128xf32>,
    %get3A_414 = arith.constant 0 : index
    %get3A_415 = arith.constant 768 : index
    %get3A_416 = arith.constant 0 : index
    %get3A_417 = vector.load %arg1[%get3A_414, %get3A_415, %get3A_416] : memref<2x1024x128xf32, #tpu.memory_space<vmem>>, vector<1x128x128xf32>
    %get3A_418 = vector.shape_cast %get3A_417 : vector<1x128x128xf32> to vector<128x128xf32>
    %get3A_419 = arith.constant 1 : index
    %get3A_420 = arith.constant 768 : index
    %get3A_421 = arith.constant 0 : index
    %get3A_422 = vector.load %arg1[%get3A_419, %get3A_420, %get3A_421] : memref<2x1024x128xf32, #tpu.memory_space<vmem>>, vector<1x128x128xf32>
    %get3A_423 = vector.shape_cast %get3A_422 : vector<1x128x128xf32> to vector<128x128xf32>
    %add3A_424 = arith.addf %get3A_418, %get3A_423 : vector<128x128xf32>
    %get3A_425 = arith.constant 0 : index
    %get3A_426 = arith.constant 6 : index
    %get3A_427 = arith.constant 0 : index
    %get3A_428 = vector.load %arg3[%get3A_425, %get3A_426, %get3A_427] : memref<2x8x128xf32, #tpu.memory_space<vmem>>, vector<1x1x128xf32>
    %get3A_429 = vector.shape_cast %get3A_428 : vector<1x1x128xf32> to vector<1x128xf32>
    %get3A_430 = arith.constant 1 : index
    %get3A_431 = arith.constant 6 : index
    %get3A_432 = arith.constant 0 : index
    %get3A_433 = vector.load %arg3[%get3A_430, %get3A_431, %get3A_432] : memref<2x8x128xf32, #tpu.memory_space<vmem>>, vector<1x1x128xf32>
    %get3A_434 = vector.shape_cast %get3A_433 : vector<1x1x128xf32> to vector<1x128xf32>
    %add3A_435 = arith.addf %get3A_429, %get3A_434 : vector<1x128xf32>
    %gt3A_436 = arith.constant 0.000000e+00 : f32
    %gt3A_437 = vector.broadcast %gt3A_436 : f32 to vector<1x128xf32>
    %gt3A_438 = arith.cmpf ogt, %add3A_435, %gt3A_437 : vector<1x128xf32>
    %rsqrt3A_439 = math.rsqrt %add3A_435 : vector<1x128xf32>
    %jit3A_440 = arith.constant 0.000000e+00 : f32
    %broadcast_in_dim3A_441 = vector.broadcast %jit3A_440 : f32 to vector<1x128xf32>
    %select_n3A_442 = arith.select %gt3A_438, %rsqrt3A_439, %broadcast_in_dim3A_441 : vector<1x128xi1>, vector<1x128xf32>
    %broadcast_in_dim3A_443 = vector.shape_cast %select_n3A_442 : vector<1x128xf32> to vector<1x128xf32>
    %broadcast_in_dim3A_444 = vector.broadcast %broadcast_in_dim3A_443 : vector<1x128xf32> to vector<128x128xf32>
    %transpose3A_445 = tpu.transpose %broadcast_in_dim3A_444, [1, 0] : vector<128x128xf32> -> vector<128x128xf32>
    %mul3A_446 = arith.mulf %add3A_424, %transpose3A_445 : vector<128x128xf32>
    %get3A_447 = arith.constant 0 : index
    %get3A_448 = arith.constant 0 : index
    %get3A_449 = vector.load %arg4[%get3A_447, %get3A_448] : memref<1x128xf32, #tpu.memory_space<vmem>>, vector<1x128xf32>
    %add3A_450 = vector.broadcast %get3A_449 : vector<1x128xf32> to vector<128x128xf32>
    %add3A_451 = arith.addf %mul3A_446, %add3A_450 : vector<128x128xf32>
    %max3A_452 = arith.constant 0.000000e+00 : f32
    %max3A_453 = vector.broadcast %max3A_452 : f32 to vector<128x128xf32>
    %max3A_454 = arith.maximumf %add3A_451, %max3A_453 : vector<128x128xf32>
    %get3A_455 = arith.constant 0 : index
    %get3A_456 = arith.constant 6 : index
    %get3A_457 = arith.constant 0 : index
    %get3A_458 = vector.load %arg2[%get3A_455, %get3A_456, %get3A_457] : memref<2x8x128xf32, #tpu.memory_space<vmem>>, vector<1x1x128xf32>
    %get3A_459 = vector.shape_cast %get3A_458 : vector<1x1x128xf32> to vector<1x128xf32>
    %get3A_460 = arith.constant 1 : index
    %get3A_461 = arith.constant 6 : index
    %get3A_462 = arith.constant 0 : index
    %get3A_463 = vector.load %arg2[%get3A_460, %get3A_461, %get3A_462] : memref<2x8x128xf32, #tpu.memory_space<vmem>>, vector<1x1x128xf32>
    %get3A_464 = vector.shape_cast %get3A_463 : vector<1x1x128xf32> to vector<1x128xf32>
    %add3A_465 = arith.addf %get3A_459, %get3A_464 : vector<1x128xf32>
    %gt3A_466 = arith.constant 0.000000e+00 : f32
    %gt3A_467 = vector.broadcast %gt3A_466 : f32 to vector<1x128xf32>
    %gt3A_468 = arith.cmpf ogt, %add3A_465, %gt3A_467 : vector<1x128xf32>
    %rsqrt3A_469 = math.rsqrt %add3A_465 : vector<1x128xf32>
    %jit3A_470 = arith.constant 0.000000e+00 : f32
    %broadcast_in_dim3A_471 = vector.broadcast %jit3A_470 : f32 to vector<1x128xf32>
    %select_n3A_472 = arith.select %gt3A_468, %rsqrt3A_469, %broadcast_in_dim3A_471 : vector<1x128xi1>, vector<1x128xf32>
    %broadcast_in_dim3A_473 = vector.shape_cast %select_n3A_472 : vector<1x128xf32> to vector<1x128xf32>
    %broadcast_in_dim3A_474 = vector.broadcast %broadcast_in_dim3A_473 : vector<1x128xf32> to vector<128x128xf32>
    %transpose3A_475 = tpu.transpose %broadcast_in_dim3A_474, [1, 0] : vector<128x128xf32> -> vector<128x128xf32>
    %mul3A_476 = arith.mulf %max3A_454, %transpose3A_475 : vector<128x128xf32>
    %get3A_477 = arith.constant 0 : index
    %get3A_478 = arith.constant 0 : index
    %get3A_479 = vector.load %arg5[%get3A_477, %get3A_478] : memref<128x128xf32, #tpu.memory_space<vmem>>, vector<128x128xf32>
    %dot_general3A_480 = arith.constant dense<0.000000e+00> : vector<128x128xf32>
    %dot_general3A_481 = tpu.matmul %mul3A_476, %get3A_479, %dot_general3A_480 {dimension_numbers = #tpu.dot_dimension_numbers<[1], [0], [0], [1], [0, 0, 1, 1], [], []>, transpose_lhs_hint = false} : vector<128x128xf32>, vector<128x128xf32>, vector<128x128xf32> -> vector<128x128xf32>
    %swap3A_482 = arith.constant 768 : index
    %swap3A_483 = arith.constant 0 : index
    %swap3A_484 = vector.load %arg6[%swap3A_482, %swap3A_483] : memref<1024x128xf32, #tpu.memory_space<vmem>>, vector<128x128xf32>
    tpu.vector_store %arg6[%swap3A_482, %swap3A_483], %dot_general3A_481 {strides = array<i32>} : memref<1024x128xf32, #tpu.memory_space<vmem>>, vector<128x128xf32>,
    %get3A_485 = arith.constant 0 : index
    %get3A_486 = arith.constant 896 : index
    %get3A_487 = arith.constant 0 : index
    %get3A_488 = vector.load %arg1[%get3A_485, %get3A_486, %get3A_487] : memref<2x1024x128xf32, #tpu.memory_space<vmem>>, vector<1x128x128xf32>
    %get3A_489 = vector.shape_cast %get3A_488 : vector<1x128x128xf32> to vector<128x128xf32>
    %get3A_490 = arith.constant 1 : index
    %get3A_491 = arith.constant 896 : index
    %get3A_492 = arith.constant 0 : index
    %get3A_493 = vector.load %arg1[%get3A_490, %get3A_491, %get3A_492] : memref<2x1024x128xf32, #tpu.memory_space<vmem>>, vector<1x128x128xf32>
    %get3A_494 = vector.shape_cast %get3A_493 : vector<1x128x128xf32> to vector<128x128xf32>
    %add3A_495 = arith.addf %get3A_489, %get3A_494 : vector<128x128xf32>
    %get3A_496 = arith.constant 0 : index
    %get3A_497 = arith.constant 7 : index
    %get3A_498 = arith.constant 0 : index
    %get3A_499 = vector.load %arg3[%get3A_496, %get3A_497, %get3A_498] : memref<2x8x128xf32, #tpu.memory_space<vmem>>, vector<1x1x128xf32>
    %get3A_500 = vector.shape_cast %get3A_499 : vector<1x1x128xf32> to vector<1x128xf32>
    %get3A_501 = arith.constant 1 : index
    %get3A_502 = arith.constant 7 : index
    %get3A_503 = arith.constant 0 : index
    %get3A_504 = vector.load %arg3[%get3A_501, %get3A_502, %get3A_503] : memref<2x8x128xf32, #tpu.memory_space<vmem>>, vector<1x1x128xf32>
    %get3A_505 = vector.shape_cast %get3A_504 : vector<1x1x128xf32> to vector<1x128xf32>
    %add3A_506 = arith.addf %get3A_500, %get3A_505 : vector<1x128xf32>
    %gt3A_507 = arith.constant 0.000000e+00 : f32
    %gt3A_508 = vector.broadcast %gt3A_507 : f32 to vector<1x128xf32>
    %gt3A_509 = arith.cmpf ogt, %add3A_506, %gt3A_508 : vector<1x128xf32>
    %rsqrt3A_510 = math.rsqrt %add3A_506 : vector<1x128xf32>
    %jit3A_511 = arith.constant 0.000000e+00 : f32
    %broadcast_in_dim3A_512 = vector.broadcast %jit3A_511 : f32 to vector<1x128xf32>
    %select_n3A_513 = arith.select %gt3A_509, %rsqrt3A_510, %broadcast_in_dim3A_512 : vector<1x128xi1>, vector<1x128xf32>
    %broadcast_in_dim3A_514 = vector.shape_cast %select_n3A_513 : vector<1x128xf32> to vector<1x128xf32>
    %broadcast_in_dim3A_515 = vector.broadcast %broadcast_in_dim3A_514 : vector<1x128xf32> to vector<128x128xf32>
    %transpose3A_516 = tpu.transpose %broadcast_in_dim3A_515, [1, 0] : vector<128x128xf32> -> vector<128x128xf32>
    %mul3A_517 = arith.mulf %add3A_495, %transpose3A_516 : vector<128x128xf32>
    %get3A_518 = arith.constant 0 : index
    %get3A_519 = arith.constant 0 : index
    %get3A_520 = vector.load %arg4[%get3A_518, %get3A_519] : memref<1x128xf32, #tpu.memory_space<vmem>>, vector<1x128xf32>
    %add3A_521 = vector.broadcast %get3A_520 : vector<1x128xf32> to vector<128x128xf32>
    %add3A_522 = arith.addf %mul3A_517, %add3A_521 : vector<128x128xf32>
    %max3A_523 = arith.constant 0.000000e+00 : f32
    %max3A_524 = vector.broadcast %max3A_523 : f32 to vector<128x128xf32>
    %max3A_525 = arith.maximumf %add3A_522, %max3A_524 : vector<128x128xf32>
    %get3A_526 = arith.constant 0 : index
    %get3A_527 = arith.constant 7 : index
    %get3A_528 = arith.constant 0 : index
    %get3A_529 = vector.load %arg2[%get3A_526, %get3A_527, %get3A_528] : memref<2x8x128xf32, #tpu.memory_space<vmem>>, vector<1x1x128xf32>
    %get3A_530 = vector.shape_cast %get3A_529 : vector<1x1x128xf32> to vector<1x128xf32>
    %get3A_531 = arith.constant 1 : index
    %get3A_532 = arith.constant 7 : index
    %get3A_533 = arith.constant 0 : index
    %get3A_534 = vector.load %arg2[%get3A_531, %get3A_532, %get3A_533] : memref<2x8x128xf32, #tpu.memory_space<vmem>>, vector<1x1x128xf32>
    %get3A_535 = vector.shape_cast %get3A_534 : vector<1x1x128xf32> to vector<1x128xf32>
    %add3A_536 = arith.addf %get3A_530, %get3A_535 : vector<1x128xf32>
    %gt3A_537 = arith.constant 0.000000e+00 : f32
    %gt3A_538 = vector.broadcast %gt3A_537 : f32 to vector<1x128xf32>
    %gt3A_539 = arith.cmpf ogt, %add3A_536, %gt3A_538 : vector<1x128xf32>
    %rsqrt3A_540 = math.rsqrt %add3A_536 : vector<1x128xf32>
    %jit3A_541 = arith.constant 0.000000e+00 : f32
    %broadcast_in_dim3A_542 = vector.broadcast %jit3A_541 : f32 to vector<1x128xf32>
    %select_n3A_543 = arith.select %gt3A_539, %rsqrt3A_540, %broadcast_in_dim3A_542 : vector<1x128xi1>, vector<1x128xf32>
    %broadcast_in_dim3A_544 = vector.shape_cast %select_n3A_543 : vector<1x128xf32> to vector<1x128xf32>
    %broadcast_in_dim3A_545 = vector.broadcast %broadcast_in_dim3A_544 : vector<1x128xf32> to vector<128x128xf32>
    %transpose3A_546 = tpu.transpose %broadcast_in_dim3A_545, [1, 0] : vector<128x128xf32> -> vector<128x128xf32>
    %mul3A_547 = arith.mulf %max3A_525, %transpose3A_546 : vector<128x128xf32>
    %get3A_548 = arith.constant 0 : index
    %get3A_549 = arith.constant 0 : index
    %get3A_550 = vector.load %arg5[%get3A_548, %get3A_549] : memref<128x128xf32, #tpu.memory_space<vmem>>, vector<128x128xf32>
    %dot_general3A_551 = arith.constant dense<0.000000e+00> : vector<128x128xf32>
    %dot_general3A_552 = tpu.matmul %mul3A_547, %get3A_550, %dot_general3A_551 {dimension_numbers = #tpu.dot_dimension_numbers<[1], [0], [0], [1], [0, 0, 1, 1], [], []>, transpose_lhs_hint = false} : vector<128x128xf32>, vector<128x128xf32>, vector<128x128xf32> -> vector<128x128xf32>
    %swap3A_553 = arith.constant 896 : index
    %swap3A_554 = arith.constant 0 : index
    %swap3A_555 = vector.load %arg6[%swap3A_553, %swap3A_554] : memref<1024x128xf32, #tpu.memory_space<vmem>>, vector<128x128xf32>
    tpu.vector_store %arg6[%swap3A_553, %swap3A_554], %dot_general3A_552 {strides = array<i32>} : memref<1024x128xf32, #tpu.memory_space<vmem>>, vector<128x128xf32>,
    return
  }
  func.func @transform_0(%arg0: i32) -> (i32, i32, i32) {
    %c0_i32 = arith.constant 0 : i32
    %c0_i32_0 = arith.constant 0 : i32
    %c0_i32_1 = arith.constant 0 : i32
    return %c0_i32, %arg0, %c0_i32_0 : i32, i32, i32
  }
  func.func @transform_1(%arg0: i32) -> (i32, i32, i32) {
    %c0_i32 = arith.constant 0 : i32
    %c0_i32_0 = arith.constant 0 : i32
    %c0_i32_1 = arith.constant 0 : i32
    return %c0_i32, %arg0, %c0_i32_0 : i32, i32, i32
  }
  func.func @transform_2(%arg0: i32) -> (i32, i32, i32) {
    %c0_i32 = arith.constant 0 : i32
    %c0_i32_0 = arith.constant 0 : i32
    %c0_i32_1 = arith.constant 0 : i32
    return %c0_i32, %arg0, %c0_i32_0 : i32, i32, i32
  }
  func.func @transform_3(%arg0: i32) -> (i32, i32) {
    %c0_i32 = arith.constant 0 : i32
    %c0_i32_0 = arith.constant 0 : i32
    %c0_i32_1 = arith.constant 0 : i32
    return %c0_i32, %c0_i32_0 : i32, i32
  }
  func.func @transform_4(%arg0: i32) -> (i32, i32) {
    %c0_i32 = arith.constant 0 : i32
    %c0_i32_0 = arith.constant 0 : i32
    %c0_i32_1 = arith.constant 0 : i32
    return %c0_i32, %c0_i32_0 : i32, i32
  }
  func.func @transform_5(%arg0: i32) -> (i32, i32) {
    %c0_i32 = arith.constant 0 : i32
    %c0_i32_0 = arith.constant 0 : i32
    return %arg0, %c0_i32 : i32, i32
  }
}

module attributes {stable_mosaic.version = 14 : i64} {
  func.func @_tc3_body(%arg0: i32, %arg1: memref<2x1024x128xf32, #tpu.memory_space<vmem>>, %arg2: memref<2x8x128xf32, #tpu.memory_space<vmem>>, %arg3: memref<1x128xf32, #tpu.memory_space<vmem>>, %arg4: memref<1024x128xf32, #tpu.memory_space<vmem>>) attributes {dimension_semantics = [#tpu.dimension_semantics<arbitrary>], iteration_bounds = array<i64: 10>, scalar_prefetch = 0 : i64, scratch_operands = 0 : i64, tpu.core_type = #tpu.core_type<tc>, window_params = [{transform_indices = @transform_0, window_bounds = array<i64: 2, 1024, 128>}, {transform_indices = @transform_1, window_bounds = array<i64: 2, 8, 128>}, {pipeline_mode = #tpu.pipeline_mode<synchronous>, transform_indices = @transform_2, window_bounds = array<i64: 1, 128>}, {transform_indices = @transform_3, window_bounds = array<i64: 1024, 128>}]} {
    %get3A = arith.constant 0 : index
    %get3A_0 = arith.constant 0 : index
    %get3A_1 = arith.constant 0 : index
    %get3A_2 = vector.load %arg1[%get3A, %get3A_0, %get3A_1] : memref<2x1024x128xf32, #tpu.memory_space<vmem>>, vector<1x128x128xf32>
    %get3A_3 = vector.shape_cast %get3A_2 : vector<1x128x128xf32> to vector<128x128xf32>
    %get3A_4 = arith.constant 1 : index
    %get3A_5 = arith.constant 0 : index
    %get3A_6 = arith.constant 0 : index
    %get3A_7 = vector.load %arg1[%get3A_4, %get3A_5, %get3A_6] : memref<2x1024x128xf32, #tpu.memory_space<vmem>>, vector<1x128x128xf32>
    %get3A_8 = vector.shape_cast %get3A_7 : vector<1x128x128xf32> to vector<128x128xf32>
    %add3A = arith.addf %get3A_3, %get3A_8 : vector<128x128xf32>
    %get3A_9 = arith.constant 0 : index
    %get3A_10 = arith.constant 0 : index
    %get3A_11 = arith.constant 0 : index
    %get3A_12 = vector.load %arg2[%get3A_9, %get3A_10, %get3A_11] : memref<2x8x128xf32, #tpu.memory_space<vmem>>, vector<1x1x128xf32>
    %get3A_13 = vector.shape_cast %get3A_12 : vector<1x1x128xf32> to vector<1x128xf32>
    %get3A_14 = arith.constant 1 : index
    %get3A_15 = arith.constant 0 : index
    %get3A_16 = arith.constant 0 : index
    %get3A_17 = vector.load %arg2[%get3A_14, %get3A_15, %get3A_16] : memref<2x8x128xf32, #tpu.memory_space<vmem>>, vector<1x1x128xf32>
    %get3A_18 = vector.shape_cast %get3A_17 : vector<1x1x128xf32> to vector<1x128xf32>
    %add3A_19 = arith.addf %get3A_13, %get3A_18 : vector<1x128xf32>
    %gt3A = arith.constant 0.000000e+00 : f32
    %gt3A_20 = vector.broadcast %gt3A : f32 to vector<1x128xf32>
    %gt3A_21 = arith.cmpf ogt, %add3A_19, %gt3A_20 : vector<1x128xf32>
    %rsqrt3A = math.rsqrt %add3A_19 : vector<1x128xf32>
    %jit3A = arith.constant 0.000000e+00 : f32
    %broadcast_in_dim3A = vector.broadcast %jit3A : f32 to vector<1x128xf32>
    %select_n3A = arith.select %gt3A_21, %rsqrt3A, %broadcast_in_dim3A : vector<1x128xi1>, vector<1x128xf32>
    %broadcast_in_dim3A_22 = vector.shape_cast %select_n3A : vector<1x128xf32> to vector<1x128xf32>
    %broadcast_in_dim3A_23 = vector.broadcast %broadcast_in_dim3A_22 : vector<1x128xf32> to vector<128x128xf32>
    %transpose3A = tpu.transpose %broadcast_in_dim3A_23, [1, 0] : vector<128x128xf32> -> vector<128x128xf32>
    %mul3A = arith.mulf %add3A, %transpose3A : vector<128x128xf32>
    %get3A_24 = arith.constant 0 : index
    %get3A_25 = arith.constant 0 : index
    %get3A_26 = vector.load %arg3[%get3A_24, %get3A_25] : memref<1x128xf32, #tpu.memory_space<vmem>>, vector<1x128xf32>
    %add3A_27 = vector.broadcast %get3A_26 : vector<1x128xf32> to vector<128x128xf32>
    %add3A_28 = arith.addf %mul3A, %add3A_27 : vector<128x128xf32>
    %max3A = arith.constant 0.000000e+00 : f32
    %max3A_29 = vector.broadcast %max3A : f32 to vector<128x128xf32>
    %max3A_30 = arith.maximumf %add3A_28, %max3A_29 : vector<128x128xf32>
    %swap3A = arith.constant 0 : index
    %swap3A_31 = arith.constant 0 : index
    %swap3A_32 = vector.load %arg4[%swap3A, %swap3A_31] : memref<1024x128xf32, #tpu.memory_space<vmem>>, vector<128x128xf32>
    tpu.vector_store %arg4[%swap3A, %swap3A_31], %max3A_30 {strides = array<i32>} : memref<1024x128xf32, #tpu.memory_space<vmem>>, vector<128x128xf32>,
    %get3A_33 = arith.constant 0 : index
    %get3A_34 = arith.constant 128 : index
    %get3A_35 = arith.constant 0 : index
    %get3A_36 = vector.load %arg1[%get3A_33, %get3A_34, %get3A_35] : memref<2x1024x128xf32, #tpu.memory_space<vmem>>, vector<1x128x128xf32>
    %get3A_37 = vector.shape_cast %get3A_36 : vector<1x128x128xf32> to vector<128x128xf32>
    %get3A_38 = arith.constant 1 : index
    %get3A_39 = arith.constant 128 : index
    %get3A_40 = arith.constant 0 : index
    %get3A_41 = vector.load %arg1[%get3A_38, %get3A_39, %get3A_40] : memref<2x1024x128xf32, #tpu.memory_space<vmem>>, vector<1x128x128xf32>
    %get3A_42 = vector.shape_cast %get3A_41 : vector<1x128x128xf32> to vector<128x128xf32>
    %add3A_43 = arith.addf %get3A_37, %get3A_42 : vector<128x128xf32>
    %get3A_44 = arith.constant 0 : index
    %get3A_45 = arith.constant 1 : index
    %get3A_46 = arith.constant 0 : index
    %get3A_47 = vector.load %arg2[%get3A_44, %get3A_45, %get3A_46] : memref<2x8x128xf32, #tpu.memory_space<vmem>>, vector<1x1x128xf32>
    %get3A_48 = vector.shape_cast %get3A_47 : vector<1x1x128xf32> to vector<1x128xf32>
    %get3A_49 = arith.constant 1 : index
    %get3A_50 = arith.constant 1 : index
    %get3A_51 = arith.constant 0 : index
    %get3A_52 = vector.load %arg2[%get3A_49, %get3A_50, %get3A_51] : memref<2x8x128xf32, #tpu.memory_space<vmem>>, vector<1x1x128xf32>
    %get3A_53 = vector.shape_cast %get3A_52 : vector<1x1x128xf32> to vector<1x128xf32>
    %add3A_54 = arith.addf %get3A_48, %get3A_53 : vector<1x128xf32>
    %gt3A_55 = arith.constant 0.000000e+00 : f32
    %gt3A_56 = vector.broadcast %gt3A_55 : f32 to vector<1x128xf32>
    %gt3A_57 = arith.cmpf ogt, %add3A_54, %gt3A_56 : vector<1x128xf32>
    %rsqrt3A_58 = math.rsqrt %add3A_54 : vector<1x128xf32>
    %jit3A_59 = arith.constant 0.000000e+00 : f32
    %broadcast_in_dim3A_60 = vector.broadcast %jit3A_59 : f32 to vector<1x128xf32>
    %select_n3A_61 = arith.select %gt3A_57, %rsqrt3A_58, %broadcast_in_dim3A_60 : vector<1x128xi1>, vector<1x128xf32>
    %broadcast_in_dim3A_62 = vector.shape_cast %select_n3A_61 : vector<1x128xf32> to vector<1x128xf32>
    %broadcast_in_dim3A_63 = vector.broadcast %broadcast_in_dim3A_62 : vector<1x128xf32> to vector<128x128xf32>
    %transpose3A_64 = tpu.transpose %broadcast_in_dim3A_63, [1, 0] : vector<128x128xf32> -> vector<128x128xf32>
    %mul3A_65 = arith.mulf %add3A_43, %transpose3A_64 : vector<128x128xf32>
    %get3A_66 = arith.constant 0 : index
    %get3A_67 = arith.constant 0 : index
    %get3A_68 = vector.load %arg3[%get3A_66, %get3A_67] : memref<1x128xf32, #tpu.memory_space<vmem>>, vector<1x128xf32>
    %add3A_69 = vector.broadcast %get3A_68 : vector<1x128xf32> to vector<128x128xf32>
    %add3A_70 = arith.addf %mul3A_65, %add3A_69 : vector<128x128xf32>
    %max3A_71 = arith.constant 0.000000e+00 : f32
    %max3A_72 = vector.broadcast %max3A_71 : f32 to vector<128x128xf32>
    %max3A_73 = arith.maximumf %add3A_70, %max3A_72 : vector<128x128xf32>
    %swap3A_74 = arith.constant 128 : index
    %swap3A_75 = arith.constant 0 : index
    %swap3A_76 = vector.load %arg4[%swap3A_74, %swap3A_75] : memref<1024x128xf32, #tpu.memory_space<vmem>>, vector<128x128xf32>
    tpu.vector_store %arg4[%swap3A_74, %swap3A_75], %max3A_73 {strides = array<i32>} : memref<1024x128xf32, #tpu.memory_space<vmem>>, vector<128x128xf32>,
    %get3A_77 = arith.constant 0 : index
    %get3A_78 = arith.constant 256 : index
    %get3A_79 = arith.constant 0 : index
    %get3A_80 = vector.load %arg1[%get3A_77, %get3A_78, %get3A_79] : memref<2x1024x128xf32, #tpu.memory_space<vmem>>, vector<1x128x128xf32>
    %get3A_81 = vector.shape_cast %get3A_80 : vector<1x128x128xf32> to vector<128x128xf32>
    %get3A_82 = arith.constant 1 : index
    %get3A_83 = arith.constant 256 : index
    %get3A_84 = arith.constant 0 : index
    %get3A_85 = vector.load %arg1[%get3A_82, %get3A_83, %get3A_84] : memref<2x1024x128xf32, #tpu.memory_space<vmem>>, vector<1x128x128xf32>
    %get3A_86 = vector.shape_cast %get3A_85 : vector<1x128x128xf32> to vector<128x128xf32>
    %add3A_87 = arith.addf %get3A_81, %get3A_86 : vector<128x128xf32>
    %get3A_88 = arith.constant 0 : index
    %get3A_89 = arith.constant 2 : index
    %get3A_90 = arith.constant 0 : index
    %get3A_91 = vector.load %arg2[%get3A_88, %get3A_89, %get3A_90] : memref<2x8x128xf32, #tpu.memory_space<vmem>>, vector<1x1x128xf32>
    %get3A_92 = vector.shape_cast %get3A_91 : vector<1x1x128xf32> to vector<1x128xf32>
    %get3A_93 = arith.constant 1 : index
    %get3A_94 = arith.constant 2 : index
    %get3A_95 = arith.constant 0 : index
    %get3A_96 = vector.load %arg2[%get3A_93, %get3A_94, %get3A_95] : memref<2x8x128xf32, #tpu.memory_space<vmem>>, vector<1x1x128xf32>
    %get3A_97 = vector.shape_cast %get3A_96 : vector<1x1x128xf32> to vector<1x128xf32>
    %add3A_98 = arith.addf %get3A_92, %get3A_97 : vector<1x128xf32>
    %gt3A_99 = arith.constant 0.000000e+00 : f32
    %gt3A_100 = vector.broadcast %gt3A_99 : f32 to vector<1x128xf32>
    %gt3A_101 = arith.cmpf ogt, %add3A_98, %gt3A_100 : vector<1x128xf32>
    %rsqrt3A_102 = math.rsqrt %add3A_98 : vector<1x128xf32>
    %jit3A_103 = arith.constant 0.000000e+00 : f32
    %broadcast_in_dim3A_104 = vector.broadcast %jit3A_103 : f32 to vector<1x128xf32>
    %select_n3A_105 = arith.select %gt3A_101, %rsqrt3A_102, %broadcast_in_dim3A_104 : vector<1x128xi1>, vector<1x128xf32>
    %broadcast_in_dim3A_106 = vector.shape_cast %select_n3A_105 : vector<1x128xf32> to vector<1x128xf32>
    %broadcast_in_dim3A_107 = vector.broadcast %broadcast_in_dim3A_106 : vector<1x128xf32> to vector<128x128xf32>
    %transpose3A_108 = tpu.transpose %broadcast_in_dim3A_107, [1, 0] : vector<128x128xf32> -> vector<128x128xf32>
    %mul3A_109 = arith.mulf %add3A_87, %transpose3A_108 : vector<128x128xf32>
    %get3A_110 = arith.constant 0 : index
    %get3A_111 = arith.constant 0 : index
    %get3A_112 = vector.load %arg3[%get3A_110, %get3A_111] : memref<1x128xf32, #tpu.memory_space<vmem>>, vector<1x128xf32>
    %add3A_113 = vector.broadcast %get3A_112 : vector<1x128xf32> to vector<128x128xf32>
    %add3A_114 = arith.addf %mul3A_109, %add3A_113 : vector<128x128xf32>
    %max3A_115 = arith.constant 0.000000e+00 : f32
    %max3A_116 = vector.broadcast %max3A_115 : f32 to vector<128x128xf32>
    %max3A_117 = arith.maximumf %add3A_114, %max3A_116 : vector<128x128xf32>
    %swap3A_118 = arith.constant 256 : index
    %swap3A_119 = arith.constant 0 : index
    %swap3A_120 = vector.load %arg4[%swap3A_118, %swap3A_119] : memref<1024x128xf32, #tpu.memory_space<vmem>>, vector<128x128xf32>
    tpu.vector_store %arg4[%swap3A_118, %swap3A_119], %max3A_117 {strides = array<i32>} : memref<1024x128xf32, #tpu.memory_space<vmem>>, vector<128x128xf32>,
    %get3A_121 = arith.constant 0 : index
    %get3A_122 = arith.constant 384 : index
    %get3A_123 = arith.constant 0 : index
    %get3A_124 = vector.load %arg1[%get3A_121, %get3A_122, %get3A_123] : memref<2x1024x128xf32, #tpu.memory_space<vmem>>, vector<1x128x128xf32>
    %get3A_125 = vector.shape_cast %get3A_124 : vector<1x128x128xf32> to vector<128x128xf32>
    %get3A_126 = arith.constant 1 : index
    %get3A_127 = arith.constant 384 : index
    %get3A_128 = arith.constant 0 : index
    %get3A_129 = vector.load %arg1[%get3A_126, %get3A_127, %get3A_128] : memref<2x1024x128xf32, #tpu.memory_space<vmem>>, vector<1x128x128xf32>
    %get3A_130 = vector.shape_cast %get3A_129 : vector<1x128x128xf32> to vector<128x128xf32>
    %add3A_131 = arith.addf %get3A_125, %get3A_130 : vector<128x128xf32>
    %get3A_132 = arith.constant 0 : index
    %get3A_133 = arith.constant 3 : index
    %get3A_134 = arith.constant 0 : index
    %get3A_135 = vector.load %arg2[%get3A_132, %get3A_133, %get3A_134] : memref<2x8x128xf32, #tpu.memory_space<vmem>>, vector<1x1x128xf32>
    %get3A_136 = vector.shape_cast %get3A_135 : vector<1x1x128xf32> to vector<1x128xf32>
    %get3A_137 = arith.constant 1 : index
    %get3A_138 = arith.constant 3 : index
    %get3A_139 = arith.constant 0 : index
    %get3A_140 = vector.load %arg2[%get3A_137, %get3A_138, %get3A_139] : memref<2x8x128xf32, #tpu.memory_space<vmem>>, vector<1x1x128xf32>
    %get3A_141 = vector.shape_cast %get3A_140 : vector<1x1x128xf32> to vector<1x128xf32>
    %add3A_142 = arith.addf %get3A_136, %get3A_141 : vector<1x128xf32>
    %gt3A_143 = arith.constant 0.000000e+00 : f32
    %gt3A_144 = vector.broadcast %gt3A_143 : f32 to vector<1x128xf32>
    %gt3A_145 = arith.cmpf ogt, %add3A_142, %gt3A_144 : vector<1x128xf32>
    %rsqrt3A_146 = math.rsqrt %add3A_142 : vector<1x128xf32>
    %jit3A_147 = arith.constant 0.000000e+00 : f32
    %broadcast_in_dim3A_148 = vector.broadcast %jit3A_147 : f32 to vector<1x128xf32>
    %select_n3A_149 = arith.select %gt3A_145, %rsqrt3A_146, %broadcast_in_dim3A_148 : vector<1x128xi1>, vector<1x128xf32>
    %broadcast_in_dim3A_150 = vector.shape_cast %select_n3A_149 : vector<1x128xf32> to vector<1x128xf32>
    %broadcast_in_dim3A_151 = vector.broadcast %broadcast_in_dim3A_150 : vector<1x128xf32> to vector<128x128xf32>
    %transpose3A_152 = tpu.transpose %broadcast_in_dim3A_151, [1, 0] : vector<128x128xf32> -> vector<128x128xf32>
    %mul3A_153 = arith.mulf %add3A_131, %transpose3A_152 : vector<128x128xf32>
    %get3A_154 = arith.constant 0 : index
    %get3A_155 = arith.constant 0 : index
    %get3A_156 = vector.load %arg3[%get3A_154, %get3A_155] : memref<1x128xf32, #tpu.memory_space<vmem>>, vector<1x128xf32>
    %add3A_157 = vector.broadcast %get3A_156 : vector<1x128xf32> to vector<128x128xf32>
    %add3A_158 = arith.addf %mul3A_153, %add3A_157 : vector<128x128xf32>
    %max3A_159 = arith.constant 0.000000e+00 : f32
    %max3A_160 = vector.broadcast %max3A_159 : f32 to vector<128x128xf32>
    %max3A_161 = arith.maximumf %add3A_158, %max3A_160 : vector<128x128xf32>
    %swap3A_162 = arith.constant 384 : index
    %swap3A_163 = arith.constant 0 : index
    %swap3A_164 = vector.load %arg4[%swap3A_162, %swap3A_163] : memref<1024x128xf32, #tpu.memory_space<vmem>>, vector<128x128xf32>
    tpu.vector_store %arg4[%swap3A_162, %swap3A_163], %max3A_161 {strides = array<i32>} : memref<1024x128xf32, #tpu.memory_space<vmem>>, vector<128x128xf32>,
    %get3A_165 = arith.constant 0 : index
    %get3A_166 = arith.constant 512 : index
    %get3A_167 = arith.constant 0 : index
    %get3A_168 = vector.load %arg1[%get3A_165, %get3A_166, %get3A_167] : memref<2x1024x128xf32, #tpu.memory_space<vmem>>, vector<1x128x128xf32>
    %get3A_169 = vector.shape_cast %get3A_168 : vector<1x128x128xf32> to vector<128x128xf32>
    %get3A_170 = arith.constant 1 : index
    %get3A_171 = arith.constant 512 : index
    %get3A_172 = arith.constant 0 : index
    %get3A_173 = vector.load %arg1[%get3A_170, %get3A_171, %get3A_172] : memref<2x1024x128xf32, #tpu.memory_space<vmem>>, vector<1x128x128xf32>
    %get3A_174 = vector.shape_cast %get3A_173 : vector<1x128x128xf32> to vector<128x128xf32>
    %add3A_175 = arith.addf %get3A_169, %get3A_174 : vector<128x128xf32>
    %get3A_176 = arith.constant 0 : index
    %get3A_177 = arith.constant 4 : index
    %get3A_178 = arith.constant 0 : index
    %get3A_179 = vector.load %arg2[%get3A_176, %get3A_177, %get3A_178] : memref<2x8x128xf32, #tpu.memory_space<vmem>>, vector<1x1x128xf32>
    %get3A_180 = vector.shape_cast %get3A_179 : vector<1x1x128xf32> to vector<1x128xf32>
    %get3A_181 = arith.constant 1 : index
    %get3A_182 = arith.constant 4 : index
    %get3A_183 = arith.constant 0 : index
    %get3A_184 = vector.load %arg2[%get3A_181, %get3A_182, %get3A_183] : memref<2x8x128xf32, #tpu.memory_space<vmem>>, vector<1x1x128xf32>
    %get3A_185 = vector.shape_cast %get3A_184 : vector<1x1x128xf32> to vector<1x128xf32>
    %add3A_186 = arith.addf %get3A_180, %get3A_185 : vector<1x128xf32>
    %gt3A_187 = arith.constant 0.000000e+00 : f32
    %gt3A_188 = vector.broadcast %gt3A_187 : f32 to vector<1x128xf32>
    %gt3A_189 = arith.cmpf ogt, %add3A_186, %gt3A_188 : vector<1x128xf32>
    %rsqrt3A_190 = math.rsqrt %add3A_186 : vector<1x128xf32>
    %jit3A_191 = arith.constant 0.000000e+00 : f32
    %broadcast_in_dim3A_192 = vector.broadcast %jit3A_191 : f32 to vector<1x128xf32>
    %select_n3A_193 = arith.select %gt3A_189, %rsqrt3A_190, %broadcast_in_dim3A_192 : vector<1x128xi1>, vector<1x128xf32>
    %broadcast_in_dim3A_194 = vector.shape_cast %select_n3A_193 : vector<1x128xf32> to vector<1x128xf32>
    %broadcast_in_dim3A_195 = vector.broadcast %broadcast_in_dim3A_194 : vector<1x128xf32> to vector<128x128xf32>
    %transpose3A_196 = tpu.transpose %broadcast_in_dim3A_195, [1, 0] : vector<128x128xf32> -> vector<128x128xf32>
    %mul3A_197 = arith.mulf %add3A_175, %transpose3A_196 : vector<128x128xf32>
    %get3A_198 = arith.constant 0 : index
    %get3A_199 = arith.constant 0 : index
    %get3A_200 = vector.load %arg3[%get3A_198, %get3A_199] : memref<1x128xf32, #tpu.memory_space<vmem>>, vector<1x128xf32>
    %add3A_201 = vector.broadcast %get3A_200 : vector<1x128xf32> to vector<128x128xf32>
    %add3A_202 = arith.addf %mul3A_197, %add3A_201 : vector<128x128xf32>
    %max3A_203 = arith.constant 0.000000e+00 : f32
    %max3A_204 = vector.broadcast %max3A_203 : f32 to vector<128x128xf32>
    %max3A_205 = arith.maximumf %add3A_202, %max3A_204 : vector<128x128xf32>
    %swap3A_206 = arith.constant 512 : index
    %swap3A_207 = arith.constant 0 : index
    %swap3A_208 = vector.load %arg4[%swap3A_206, %swap3A_207] : memref<1024x128xf32, #tpu.memory_space<vmem>>, vector<128x128xf32>
    tpu.vector_store %arg4[%swap3A_206, %swap3A_207], %max3A_205 {strides = array<i32>} : memref<1024x128xf32, #tpu.memory_space<vmem>>, vector<128x128xf32>,
    %get3A_209 = arith.constant 0 : index
    %get3A_210 = arith.constant 640 : index
    %get3A_211 = arith.constant 0 : index
    %get3A_212 = vector.load %arg1[%get3A_209, %get3A_210, %get3A_211] : memref<2x1024x128xf32, #tpu.memory_space<vmem>>, vector<1x128x128xf32>
    %get3A_213 = vector.shape_cast %get3A_212 : vector<1x128x128xf32> to vector<128x128xf32>
    %get3A_214 = arith.constant 1 : index
    %get3A_215 = arith.constant 640 : index
    %get3A_216 = arith.constant 0 : index
    %get3A_217 = vector.load %arg1[%get3A_214, %get3A_215, %get3A_216] : memref<2x1024x128xf32, #tpu.memory_space<vmem>>, vector<1x128x128xf32>
    %get3A_218 = vector.shape_cast %get3A_217 : vector<1x128x128xf32> to vector<128x128xf32>
    %add3A_219 = arith.addf %get3A_213, %get3A_218 : vector<128x128xf32>
    %get3A_220 = arith.constant 0 : index
    %get3A_221 = arith.constant 5 : index
    %get3A_222 = arith.constant 0 : index
    %get3A_223 = vector.load %arg2[%get3A_220, %get3A_221, %get3A_222] : memref<2x8x128xf32, #tpu.memory_space<vmem>>, vector<1x1x128xf32>
    %get3A_224 = vector.shape_cast %get3A_223 : vector<1x1x128xf32> to vector<1x128xf32>
    %get3A_225 = arith.constant 1 : index
    %get3A_226 = arith.constant 5 : index
    %get3A_227 = arith.constant 0 : index
    %get3A_228 = vector.load %arg2[%get3A_225, %get3A_226, %get3A_227] : memref<2x8x128xf32, #tpu.memory_space<vmem>>, vector<1x1x128xf32>
    %get3A_229 = vector.shape_cast %get3A_228 : vector<1x1x128xf32> to vector<1x128xf32>
    %add3A_230 = arith.addf %get3A_224, %get3A_229 : vector<1x128xf32>
    %gt3A_231 = arith.constant 0.000000e+00 : f32
    %gt3A_232 = vector.broadcast %gt3A_231 : f32 to vector<1x128xf32>
    %gt3A_233 = arith.cmpf ogt, %add3A_230, %gt3A_232 : vector<1x128xf32>
    %rsqrt3A_234 = math.rsqrt %add3A_230 : vector<1x128xf32>
    %jit3A_235 = arith.constant 0.000000e+00 : f32
    %broadcast_in_dim3A_236 = vector.broadcast %jit3A_235 : f32 to vector<1x128xf32>
    %select_n3A_237 = arith.select %gt3A_233, %rsqrt3A_234, %broadcast_in_dim3A_236 : vector<1x128xi1>, vector<1x128xf32>
    %broadcast_in_dim3A_238 = vector.shape_cast %select_n3A_237 : vector<1x128xf32> to vector<1x128xf32>
    %broadcast_in_dim3A_239 = vector.broadcast %broadcast_in_dim3A_238 : vector<1x128xf32> to vector<128x128xf32>
    %transpose3A_240 = tpu.transpose %broadcast_in_dim3A_239, [1, 0] : vector<128x128xf32> -> vector<128x128xf32>
    %mul3A_241 = arith.mulf %add3A_219, %transpose3A_240 : vector<128x128xf32>
    %get3A_242 = arith.constant 0 : index
    %get3A_243 = arith.constant 0 : index
    %get3A_244 = vector.load %arg3[%get3A_242, %get3A_243] : memref<1x128xf32, #tpu.memory_space<vmem>>, vector<1x128xf32>
    %add3A_245 = vector.broadcast %get3A_244 : vector<1x128xf32> to vector<128x128xf32>
    %add3A_246 = arith.addf %mul3A_241, %add3A_245 : vector<128x128xf32>
    %max3A_247 = arith.constant 0.000000e+00 : f32
    %max3A_248 = vector.broadcast %max3A_247 : f32 to vector<128x128xf32>
    %max3A_249 = arith.maximumf %add3A_246, %max3A_248 : vector<128x128xf32>
    %swap3A_250 = arith.constant 640 : index
    %swap3A_251 = arith.constant 0 : index
    %swap3A_252 = vector.load %arg4[%swap3A_250, %swap3A_251] : memref<1024x128xf32, #tpu.memory_space<vmem>>, vector<128x128xf32>
    tpu.vector_store %arg4[%swap3A_250, %swap3A_251], %max3A_249 {strides = array<i32>} : memref<1024x128xf32, #tpu.memory_space<vmem>>, vector<128x128xf32>,
    %get3A_253 = arith.constant 0 : index
    %get3A_254 = arith.constant 768 : index
    %get3A_255 = arith.constant 0 : index
    %get3A_256 = vector.load %arg1[%get3A_253, %get3A_254, %get3A_255] : memref<2x1024x128xf32, #tpu.memory_space<vmem>>, vector<1x128x128xf32>
    %get3A_257 = vector.shape_cast %get3A_256 : vector<1x128x128xf32> to vector<128x128xf32>
    %get3A_258 = arith.constant 1 : index
    %get3A_259 = arith.constant 768 : index
    %get3A_260 = arith.constant 0 : index
    %get3A_261 = vector.load %arg1[%get3A_258, %get3A_259, %get3A_260] : memref<2x1024x128xf32, #tpu.memory_space<vmem>>, vector<1x128x128xf32>
    %get3A_262 = vector.shape_cast %get3A_261 : vector<1x128x128xf32> to vector<128x128xf32>
    %add3A_263 = arith.addf %get3A_257, %get3A_262 : vector<128x128xf32>
    %get3A_264 = arith.constant 0 : index
    %get3A_265 = arith.constant 6 : index
    %get3A_266 = arith.constant 0 : index
    %get3A_267 = vector.load %arg2[%get3A_264, %get3A_265, %get3A_266] : memref<2x8x128xf32, #tpu.memory_space<vmem>>, vector<1x1x128xf32>
    %get3A_268 = vector.shape_cast %get3A_267 : vector<1x1x128xf32> to vector<1x128xf32>
    %get3A_269 = arith.constant 1 : index
    %get3A_270 = arith.constant 6 : index
    %get3A_271 = arith.constant 0 : index
    %get3A_272 = vector.load %arg2[%get3A_269, %get3A_270, %get3A_271] : memref<2x8x128xf32, #tpu.memory_space<vmem>>, vector<1x1x128xf32>
    %get3A_273 = vector.shape_cast %get3A_272 : vector<1x1x128xf32> to vector<1x128xf32>
    %add3A_274 = arith.addf %get3A_268, %get3A_273 : vector<1x128xf32>
    %gt3A_275 = arith.constant 0.000000e+00 : f32
    %gt3A_276 = vector.broadcast %gt3A_275 : f32 to vector<1x128xf32>
    %gt3A_277 = arith.cmpf ogt, %add3A_274, %gt3A_276 : vector<1x128xf32>
    %rsqrt3A_278 = math.rsqrt %add3A_274 : vector<1x128xf32>
    %jit3A_279 = arith.constant 0.000000e+00 : f32
    %broadcast_in_dim3A_280 = vector.broadcast %jit3A_279 : f32 to vector<1x128xf32>
    %select_n3A_281 = arith.select %gt3A_277, %rsqrt3A_278, %broadcast_in_dim3A_280 : vector<1x128xi1>, vector<1x128xf32>
    %broadcast_in_dim3A_282 = vector.shape_cast %select_n3A_281 : vector<1x128xf32> to vector<1x128xf32>
    %broadcast_in_dim3A_283 = vector.broadcast %broadcast_in_dim3A_282 : vector<1x128xf32> to vector<128x128xf32>
    %transpose3A_284 = tpu.transpose %broadcast_in_dim3A_283, [1, 0] : vector<128x128xf32> -> vector<128x128xf32>
    %mul3A_285 = arith.mulf %add3A_263, %transpose3A_284 : vector<128x128xf32>
    %get3A_286 = arith.constant 0 : index
    %get3A_287 = arith.constant 0 : index
    %get3A_288 = vector.load %arg3[%get3A_286, %get3A_287] : memref<1x128xf32, #tpu.memory_space<vmem>>, vector<1x128xf32>
    %add3A_289 = vector.broadcast %get3A_288 : vector<1x128xf32> to vector<128x128xf32>
    %add3A_290 = arith.addf %mul3A_285, %add3A_289 : vector<128x128xf32>
    %max3A_291 = arith.constant 0.000000e+00 : f32
    %max3A_292 = vector.broadcast %max3A_291 : f32 to vector<128x128xf32>
    %max3A_293 = arith.maximumf %add3A_290, %max3A_292 : vector<128x128xf32>
    %swap3A_294 = arith.constant 768 : index
    %swap3A_295 = arith.constant 0 : index
    %swap3A_296 = vector.load %arg4[%swap3A_294, %swap3A_295] : memref<1024x128xf32, #tpu.memory_space<vmem>>, vector<128x128xf32>
    tpu.vector_store %arg4[%swap3A_294, %swap3A_295], %max3A_293 {strides = array<i32>} : memref<1024x128xf32, #tpu.memory_space<vmem>>, vector<128x128xf32>,
    %get3A_297 = arith.constant 0 : index
    %get3A_298 = arith.constant 896 : index
    %get3A_299 = arith.constant 0 : index
    %get3A_300 = vector.load %arg1[%get3A_297, %get3A_298, %get3A_299] : memref<2x1024x128xf32, #tpu.memory_space<vmem>>, vector<1x128x128xf32>
    %get3A_301 = vector.shape_cast %get3A_300 : vector<1x128x128xf32> to vector<128x128xf32>
    %get3A_302 = arith.constant 1 : index
    %get3A_303 = arith.constant 896 : index
    %get3A_304 = arith.constant 0 : index
    %get3A_305 = vector.load %arg1[%get3A_302, %get3A_303, %get3A_304] : memref<2x1024x128xf32, #tpu.memory_space<vmem>>, vector<1x128x128xf32>
    %get3A_306 = vector.shape_cast %get3A_305 : vector<1x128x128xf32> to vector<128x128xf32>
    %add3A_307 = arith.addf %get3A_301, %get3A_306 : vector<128x128xf32>
    %get3A_308 = arith.constant 0 : index
    %get3A_309 = arith.constant 7 : index
    %get3A_310 = arith.constant 0 : index
    %get3A_311 = vector.load %arg2[%get3A_308, %get3A_309, %get3A_310] : memref<2x8x128xf32, #tpu.memory_space<vmem>>, vector<1x1x128xf32>
    %get3A_312 = vector.shape_cast %get3A_311 : vector<1x1x128xf32> to vector<1x128xf32>
    %get3A_313 = arith.constant 1 : index
    %get3A_314 = arith.constant 7 : index
    %get3A_315 = arith.constant 0 : index
    %get3A_316 = vector.load %arg2[%get3A_313, %get3A_314, %get3A_315] : memref<2x8x128xf32, #tpu.memory_space<vmem>>, vector<1x1x128xf32>
    %get3A_317 = vector.shape_cast %get3A_316 : vector<1x1x128xf32> to vector<1x128xf32>
    %add3A_318 = arith.addf %get3A_312, %get3A_317 : vector<1x128xf32>
    %gt3A_319 = arith.constant 0.000000e+00 : f32
    %gt3A_320 = vector.broadcast %gt3A_319 : f32 to vector<1x128xf32>
    %gt3A_321 = arith.cmpf ogt, %add3A_318, %gt3A_320 : vector<1x128xf32>
    %rsqrt3A_322 = math.rsqrt %add3A_318 : vector<1x128xf32>
    %jit3A_323 = arith.constant 0.000000e+00 : f32
    %broadcast_in_dim3A_324 = vector.broadcast %jit3A_323 : f32 to vector<1x128xf32>
    %select_n3A_325 = arith.select %gt3A_321, %rsqrt3A_322, %broadcast_in_dim3A_324 : vector<1x128xi1>, vector<1x128xf32>
    %broadcast_in_dim3A_326 = vector.shape_cast %select_n3A_325 : vector<1x128xf32> to vector<1x128xf32>
    %broadcast_in_dim3A_327 = vector.broadcast %broadcast_in_dim3A_326 : vector<1x128xf32> to vector<128x128xf32>
    %transpose3A_328 = tpu.transpose %broadcast_in_dim3A_327, [1, 0] : vector<128x128xf32> -> vector<128x128xf32>
    %mul3A_329 = arith.mulf %add3A_307, %transpose3A_328 : vector<128x128xf32>
    %get3A_330 = arith.constant 0 : index
    %get3A_331 = arith.constant 0 : index
    %get3A_332 = vector.load %arg3[%get3A_330, %get3A_331] : memref<1x128xf32, #tpu.memory_space<vmem>>, vector<1x128xf32>
    %add3A_333 = vector.broadcast %get3A_332 : vector<1x128xf32> to vector<128x128xf32>
    %add3A_334 = arith.addf %mul3A_329, %add3A_333 : vector<128x128xf32>
    %max3A_335 = arith.constant 0.000000e+00 : f32
    %max3A_336 = vector.broadcast %max3A_335 : f32 to vector<128x128xf32>
    %max3A_337 = arith.maximumf %add3A_334, %max3A_336 : vector<128x128xf32>
    %swap3A_338 = arith.constant 896 : index
    %swap3A_339 = arith.constant 0 : index
    %swap3A_340 = vector.load %arg4[%swap3A_338, %swap3A_339] : memref<1024x128xf32, #tpu.memory_space<vmem>>, vector<128x128xf32>
    tpu.vector_store %arg4[%swap3A_338, %swap3A_339], %max3A_337 {strides = array<i32>} : memref<1024x128xf32, #tpu.memory_space<vmem>>, vector<128x128xf32>,
    return
  }
  func.func @transform_0(%arg0: i32) -> (i32, i32, i32) {
    %c0_i32 = arith.constant 0 : i32
    %c0_i32_0 = arith.constant 0 : i32
    %c0_i32_1 = arith.constant 0 : i32
    return %c0_i32, %arg0, %c0_i32_0 : i32, i32, i32
  }
  func.func @transform_1(%arg0: i32) -> (i32, i32, i32) {
    %c0_i32 = arith.constant 0 : i32
    %c0_i32_0 = arith.constant 0 : i32
    %c0_i32_1 = arith.constant 0 : i32
    return %c0_i32, %arg0, %c0_i32_0 : i32, i32, i32
  }
  func.func @transform_2(%arg0: i32) -> (i32, i32) {
    %c0_i32 = arith.constant 0 : i32
    %c0_i32_0 = arith.constant 0 : i32
    %c0_i32_1 = arith.constant 0 : i32
    return %c0_i32, %c0_i32_0 : i32, i32
  }
  func.func @transform_3(%arg0: i32) -> (i32, i32) {
    %c0_i32 = arith.constant 0 : i32
    %c0_i32_0 = arith.constant 0 : i32
    return %arg0, %c0_i32 : i32, i32
  }
}

</mosaic_0001>

<sc_bundles>
// kernel: kernel.11.cloned.1.call-start
scs
__scs_entry_jumppad:
0x0: {  	(pc) =	sbr.rel $0x88, $3  }
0x1: {  	(tag) =	ssettag $0x0;
	lr =	simm.s32 $0x1  }
0x2: {  	[smem:$0x3F9B] =	sst lr;
	_ =	strace $0xD0000000  }
0x3: {  	_ = 	snop  }
0x4: {  	_ = 	snop  }
0x5: {  	_ = 	snop  }
0x6: {  	_ = 	snop  }
0x7: {  	_ = 	snop  }
__scs_overlays_trampoline_lowered:
0x8: {  	[smem:$0x3FAA] =	sst s0  }
0x9: {  	[smem:$0x3FAB] =	sst s1  }
0xa: {  	[smem:$0x3FAC] =	sst s2  }
0xb: {  	[smem:$0x3FAD] =	sst s3  }
0xc: {  	[smem:$0x3FAE] =	sst s4  }
0xd: {  	[smem:$0x3FAF] =	sst s5  }
0xe: {  	[smem:$0x3FB0] =	sst s6  }
0xf: {  	[smem:$0x3FB1] =	sst s7  }
0x10: {  	[smem:$0x3FB2] =	sst s8  }
0x11: {  	[smem:$0x3FB3] =	sst s9;
	s0 =	simm.s32 @!p0 $0x0  }
0x12: {  	s1 =	sld [smem:$0x3F99];
	s0 =	simm.s32 @p0 $0x1  }
0x13: {  	[smem:$0x3FB4] =	sst s0;
	s0 =	simm.s32 @!p1 $0x0  }
0x14: {  	s2 =	sld [smem:$0x3F98];
	s0 =	simm.s32 @p1 $0x1  }
0x15: {  	[smem:$0x3FB5] =	sst s0;
	s0 =	simm.s32 @!p2 $0x0  }
0x16: {  	s3 =	sld [smem:$0x3FDB];
	s0 =	simm.s32 @p2 $0x1  }
0x17: {  	s4 =	simm.s32 $0x1BF5;
	[smem:$0x3FB7] =	sst s0  }
0x18: {  	s0 =	sld [smem:$0x3F9A];
	_ =	swait.ge [sflag:s4], $0x0  }
0x19: {  	s7 =	sld [smem:$0x3F9B]  }
0x1a: {  	s8 =	sadd.s32 $0xFFFFE003, lr  }
0x1b: {  	s9 =	sadd.s32 $0xFFFFFEF7, lr;
	s5 =	simm.s32 $0xFFFFFFFF;
	p2 =	slt.u32 s8, $0xFFFFF086  }
0x1c: {  	p1 =	slt.u32 s9, $0xF7A;
	s5 =	simm.s32 @!p2 $0x0  }
0x1d: {  	s5 =	simm.s32 @p1 $0x1;
	p0 =	seq.s32 s7, s2  }
0x1e: {  	s7 =	smul.u32 @!p0 $0xF7A, s2;
	p2 =	seq.s32 @!p0 s5, $0x0  }
0x1f: {  	s9 =	smul.u32 $0xF7A, s1;
	s8 =	simm.s32 @!p0 $0x1BF5;
	p2 =	por !p2, p0  }
0x20: {  	[sflag:s8] =	ssyncset.s32 @!p0 $0xFFFFF086;
	s6 =	sadd.s32 @!p0 s3, s7;
	s7 =	simm.s32 @!p0 $0x108  }
0x21: {  	s3 =	sadd.s32 s3, s9;
	s6 =	sadd.s32 @!p0 $0x88, s6;
	s7 =	simm.s32 @p2 $0x1082  }
0x22: {  	[simem:s7], [sflag:s8] =	dma.local @!p0 [hbm:s6], $0xF7A  }
0x23: {  	s9 =	sor.u32 $0xD0000000, s2;
	s6 =	simm.s32 $0x108;
	_ =	swait.ge @!p0 [sflag:s8], $0x0  }
0x24: {  	s3 =	sadd.s32 $0x88, s3;
	s6 =	simm.s32 @!p1 $0x1082;
	[sflag:s4] =	ssyncset.s32 $0xFFFFF086  }
0x25: {  	[simem:s6], [sflag:s4] =	dma.local [hbm:s3], $0xF7A  }
0x26: {  	[smem:$0x3F9B] =	sst s1;
	(tag) =	ssettag s2;
	_ =	strace s9  }
0x27: {  	s1 =	sld [smem:$0x3FAB]  }
0x28: {  	s2 =	sld [smem:$0x3FAC]  }
0x29: {  	s4 =	sld [smem:$0x3FAE]  }
0x2a: {  	p0 =	seq.s32 s5, $0x0;
	s5 =	sld [smem:$0x3FAF]  }
0x2b: {  	s6 =	sld [smem:$0x3FB0]  }
0x2c: {  	s7 =	sld [smem:$0x3FB1]  }
0x2d: {  	s3 =	simm.s32 $0x108;
	s8 =	sld [smem:$0x3FB2]  }
0x2e: {  	s3 =	simm.s32 @!p0 $0x1082;
	s9 =	sld [smem:$0x3FB3]  }
0x2f: {  	lr =	sadd.s32 s0, s3;
	s0 =	sld [smem:$0x3FAA]  }
0x30: {  	s3 =	sld [smem:$0x3FAD]  }
0x31: {  	[smem:$0x3FB6] =	sst s10  }
0x32: {  	s10 =	sld [smem:$0x3FB4];
	_ =	sdelay $0x3  }
0x33: {  	p0 =	seq.s32 s10, $0x1;
	s10 =	sld [smem:$0x3FB6];
	_ =	sdelay $0x3  }
0x34: {  	[smem:$0x3FB6] =	sst s10  }
0x35: {  	s10 =	sld [smem:$0x3FB5];
	_ =	sdelay $0x3  }
0x36: {  	p1 =	seq.s32 s10, $0x1;
	s10 =	sld [smem:$0x3FB6];
	_ =	sdelay $0x3  }
0x37: {  	[smem:$0x3FB6] =	sst s10  }
0x38: {  	s10 =	sld [smem:$0x3FB7]  }
0x39: {  	_ = 	snop;
	(pc) =	sbr.ind lr, $3  }
0x3a: {  	_ = 	snop  }
0x3b: {  	_ = 	snop  }
0x3c: {  	p2 =	seq.s32 s10, $0x1;
	s10 =	sld [smem:$0x3FB6]  }
0x3d: {  	_ =	shalt  }
0x3e: {  	_ =	shalt  }
0x3f: {  	_ =	shalt  }
0x40: {  	_ =	shalt  }
0x41: {  	_ =	shalt  }
0x42: {  	_ =	shalt  }
0x43: {  	_ =	shalt  }
0x44: {  	_ =	shalt  }
0x45: {  	_ =	shalt  }
0x46: {  	_ =	shalt  }
0x47: {  	_ =	shalt  }
0x48: {  	_ =	shalt  }
0x49: {  	_ =	shalt  }
0x4a: {  	_ =	shalt  }
0x4b: {  	_ =	shalt  }
0x4c: {  	_ =	shalt  }
0x4d: {  	_ =	shalt  }
0x4e: {  	_ =	shalt  }
0x4f: {  	_ =	shalt  }
0x50: {  	_ =	shalt  }
0x51: {  	_ =	shalt  }
0x52: {  	_ =	shalt  }
0x53: {  	_ =	shalt  }
0x54: {  	_ =	shalt  }
0x55: {  	_ =	shalt  }
0x56: {  	_ =	shalt  }
0x57: {  	_ =	shalt  }
0x58: {  	_ =	shalt  }
0x59: {  	_ =	shalt  }
0x5a: {  	_ =	shalt  }
0x5b: {  	_ =	shalt  }
0x5c: {  	_ =	shalt  }
0x5d: {  	_ =	shalt  }
0x5e: {  	_ =	shalt  }
0x5f: {  	_ =	shalt  }
0x60: {  	_ =	shalt  }
0x61: {  	_ =	shalt  }
0x62: {  	_ =	shalt  }
0x63: {  	_ =	shalt  }
0x64: {  	_ =	shalt  }
0x65: {  	_ =	shalt  }
0x66: {  	_ =	shalt  }
0x67: {  	_ =	shalt  }
0x68: {  	_ =	shalt  }
0x69: {  	_ =	shalt  }
0x6a: {  	_ =	shalt  }
0x6b: {  	_ =	shalt  }
0x6c: {  	_ =	shalt  }
0x6d: {  	_ =	shalt  }
0x6e: {  	_ =	shalt  }
0x6f: {  	_ =	shalt  }
0x70: {  	_ =	shalt  }
0x71: {  	_ =	shalt  }
0x72: {  	_ =	shalt  }
0x73: {  	_ =	shalt  }
0x74: {  	_ =	shalt  }
0x75: {  	_ =	shalt  }
0x76: {  	_ =	shalt  }
0x77: {  	_ =	shalt  }
0x78: {  	_ =	shalt  }
0x79: {  	_ =	shalt  }
0x7a: {  	_ =	shalt  }
0x7b: {  	_ =	shalt  }
0x7c: {  	_ =	shalt  }
0x7d: {  	_ =	shalt  }
0x7e: {  	_ =	shalt  }
0x7f: {  	_ =	shalt  }
0x80: {  	_ =	shalt  }
0x81: {  	_ =	shalt  }
0x82: {  	_ =	shalt  }
0x83: {  	_ =	shalt  }
0x84: {  	_ =	shalt  }
0x85: {  	_ =	shalt  }
0x86: {  	_ =	shalt  }
0x87: {  	_ =	shalt  }
.Lfunc_end0:
.L_simem_size_0:
called_computation.1_lowered:
.L_overlay_start_0:
0x88: {  	s2 =	sld [smem:$0x3FD9]  }
0x89: {  	s3 =	sld [smem:$0x3FFE];
	_ =	sdelay $0x1  }
0x8a: {  	s1 =	srdreg.scid  }
0x8b: {  	s0 =	sand.u32 $0x1, s1  }
0x8c: {  	s17 =	sshll.u32 s0, $0xA;
	s2 =	sadd.s32 s3, s2  }
0x8d: {  	s2 =	sadd.s32 s2, s17  }
0x8e: {  	[smem:$0x3FC2] =	sst s2  }
0x8f: {  	_ = 	snop  }
0x90: {  	s2 =	sld [smem:$0x3FD0];
	(tm) =	ssettm $0x1  }
0x91: {  	s18 =	sld [smem:$0x3FFB];
	_ =	sdelay $0x3  }
0x92: {  	_ =	strace s18  }
0x93: {  	s3 =	sld [smem:$0x3FFC];
	_ =	sdelay $0x3  }
0x94: {  	_ =	strace s3  }
0x95: {  	s3 =	sld [smem:$0x3FFD];
	_ =	sdelay $0x3  }
0x96: {  	_ =	strace s3  }
0x97: {  	_ =	strace $0x8FFFFFFF  }
0x98: {  	s19 =	sld [smem:$0x3FDB];
	_ =	sdelay $0x1  }
0x99: {  	s4 =	simm.s32 $_scs_section_size  }
0x9a: {  	s5 =	simm.s32 $_size__tile_overlayer_lowered;
	s6 =	simm.s32 $_tile_overlayer_lowered  }
0x9b: {  	s22 =	simm.s32 $0x1BFF;
	s21 =	sshll.u32 s6, $0x1;
	s3 =	sadd.s32 s4, s19  }
0x9c: {  	s7 =	simm.s32 $0x0;
	s20 =	sshll.u32 s5, $0x1;
	s5 =	sadd.s32 s21, s3  }
0x9d: {  	[timem:s7], [sflag:s22] =	dma.local [hbm:s5], s20  }
0x9e: {  	_ =	swait.ge [sflag:s22], s20  }
0x9f: {  	s4 =	ssub.s32 $0x0, s20;
	[sflag:s22] =	ssyncset.done $0x0  }
0xa0: {  	[sflag:s22] =	ssyncadd.s32 s4;
	_ =	sdelay $0x1  }
0xa1: {  	s23 =	simm.s32 $0x1B8B  }
0xa2: {  	_ =	swait.ge [sflag:s23], $0x1  }
0xa3: {  	[sflag:s23] =	ssyncset.done $0x0  }
0xa4: {  	s25 =	simm.s32 $0x1B8E;
	s24 =	sld [smem:$0x3FFE];
	[sflag:s23] =	ssyncadd.s32 $0xFFFFFFFF  }
0xa5: {  	s26 =	simm.s32 $execute0_lowered;
	[smem:$0x3FD2] =	sst s25  }
0xa6: {  	s5 =	sshll.u32 s26, $0x1;
	_ =	strace $0x80000049;
	[dreg:$0x1] =	wrdreg $0xFFFFFFFF  }
0xa7: {  	s28 =	simm.s32 $_size_execute0_lowered;
	s3 =	sadd.s32 s3, s5;
	[dreg:$0x0] =	wrdreg $0x0  }
0xa8: {  	s5 =	sshll.u32 s28, $0x1;
	[dreg:$0x2] =	wrdreg s3  }
0xa9: {  	[dreg:$0x3] =	wrdreg s5  }
0xaa: {  	[dreg:$0x4] =	wrdreg $0xC0  }
0xab: {  	_ =	task [dreg:s7], $0x5FFFF  }
0xac: {  	[dreg:$0x1] =	wrdreg $0xFFFFFFFF  }
0xad: {  	[dreg:$0x0] =	wrdreg $0x60  }
0xae: {  	[dreg:$0x2] =	wrdreg s24  }
0xaf: {  	[dreg:$0x3] =	wrdreg s2  }
0xb0: {  	[dreg:$0x4] =	wrdreg $0x0  }
0xb1: {  	[dreg:$0x5] =	wrdreg $0x9  }
0xb2: {  	_ =	task.clear_ibuf [dreg:s7], $0x6FFFF;
	_ =	strace $0x90000049  }
0xb3: {  	s29 =	simm.s32 $0x9;
	_ =	strace $0x8000004B  }
0xb4: {  	_ =	swait.ge [sflag:s29], $0x1  }
0xb5: {  	[sflag:s29] =	ssyncadd.s32 $0xFFFFFFFF  }
0xb6: {  	_ =	strace $0x9000004B  }
0xb7: {  	_ =	sfence  }
0xb8: {  	s30 =	sld [smem:$0x0];
	_ =	sdelay $0x2  }
0xb9: {  	s31 =	sshll.u32 s1, $0xD;
	s1 =	sshrl.u32 s1, $0x2  }
0xba: {  	s3 =	sand.u32 $0x4000, s31;
	s1 =	sadd.s32 s1, s30  }
0xbb: {  	s0 =	sor.u32 s3, s0;
	s1 =	sshll.u32 s1, $0x11  }
0xbc: {  	s0 =	sor.u32 s1, s0  }
0xbd: {  	s0 =	sadd.s32 $0x8F2B, s0  }
0xbe: {  	[sflag:s0] =	ssyncadd.remote.s32 $0x1  }
0xbf: {  	_ =	sfence.sel $0xFFFF  }
0xc0: {  	[dreg:$0x0] =	wrdreg $0xFFFFFFFF;
	(pc) =	sbr.abs _section_cstart, $3  }
0xc1: {  	[dreg:$0x1] =	wrdreg $0xFFFFFFFF  }
0xc2: {  	_ =	task.clear_ibuf [dreg:s7], $0x2FFFF;
	_ =	strace $0x9FFFFFFF  }
0xc3: {  	(tm) =	ssettm $0x7FFFFFFF  }
tec
execute0_lowered:
.L_overlay_start_1:
0x0: {  	(tag) =	ssettag $0x1  }
0x1: {  	s1 =	rddreg [dreg:$0x0]  }
0x2: {  	s0 =	srdreg.scid;
	s3 =	rddreg [dreg:$0x1]  }
0x3: {  	s10 =	stileid.u32;
	s2 =	rddreg [dreg:$0x2]  }
0x4: {  	s25 =	simm.s32 $0x0;
	s28 =	simm.s32 $0x3;
	s29 =	simm.s32 $0x1  }
0x5: {  	s30 =	simm.s32 $0x2;
	s31 =	simm.s32 $0x80;
	s0 =	sand.u32 $0x1, s0  }
0x6: {  	[smem:$0x7FF] =	sst s25;
	s7 =	smul.u32 $0x50000, s10;
	s8 =	sadd.s32 $0x2600, s1  }
0x7: {  	s18 =	smul.u32 $0x280, s10;
	s4 =	sshll.u32 s0, $0x4;
	_ =	strace $0x8000004A  }
0x8: {  	s9 =	ssub.s32 $0x2, s0;
	s0 =	smul.u32 $0x2800, s0;
	s5 =	sor.u32 s10, s4  }
0x9: {  	s4 =	sadd.s32 $0xDA00, s1;
	s1 =	sadd.s32 $0x35A00, s1;
	s26 =	sshrl.u32 s9, $0x1  }
0xa: {  	s12 =	sshrl.u32 s7, $0x2;
	s16 =	sadd.s32 $0x80, s18;
	s19 =	sadd.s32 $0x100, s18  }
0xb: {  	s23 =	sadd.s32 $0x180, s18;
	s25 =	sadd.s32 $0x200, s18;
	s6 =	smul.u32 $0x500, s5  }
0xc: {  	s5 =	smul.u32 $0x2800, s5;
	s9 =	ssub.s32 s9, s26;
	s13 =	sadd.s32 s0, s18  }
0xd: {  	s7 =	sadd.s32 s12, s2;
	s17 =	sshll.u32 s16, $0x7;
	s20 =	sadd.s32 s0, s19  }
0xe: {  	s21 =	sshll.u32 s19, $0x7;
	s24 =	sshll.u32 s23, $0x7;
	s26 =	sshll.u32 s25, $0x7  }
0xf: {  	s14 =	sshll.u32 s13, $0x4;
	s12 =	sadd.s32 $0x4000, s7;
	s13 =	sadd.s32 $0x8000, s7  }
0x10: {  	s22 =	sshll.u32 s20, $0x4;
	s20 =	simm.s32 $0x14000;
	s11 =	sadd.s32 s8, s6  }
0x11: {  	s6 =	sadd.s32 s3, s6;
	s5 =	sshrl.u32 s5, $0x3;
	[dreg:$0x4] =	wrdreg s11  }
0x12: {  	s15 =	sadd.s32 s1, s14;
	s14 =	sadd.s32 $0xC000, s7;
	[dreg:$0x5] =	wrdreg s6  }
0x13: {  	s5 =	sadd.s32 $0x280, s5;
	[dreg:$0x8] =	wrdreg s15;
	s11 =	smax.u32 s9, $0x1  }
0x14: {  	s15 =	sadd.s32 $0x10000, s7;
	s6 =	sadd.s32 s0, s23;
	s8 =	sadd.s32 s8, s5  }
0x15: {  	s3 =	sadd.s32 s3, s5;
	s5 =	sadd.s32 s17, s2;
	[dreg:$0x6] =	wrdreg s8  }
0x16: {  	s17 =	sadd.s32 s1, s22;
	s6 =	sshll.u32 s6, $0x4;
	[dreg:$0x7] =	wrdreg s3  }
0x17: {  	s3 =	sadd.s32 s0, s16;
	s8 =	sadd.s32 s24, s2;
	s0 =	sadd.s32 s0, s25  }
0x18: {  	s18 =	sadd.s32 s1, s6;
	s6 =	sadd.s32 s26, s2;
	s22 =	sshrl.u32 s5, $0x3  }
0x19: {  	s26 =	simm.s32 $0x1A800;
	s5 =	simm.s32 $0x16780;
	s3 =	sshll.u32 s3, $0x4  }
0x1a: {  	s0 =	sshll.u32 s0, $0x4;
	s24 =	sshrl.u32 s8, $0x3;
	s25 =	sshrl.u32 s6, $0x3  }
0x1b: {  	s6 =	simm.s32 $0x0;
	s16 =	sadd.s32 s1, s3;
	s3 =	sadd.s32 s21, s2  }
0x1c: {  	s19 =	sadd.s32 s1, s0;
	s21 =	simm.s32 $0x15400;
	s1 =	simm.s32 $0x16800  }
0x1d: {  	v0 =	vimm.f32 $0.0e+00;
	s0 =	simm.s32 $0x15380;
	s23 =	sshrl.u32 s3, $0x3;
	s3 =	simm.s32 $0x16700  }
.LBB2_1:
0x1e: {  	s8 =	simm.s32 $0x0;
	s9 =	rddreg [dreg:$0x4]  }
0x1f: {  	[tilespmem:s20], [sflag:$0x1] =	stream.linear.gather [hbm4b:s9+s8], $0x1400, $0x38;
	[tilespmem:$0x1E800] =	vst v63  }
0x20: {  	s10 =	rddreg [dreg:$0x5]  }
0x21: {  	[tilespmem:s21], [sflag:$0x2] =	stream.linear.gather [hbm4b:s10+s8], $0x1400, $0x38;
	[tilespmem:$0x1E800] =	vst v63  }
0x22: {  	s9 =	simm.s32 $0x200;
	s8 =	simm.s32 $0x0  }
.LBB2_2:
0x23: {  	p0 =	sne.s32 s9, $0xFE00;
	[tilespmem:s8+$0x1A870] =	vst v0  }
0x24: {  	[tilespmem:s8+$0x1A800] =	vst v0  }
0x25: {  	[tilespmem:s8+$0x1A810] =	vst v0  }
.Ltmp0:
0x26: {  	[tilespmem:s8+$0x1A820] =	vst v0;
	(pc) =	sbr.rel @p0 .LBB2_2-.Ltmp0, $4  }
0x27: {  	[tilespmem:s8+$0x1A830] =	vst v0  }
0x28: {  	[tilespmem:s8+$0x1A840] =	vst v0  }
0x29: {  	[tilespmem:s8+$0x1A850] =	vst v0  }
0x2a: {  	[tilespmem:s8+$0x1A860] =	vst v0;
	s8 =	sshra.s32 s9, $0x2;
	s9 =	sadd.s32 $0x200, s9  }
0x2b: {  	[tilespmem:s8+$0x1A870] =	vst v0  }
0x2c: {  	[tilespmem:s8+$0x1A800] =	vst v0  }
0x2d: {  	[tilespmem:s8+$0x1A810] =	vst v0  }
0x2e: {  	[tilespmem:s8+$0x1A820] =	vst v0  }
0x2f: {  	[tilespmem:s8+$0x1A830] =	vst v0  }
0x30: {  	[tilespmem:s8+$0x1A840] =	vst v0  }
0x31: {  	[tilespmem:s8+$0x1A850] =	vst v0  }
0x32: {  	[tilespmem:s8+$0x1A860] =	vst v0  }
0x33: {  	[spmem:s7] =	stream.linear.scatter [tilespmem:s26], [sflag:$0x3], $0x4000, $0x38;
	[tilespmem:$0x1E800] =	vst v63  }
0x34: {  	_ =	swait.ge [sflag:s28], $0x4000  }
0x35: {  	[sflag:s28] =	ssyncset.done $0x0  }
0x36: {  	[sflag:s28] =	ssyncadd.s32 $0xFFFFC000  }
0x37: {  	[spmem:s12] =	stream.linear.scatter [tilespmem:s26], [sflag:$0x3], $0x4000, $0x38;
	[tilespmem:$0x1E800] =	vst v63  }
0x38: {  	_ =	swait.ge [sflag:s28], $0x4000  }
0x39: {  	[sflag:s28] =	ssyncset.done $0x0  }
0x3a: {  	[sflag:s28] =	ssyncadd.s32 $0xFFFFC000  }
0x3b: {  	[spmem:s13] =	stream.linear.scatter [tilespmem:s26], [sflag:$0x3], $0x4000, $0x38;
	[tilespmem:$0x1E800] =	vst v63  }
0x3c: {  	_ =	swait.ge [sflag:s28], $0x4000  }
0x3d: {  	[sflag:s28] =	ssyncset.done $0x0  }
0x3e: {  	[sflag:s28] =	ssyncadd.s32 $0xFFFFC000  }
0x3f: {  	[spmem:s14] =	stream.linear.scatter [tilespmem:s26], [sflag:$0x3], $0x4000, $0x38;
	[tilespmem:$0x1E800] =	vst v63  }
0x40: {  	_ =	swait.ge [sflag:s28], $0x4000  }
0x41: {  	[sflag:s28] =	ssyncset.done $0x0  }
0x42: {  	[sflag:s28] =	ssyncadd.s32 $0xFFFFC000  }
0x43: {  	[spmem:s15] =	stream.linear.scatter [tilespmem:s26], [sflag:$0x3], $0x4000, $0x38;
	[tilespmem:$0x1E800] =	vst v63  }
0x44: {  	_ =	swait.ge [sflag:s28], $0x4000  }
0x45: {  	[sflag:s28] =	ssyncset.done $0x0  }
0x46: {  	[sflag:s28] =	ssyncadd.s32 $0xFFFFC000  }
0x47: {  	_ =	swait.ge [sflag:s29], $0x1400  }
0x48: {  	[sflag:s29] =	ssyncset.done $0x0  }
0x49: {  	[sflag:s29] =	ssyncadd.s32 $0xFFFFEC00  }
0x4a: {  	_ =	swait.ge [sflag:s30], $0x1400  }
0x4b: {  	[sflag:s30] =	ssyncset.done $0x0  }
0x4c: {  	[sflag:s30] =	ssyncadd.s32 $0xFFFFEC00  }
0x4d: {  	[tilespmem:s1], [sflag:$0x1] =	stream.indirect.gather [hbm4b:s4+s31], $0x80, s20, s31, $0xb8;
	[tilespmem:$0x1E800] =	vst v63  }
0x4e: {  	[bflag:$0x0] =	sbarrier.arrive $0xFFFF  }
0x4f: {  	_ =	swait.ge [sflag:s29], $0x4000  }
0x50: {  	[sflag:s29] =	ssyncset.done $0x0  }
0x51: {  	s9 =	simm.s32 $0x14080;
	[sflag:s29] =	ssyncadd.s32 $0xFFFFC000  }
0x52: {  	[tilespmem:s26], [sflag:$0x2] =	stream.indirect.gather [hbm4b:s4+s31], $0x80, s9, s31, $0xb8;
	[tilespmem:$0x1E800] =	vst v63  }
0x53: {  	s10 =	simm.s32 $0x15400  }
0x54: {  	[spmem:s2] =	stream.indirect.scatter.add.f32 [tilespmem:s1], [sflag:$0x3], $0x80, s10, s31, $0xb8;
	[tilespmem:$0x1E800] =	vst v63  }
0x55: {  	_ =	swait.ge [sflag:s28], $0x4000  }
0x56: {  	[sflag:s28] =	ssyncset.done $0x0  }
0x57: {  	[sflag:s28] =	ssyncadd.s32 $0xFFFFC000  }
0x58: {  	_ =	swait.ge [sflag:s30], $0x4000  }
0x59: {  	[sflag:s30] =	ssyncset.done $0x0  }
0x5a: {  	s9 =	simm.s32 $0x14100;
	[sflag:s30] =	ssyncadd.s32 $0xFFFFC000  }
0x5b: {  	[tilespmem:s1], [sflag:$0x1] =	stream.indirect.gather [hbm4b:s4+s31], $0x80, s9, s31, $0xb8;
	[tilespmem:$0x1E800] =	vst v63  }
0x5c: {  	s10 =	simm.s32 $0x15480  }
0x5d: {  	[spmem:s2] =	stream.indirect.scatter.add.f32 [tilespmem:s26], [sflag:$0x3], $0x80, s10, s31, $0xb8;
	[tilespmem:$0x1E800] =	vst v63  }
0x5e: {  	_ =	swait.ge [sflag:s28], $0x4000  }
0x5f: {  	s8 =	simm.s32 $0x400;
	[sflag:s28] =	ssyncset.done $0x0  }
.LBB2_4:
0x60: {  	p0 =	sne.s32 s8, $0x4800  }
0x61: {  	[sflag:s28] =	ssyncadd.s32 $0xFFFFC000;
	s9 =	smov.u32 s8;
	s8 =	sadd.s32 $0x400, s8  }
0x62: {  	_ = 	snop  }
0x63: {  	_ =	swait.ge [sflag:s29], $0x4000  }
0x64: {  	s9 =	sshra.s32 s9, $0x2;
	[sflag:s29] =	ssyncset.done $0x0  }
0x65: {  	s10 =	sadd.s32 $0x14080, s9;
	[sflag:s29] =	ssyncadd.s32 $0xFFFFC000  }
0x66: {  	[tilespmem:s26], [sflag:$0x2] =	stream.indirect.gather [hbm4b:s4+s31], $0x80, s10, s31, $0xb8;
	[tilespmem:$0x1E800] =	vst v63  }
0x67: {  	s10 =	sadd.s32 $0x15400, s9  }
0x68: {  	[spmem:s2] =	stream.indirect.scatter.add.f32 [tilespmem:s1], [sflag:$0x3], $0x80, s10, s31, $0xb8;
	[tilespmem:$0x1E800] =	vst v63  }
0x69: {  	_ =	swait.ge [sflag:s28], $0x4000  }
0x6a: {  	[sflag:s28] =	ssyncset.done $0x0  }
0x6b: {  	[sflag:s28] =	ssyncadd.s32 $0xFFFFC000  }
0x6c: {  	_ =	swait.ge [sflag:s30], $0x4000  }
0x6d: {  	[sflag:s30] =	ssyncset.done $0x0  }
0x6e: {  	s10 =	sadd.s32 $0x14100, s9;
	[sflag:s30] =	ssyncadd.s32 $0xFFFFC000  }
0x6f: {  	[tilespmem:s1], [sflag:$0x1] =	stream.indirect.gather [hbm4b:s4+s31], $0x80, s10, s31, $0xb8;
	[tilespmem:$0x1E800] =	vst v63  }
.Ltmp1:
0x70: {  	_ = 	snop;
	(pc) =	sbr.rel @p0 .LBB2_4-.Ltmp1, $4  }
0x71: {  	s9 =	sadd.s32 $0x15480, s9  }
0x72: {  	[spmem:s2] =	stream.indirect.scatter.add.f32 [tilespmem:s26], [sflag:$0x3], $0x80, s9, s31, $0xb8;
	[tilespmem:$0x1E800] =	vst v63  }
0x73: {  	_ =	swait.ge [sflag:s28], $0x4000  }
0x74: {  	[sflag:s28] =	ssyncset.done $0x0  }
0x75: {  	[sflag:s28] =	ssyncadd.s32 $0xFFFFC000  }
0x76: {  	_ =	swait.ge [sflag:s29], $0x4000  }
0x77: {  	[sflag:s29] =	ssyncset.done $0x0  }
0x78: {  	[sflag:s29] =	ssyncadd.s32 $0xFFFFC000  }
0x79: {  	[tilespmem:s26], [sflag:$0x2] =	stream.indirect.gather [hbm4b:s4+s31], $0x80, s0, s31, $0xb8;
	[tilespmem:$0x1E800] =	vst v63  }
0x7a: {  	_ = 	snop  }
0x7b: {  	[spmem:s2] =	stream.indirect.scatter.add.f32 [tilespmem:s1], [sflag:$0x3], $0x80, s3, s31, $0xb8;
	[tilespmem:$0x1E800] =	vst v63  }
0x7c: {  	_ =	swait.ge [sflag:s28], $0x4000  }
0x7d: {  	[sflag:s28] =	ssyncset.done $0x0  }
0x7e: {  	[sflag:s28] =	ssyncadd.s32 $0xFFFFC000  }
0x7f: {  	_ =	swait.ge [sflag:s30], $0x4000  }
0x80: {  	[sflag:s30] =	ssyncset.done $0x0  }
0x81: {  	[sflag:s30] =	ssyncadd.s32 $0xFFFFC000  }
0x82: {  	[tilespmem:s1], [sflag:$0x1] =	stream.indirect.gather [hbm4b:s4+s31], $0x80, s0, s31, $0xb8;
	[tilespmem:$0x1E800] =	vst v63  }
0x83: {  	_ = 	snop  }
0x84: {  	[spmem:s2] =	stream.indirect.scatter.add.f32 [tilespmem:s26], [sflag:$0x3], $0x80, s5, s31, $0xb8;
	[tilespmem:$0x1E800] =	vst v63  }
0x85: {  	_ =	swait.ge [sflag:s28], $0x4000  }
0x86: {  	[sflag:s28] =	ssyncset.done $0x0  }
0x87: {  	[sflag:s28] =	ssyncadd.s32 $0xFFFFC000  }
0x88: {  	_ =	swait.ge [sflag:s29], $0x4000  }
0x89: {  	[sflag:s29] =	ssyncset.done $0x0  }
0x8a: {  	s8 =	simm.s32 $0x0;
	s9 =	rddreg [dreg:$0x6];
	[sflag:s29] =	ssyncadd.s32 $0xFFFFC000  }
0x8b: {  	[tilespmem:s20], [sflag:$0x3] =	stream.linear.gather [hbm4b:s9+s8], $0x1400, $0x38;
	[tilespmem:$0x1E800] =	vst v63  }
0x8c: {  	_ =	swait.ge [sflag:s28], $0x1400  }
0x8d: {  	[sflag:s28] =	ssyncset.done $0x0  }
0x8e: {  	s10 =	rddreg [dreg:$0x7];
	[sflag:s28] =	ssyncadd.s32 $0xFFFFEC00  }
0x8f: {  	[tilespmem:s21], [sflag:$0x3] =	stream.linear.gather [hbm4b:s10+s8], $0x1400, $0x38;
	[tilespmem:$0x1E800] =	vst v63  }
0x90: {  	_ =	swait.ge [sflag:s28], $0x1400  }
0x91: {  	[sflag:s28] =	ssyncset.done $0x0  }
0x92: {  	[sflag:s28] =	ssyncadd.s32 $0xFFFFEC00  }
0x93: {  	[tilespmem:s1], [sflag:$0x1] =	stream.indirect.gather [hbm4b:s4+s31], $0x80, s20, s31, $0xb8;
	[tilespmem:$0x1E800] =	vst v63  }
0x94: {  	_ =	swait.ge [sflag:s29], $0x4000  }
0x95: {  	[sflag:s29] =	ssyncset.done $0x0  }
0x96: {  	s9 =	simm.s32 $0x14080;
	[sflag:s29] =	ssyncadd.s32 $0xFFFFC000  }
0x97: {  	[tilespmem:s26], [sflag:$0x2] =	stream.indirect.gather [hbm4b:s4+s31], $0x80, s9, s31, $0xb8;
	[tilespmem:$0x1E800] =	vst v63  }
0x98: {  	s10 =	simm.s32 $0x15400  }
0x99: {  	[spmem:s2] =	stream.indirect.scatter.add.f32 [tilespmem:s1], [sflag:$0x3], $0x80, s10, s31, $0xb8;
	[tilespmem:$0x1E800] =	vst v63  }
0x9a: {  	_ =	swait.ge [sflag:s28], $0x4000  }
0x9b: {  	[sflag:s28] =	ssyncset.done $0x0  }
0x9c: {  	[sflag:s28] =	ssyncadd.s32 $0xFFFFC000  }
0x9d: {  	_ =	swait.ge [sflag:s30], $0x4000  }
0x9e: {  	[sflag:s30] =	ssyncset.done $0x0  }
0x9f: {  	s9 =	simm.s32 $0x14100;
	[sflag:s30] =	ssyncadd.s32 $0xFFFFC000  }
0xa0: {  	[tilespmem:s1], [sflag:$0x1] =	stream.indirect.gather [hbm4b:s4+s31], $0x80, s9, s31, $0xb8;
	[tilespmem:$0x1E800] =	vst v63  }
0xa1: {  	s10 =	simm.s32 $0x15480  }
0xa2: {  	[spmem:s2] =	stream.indirect.scatter.add.f32 [tilespmem:s26], [sflag:$0x3], $0x80, s10, s31, $0xb8;
	[tilespmem:$0x1E800] =	vst v63  }
0xa3: {  	_ =	swait.ge [sflag:s28], $0x4000  }
0xa4: {  	s8 =	simm.s32 $0x400;
	[sflag:s28] =	ssyncset.done $0x0  }
.LBB2_6:
0xa5: {  	p0 =	sne.s32 s8, $0x4800  }
0xa6: {  	[sflag:s28] =	ssyncadd.s32 $0xFFFFC000;
	s9 =	smov.u32 s8;
	s8 =	sadd.s32 $0x400, s8  }
0xa7: {  	_ = 	snop  }
0xa8: {  	_ =	swait.ge [sflag:s29], $0x4000  }
0xa9: {  	s9 =	sshra.s32 s9, $0x2;
	[sflag:s29] =	ssyncset.done $0x0  }
0xaa: {  	s10 =	sadd.s32 $0x14080, s9;
	[sflag:s29] =	ssyncadd.s32 $0xFFFFC000  }
0xab: {  	[tilespmem:s26], [sflag:$0x2] =	stream.indirect.gather [hbm4b:s4+s31], $0x80, s10, s31, $0xb8;
	[tilespmem:$0x1E800] =	vst v63  }
0xac: {  	s10 =	sadd.s32 $0x15400, s9  }
0xad: {  	[spmem:s2] =	stream.indirect.scatter.add.f32 [tilespmem:s1], [sflag:$0x3], $0x80, s10, s31, $0xb8;
	[tilespmem:$0x1E800] =	vst v63  }
0xae: {  	_ =	swait.ge [sflag:s28], $0x4000  }
0xaf: {  	[sflag:s28] =	ssyncset.done $0x0  }
0xb0: {  	[sflag:s28] =	ssyncadd.s32 $0xFFFFC000  }
0xb1: {  	_ =	swait.ge [sflag:s30], $0x4000  }
0xb2: {  	[sflag:s30] =	ssyncset.done $0x0  }
0xb3: {  	s10 =	sadd.s32 $0x14100, s9;
	[sflag:s30] =	ssyncadd.s32 $0xFFFFC000  }
0xb4: {  	[tilespmem:s1], [sflag:$0x1] =	stream.indirect.gather [hbm4b:s4+s31], $0x80, s10, s31, $0xb8;
	[tilespmem:$0x1E800] =	vst v63  }
.Ltmp2:
0xb5: {  	_ = 	snop;
	(pc) =	sbr.rel @p0 .LBB2_6-.Ltmp2, $4  }
0xb6: {  	s9 =	sadd.s32 $0x15480, s9  }
0xb7: {  	[spmem:s2] =	stream.indirect.scatter.add.f32 [tilespmem:s26], [sflag:$0x3], $0x80, s9, s31, $0xb8;
	[tilespmem:$0x1E800] =	vst v63  }
0xb8: {  	_ =	swait.ge [sflag:s28], $0x4000  }
0xb9: {  	[sflag:s28] =	ssyncset.done $0x0  }
0xba: {  	[sflag:s28] =	ssyncadd.s32 $0xFFFFC000  }
0xbb: {  	_ =	swait.ge [sflag:s29], $0x4000  }
0xbc: {  	[sflag:s29] =	ssyncset.done $0x0  }
0xbd: {  	[sflag:s29] =	ssyncadd.s32 $0xFFFFC000  }
0xbe: {  	[tilespmem:s26], [sflag:$0x2] =	stream.indirect.gather [hbm4b:s4+s31], $0x80, s0, s31, $0xb8;
	[tilespmem:$0x1E800] =	vst v63  }
0xbf: {  	_ = 	snop  }
0xc0: {  	[spmem:s2] =	stream.indirect.scatter.add.f32 [tilespmem:s1], [sflag:$0x3], $0x80, s3, s31, $0xb8;
	[tilespmem:$0x1E800] =	vst v63  }
0xc1: {  	_ =	swait.ge [sflag:s28], $0x4000  }
0xc2: {  	[sflag:s28] =	ssyncset.done $0x0  }
0xc3: {  	[sflag:s28] =	ssyncadd.s32 $0xFFFFC000  }
0xc4: {  	_ =	swait.ge [sflag:s30], $0x4000  }
0xc5: {  	[sflag:s30] =	ssyncset.done $0x0  }
0xc6: {  	[sflag:s30] =	ssyncadd.s32 $0xFFFFC000  }
0xc7: {  	[tilespmem:s1], [sflag:$0x1] =	stream.indirect.gather [hbm4b:s4+s31], $0x80, s0, s31, $0xb8;
	[tilespmem:$0x1E800] =	vst v63  }
0xc8: {  	_ = 	snop  }
0xc9: {  	[spmem:s2] =	stream.indirect.scatter.add.f32 [tilespmem:s26], [sflag:$0x3], $0x80, s5, s31, $0xb8;
	[tilespmem:$0x1E800] =	vst v63  }
0xca: {  	_ =	swait.ge [sflag:s28], $0x4000  }
0xcb: {  	[sflag:s28] =	ssyncset.done $0x0  }
0xcc: {  	[sflag:s28] =	ssyncadd.s32 $0xFFFFC000  }
0xcd: {  	_ =	swait.ge [sflag:s29], $0x4000  }
0xce: {  	[sflag:s29] =	ssyncset.done $0x0  }
0xcf: {  	s8 =	stileid.u32;
	[sflag:s29] =	ssyncadd.s32 $0xFFFFC000  }
0xd0: {  	s8 =	sshll.u32 s8, $0x6;
	[bflag:$0x0] =	sbarrier.arrive $0xFFFF  }
0xd1: {  	s9 =	sshrl.u32 s7, $0x3;
	s8 =	sor.u32 $0x1C03, s8;
	s10 =	rddreg [dreg:$0x8]  }
0xd2: {  	[hbm:s10], [sflag:s8] =	dma.local [spmem:s9], $0x800  }
0xd3: {  	_ =	swait.ge [sflag:s28], $0x800  }
0xd4: {  	[sflag:s28] =	ssyncset.done $0x0  }
0xd5: {  	[sflag:s28] =	ssyncadd.s32 $0xFFFFF800  }
0xd6: {  	[hbm:s16], [sflag:s8] =	dma.local [spmem:s22], $0x800  }
0xd7: {  	_ =	swait.ge [sflag:s28], $0x800  }
0xd8: {  	[sflag:s28] =	ssyncset.done $0x0  }
0xd9: {  	[sflag:s28] =	ssyncadd.s32 $0xFFFFF800  }
0xda: {  	[hbm:s17], [sflag:s8] =	dma.local [spmem:s23], $0x800  }
0xdb: {  	_ =	swait.ge [sflag:s28], $0x800  }
0xdc: {  	[sflag:s28] =	ssyncset.done $0x0  }
0xdd: {  	[sflag:s28] =	ssyncadd.s32 $0xFFFFF800  }
0xde: {  	[hbm:s18], [sflag:s8] =	dma.local [spmem:s24], $0x800  }
0xdf: {  	s6 =	sadd.s32 $0x1, s6;
	_ =	swait.ge [sflag:s28], $0x800  }
0xe0: {  	p0 =	sne.s32 s6, s11;
	[sflag:s28] =	ssyncset.done $0x0  }
.Ltmp3:
0xe1: {  	[sflag:s28] =	ssyncadd.s32 $0xFFFFF800;
	(pc) =	sbr.rel @p0 .LBB2_1-.Ltmp3, $4  }
0xe2: {  	[hbm:s19], [sflag:s8] =	dma.local [spmem:s25], $0x800  }
0xe3: {  	_ =	swait.ge [sflag:s28], $0x800  }
0xe4: {  	[sflag:s28] =	ssyncset.done $0x0  }
0xe5: {  	[sflag:s28] =	ssyncadd.s32 $0xFFFFF800  }
0xe6: {  	_ =	sfence.sel $0x180000  }
0xe7: {  	[bflag:$0x0] =	sbarrier.arrive $0xFFFF  }
0xe8: {  	_ =	strace $0x9000004A  }
0xe9: {  	s0 =	stileid.u32;
	[bflag:$0x2] =	sbarrier.arrive $0xFFFF  }
0xea: {  	p0 =	sne.s32 s0, $0x0;
	s0 =	rddreg [dreg:$0x3]  }
0xeb: {  	s0 =	sadd.s32 @!p0 $0x100000, s0  }
0xec: {  	[sflag:s0] =	ssyncadd.tile.s32 @!p0 $0x1;
	_ =	shalt  }
.Lfunc_end2:
_tile_overlayer_lowered:
.L_overlay_start_2:
0xed: {  	(tag) =	ssettag $0x2  }
0xee: {  	s0 =	rddreg [dreg:$0x0];
	s2 =	stileid.u32  }
0xef: {  	s1 =	rddreg [dreg:$0x1];
	p0 =	sne.s32 s2, $0x0  }
0xf0: {  	s3 =	rddreg [dreg:$0x2];
	[bflag:$0x3] =	sbarrier.arrive $0xFFFF;
	s2 =	simm.s32 @!p0 $0x1C03  }
0xf1: {  	[timem:s3], [sflag:s2] =	dma.local @!p0 [hbm:s0], s1  }
0xf2: {  	s0 =	simm.s32 @!p0 $0x3  }
0xf3: {  	_ =	swait.ge @!p0 [sflag:s0], s1  }
0xf4: {  	s1 =	ssub.s32 @!p0 $0x0, s1;
	[sflag:s0] =	ssyncset.done @!p0 $0x0  }
0xf5: {  	[sflag:s0] =	ssyncadd.s32 @!p0 s1  }
0xf6: {  	[bflag:$0x3] =	sbarrier.arrive $0xFFFF  }
0xf7: {  	_ =	shalt  }

// kernel: kernel.14.cloned.1.call-start
scs
__scs_entry_jumppad:
0x0: {  	(pc) =	sbr.rel $0x88, $3  }
0x1: {  	(tag) =	ssettag $0x0;
	lr =	simm.s32 $0x1  }
0x2: {  	[smem:$0x3F9B] =	sst lr;
	_ =	strace $0xD0000000  }
0x3: {  	_ = 	snop  }
0x4: {  	_ = 	snop  }
0x5: {  	_ = 	snop  }
0x6: {  	_ = 	snop  }
0x7: {  	_ = 	snop  }
__scs_overlays_trampoline_lowered:
0x8: {  	[smem:$0x3FAA] =	sst s0  }
0x9: {  	[smem:$0x3FAB] =	sst s1  }
0xa: {  	[smem:$0x3FAC] =	sst s2  }
0xb: {  	[smem:$0x3FAD] =	sst s3  }
0xc: {  	[smem:$0x3FAE] =	sst s4  }
0xd: {  	[smem:$0x3FAF] =	sst s5  }
0xe: {  	[smem:$0x3FB0] =	sst s6  }
0xf: {  	[smem:$0x3FB1] =	sst s7  }
0x10: {  	[smem:$0x3FB2] =	sst s8  }
0x11: {  	[smem:$0x3FB3] =	sst s9;
	s0 =	simm.s32 @!p0 $0x0  }
0x12: {  	s1 =	sld [smem:$0x3F99];
	s0 =	simm.s32 @p0 $0x1  }
0x13: {  	[smem:$0x3FB4] =	sst s0;
	s0 =	simm.s32 @!p1 $0x0  }
0x14: {  	s2 =	sld [smem:$0x3F98];
	s0 =	simm.s32 @p1 $0x1  }
0x15: {  	[smem:$0x3FB5] =	sst s0;
	s0 =	simm.s32 @!p2 $0x0  }
0x16: {  	s3 =	sld [smem:$0x3FDB];
	s0 =	simm.s32 @p2 $0x1  }
0x17: {  	s4 =	simm.s32 $0x1BF5;
	[smem:$0x3FB7] =	sst s0  }
0x18: {  	s0 =	sld [smem:$0x3F9A];
	_ =	swait.ge [sflag:s4], $0x0  }
0x19: {  	s7 =	sld [smem:$0x3F9B]  }
0x1a: {  	s8 =	sadd.s32 $0xFFFFE003, lr  }
0x1b: {  	s9 =	sadd.s32 $0xFFFFFEF7, lr;
	s5 =	simm.s32 $0xFFFFFFFF;
	p2 =	slt.u32 s8, $0xFFFFF086  }
0x1c: {  	p1 =	slt.u32 s9, $0xF7A;
	s5 =	simm.s32 @!p2 $0x0  }
0x1d: {  	s5 =	simm.s32 @p1 $0x1;
	p0 =	seq.s32 s7, s2  }
0x1e: {  	s7 =	smul.u32 @!p0 $0xF7A, s2;
	p2 =	seq.s32 @!p0 s5, $0x0  }
0x1f: {  	s9 =	smul.u32 $0xF7A, s1;
	s8 =	simm.s32 @!p0 $0x1BF5;
	p2 =	por !p2, p0  }
0x20: {  	[sflag:s8] =	ssyncset.s32 @!p0 $0xFFFFF086;
	s6 =	sadd.s32 @!p0 s3, s7;
	s7 =	simm.s32 @!p0 $0x108  }
0x21: {  	s3 =	sadd.s32 s3, s9;
	s6 =	sadd.s32 @!p0 $0x88, s6;
	s7 =	simm.s32 @p2 $0x1082  }
0x22: {  	[simem:s7], [sflag:s8] =	dma.local @!p0 [hbm:s6], $0xF7A  }
0x23: {  	s9 =	sor.u32 $0xD0000000, s2;
	s6 =	simm.s32 $0x108;
	_ =	swait.ge @!p0 [sflag:s8], $0x0  }
0x24: {  	s3 =	sadd.s32 $0x88, s3;
	s6 =	simm.s32 @!p1 $0x1082;
	[sflag:s4] =	ssyncset.s32 $0xFFFFF086  }
0x25: {  	[simem:s6], [sflag:s4] =	dma.local [hbm:s3], $0xF7A  }
0x26: {  	[smem:$0x3F9B] =	sst s1;
	(tag) =	ssettag s2;
	_ =	strace s9  }
0x27: {  	s1 =	sld [smem:$0x3FAB]  }
0x28: {  	s2 =	sld [smem:$0x3FAC]  }
0x29: {  	s4 =	sld [smem:$0x3FAE]  }
0x2a: {  	p0 =	seq.s32 s5, $0x0;
	s5 =	sld [smem:$0x3FAF]  }
0x2b: {  	s6 =	sld [smem:$0x3FB0]  }
0x2c: {  	s7 =	sld [smem:$0x3FB1]  }
0x2d: {  	s3 =	simm.s32 $0x108;
	s8 =	sld [smem:$0x3FB2]  }
0x2e: {  	s3 =	simm.s32 @!p0 $0x1082;
	s9 =	sld [smem:$0x3FB3]  }
0x2f: {  	lr =	sadd.s32 s0, s3;
	s0 =	sld [smem:$0x3FAA]  }
0x30: {  	s3 =	sld [smem:$0x3FAD]  }
0x31: {  	[smem:$0x3FB6] =	sst s10  }
0x32: {  	s10 =	sld [smem:$0x3FB4];
	_ =	sdelay $0x3  }
0x33: {  	p0 =	seq.s32 s10, $0x1;
	s10 =	sld [smem:$0x3FB6];
	_ =	sdelay $0x3  }
0x34: {  	[smem:$0x3FB6] =	sst s10  }
0x35: {  	s10 =	sld [smem:$0x3FB5];
	_ =	sdelay $0x3  }
0x36: {  	p1 =	seq.s32 s10, $0x1;
	s10 =	sld [smem:$0x3FB6];
	_ =	sdelay $0x3  }
0x37: {  	[smem:$0x3FB6] =	sst s10  }
0x38: {  	s10 =	sld [smem:$0x3FB7]  }
0x39: {  	_ = 	snop;
	(pc) =	sbr.ind lr, $3  }
0x3a: {  	_ = 	snop  }
0x3b: {  	_ = 	snop  }
0x3c: {  	p2 =	seq.s32 s10, $0x1;
	s10 =	sld [smem:$0x3FB6]  }
0x3d: {  	_ =	shalt  }
0x3e: {  	_ =	shalt  }
0x3f: {  	_ =	shalt  }
0x40: {  	_ =	shalt  }
0x41: {  	_ =	shalt  }
0x42: {  	_ =	shalt  }
0x43: {  	_ =	shalt  }
0x44: {  	_ =	shalt  }
0x45: {  	_ =	shalt  }
0x46: {  	_ =	shalt  }
0x47: {  	_ =	shalt  }
0x48: {  	_ =	shalt  }
0x49: {  	_ =	shalt  }
0x4a: {  	_ =	shalt  }
0x4b: {  	_ =	shalt  }
0x4c: {  	_ =	shalt  }
0x4d: {  	_ =	shalt  }
0x4e: {  	_ =	shalt  }
0x4f: {  	_ =	shalt  }
0x50: {  	_ =	shalt  }
0x51: {  	_ =	shalt  }
0x52: {  	_ =	shalt  }
0x53: {  	_ =	shalt  }
0x54: {  	_ =	shalt  }
0x55: {  	_ =	shalt  }
0x56: {  	_ =	shalt  }
0x57: {  	_ =	shalt  }
0x58: {  	_ =	shalt  }
0x59: {  	_ =	shalt  }
0x5a: {  	_ =	shalt  }
0x5b: {  	_ =	shalt  }
0x5c: {  	_ =	shalt  }
0x5d: {  	_ =	shalt  }
0x5e: {  	_ =	shalt  }
0x5f: {  	_ =	shalt  }
0x60: {  	_ =	shalt  }
0x61: {  	_ =	shalt  }
0x62: {  	_ =	shalt  }
0x63: {  	_ =	shalt  }
0x64: {  	_ =	shalt  }
0x65: {  	_ =	shalt  }
0x66: {  	_ =	shalt  }
0x67: {  	_ =	shalt  }
0x68: {  	_ =	shalt  }
0x69: {  	_ =	shalt  }
0x6a: {  	_ =	shalt  }
0x6b: {  	_ =	shalt  }
0x6c: {  	_ =	shalt  }
0x6d: {  	_ =	shalt  }
0x6e: {  	_ =	shalt  }
0x6f: {  	_ =	shalt  }
0x70: {  	_ =	shalt  }
0x71: {  	_ =	shalt  }
0x72: {  	_ =	shalt  }
0x73: {  	_ =	shalt  }
0x74: {  	_ =	shalt  }
0x75: {  	_ =	shalt  }
0x76: {  	_ =	shalt  }
0x77: {  	_ =	shalt  }
0x78: {  	_ =	shalt  }
0x79: {  	_ =	shalt  }
0x7a: {  	_ =	shalt  }
0x7b: {  	_ =	shalt  }
0x7c: {  	_ =	shalt  }
0x7d: {  	_ =	shalt  }
0x7e: {  	_ =	shalt  }
0x7f: {  	_ =	shalt  }
0x80: {  	_ =	shalt  }
0x81: {  	_ =	shalt  }
0x82: {  	_ =	shalt  }
0x83: {  	_ =	shalt  }
0x84: {  	_ =	shalt  }
0x85: {  	_ =	shalt  }
0x86: {  	_ =	shalt  }
0x87: {  	_ =	shalt  }
.Lfunc_end0:
.L_simem_size_0:
called_computation.2_lowered:
.L_overlay_start_0:
0x88: {  	s2 =	sld [smem:$0x3FD9]  }
0x89: {  	s3 =	sld [smem:$0x3FFE];
	_ =	sdelay $0x1  }
0x8a: {  	s1 =	srdreg.scid  }
0x8b: {  	s0 =	sand.u32 $0x1, s1  }
0x8c: {  	s17 =	sshll.u32 s0, $0xA;
	s2 =	sadd.s32 s3, s2  }
0x8d: {  	s2 =	sadd.s32 s2, s17  }
0x8e: {  	[smem:$0x3FC2] =	sst s2  }
0x8f: {  	_ = 	snop  }
0x90: {  	s2 =	sld [smem:$0x3FD0];
	(tm) =	ssettm $0x1  }
0x91: {  	s18 =	sld [smem:$0x3FFB];
	_ =	sdelay $0x3  }
0x92: {  	_ =	strace s18  }
0x93: {  	s3 =	sld [smem:$0x3FFC];
	_ =	sdelay $0x3  }
0x94: {  	_ =	strace s3  }
0x95: {  	s3 =	sld [smem:$0x3FFD];
	_ =	sdelay $0x3  }
0x96: {  	_ =	strace s3  }
0x97: {  	_ =	strace $0x8FFFFFFF  }
0x98: {  	s19 =	sld [smem:$0x3FDB];
	_ =	sdelay $0x1  }
0x99: {  	s4 =	simm.s32 $_scs_section_size  }
0x9a: {  	s5 =	simm.s32 $_size__tile_overlayer_lowered;
	s6 =	simm.s32 $_tile_overlayer_lowered  }
0x9b: {  	s22 =	simm.s32 $0x1BFF;
	s21 =	sshll.u32 s6, $0x1;
	s3 =	sadd.s32 s4, s19  }
0x9c: {  	s7 =	simm.s32 $0x0;
	s20 =	sshll.u32 s5, $0x1;
	s5 =	sadd.s32 s21, s3  }
0x9d: {  	[timem:s7], [sflag:s22] =	dma.local [hbm:s5], s20  }
0x9e: {  	_ =	swait.ge [sflag:s22], s20  }
0x9f: {  	s4 =	ssub.s32 $0x0, s20;
	[sflag:s22] =	ssyncset.done $0x0  }
0xa0: {  	[sflag:s22] =	ssyncadd.s32 s4;
	_ =	sdelay $0x1  }
0xa1: {  	s23 =	simm.s32 $0x1B8B  }
0xa2: {  	_ =	swait.ge [sflag:s23], $0x1  }
0xa3: {  	[sflag:s23] =	ssyncset.done $0x0  }
0xa4: {  	s25 =	simm.s32 $0x1B8E;
	s24 =	sld [smem:$0x3FFE];
	[sflag:s23] =	ssyncadd.s32 $0xFFFFFFFF  }
0xa5: {  	s26 =	simm.s32 $execute0_lowered;
	[smem:$0x3FD2] =	sst s25  }
0xa6: {  	s5 =	sshll.u32 s26, $0x1;
	_ =	strace $0x8000004C;
	[dreg:$0x1] =	wrdreg $0xFFFFFFFF  }
0xa7: {  	s28 =	simm.s32 $_size_execute0_lowered;
	s3 =	sadd.s32 s3, s5;
	[dreg:$0x0] =	wrdreg $0x0  }
0xa8: {  	s5 =	sshll.u32 s28, $0x1;
	[dreg:$0x2] =	wrdreg s3  }
0xa9: {  	[dreg:$0x3] =	wrdreg s5  }
0xaa: {  	[dreg:$0x4] =	wrdreg $0xC0  }
0xab: {  	_ =	task [dreg:s7], $0x5FFFF  }
0xac: {  	[dreg:$0x1] =	wrdreg $0xFFFFFFFF  }
0xad: {  	[dreg:$0x0] =	wrdreg $0x60  }
0xae: {  	[dreg:$0x2] =	wrdreg s24  }
0xaf: {  	[dreg:$0x3] =	wrdreg s2  }
0xb0: {  	[dreg:$0x4] =	wrdreg $0x0  }
0xb1: {  	[dreg:$0x5] =	wrdreg $0x9  }
0xb2: {  	_ =	task.clear_ibuf [dreg:s7], $0x6FFFF;
	_ =	strace $0x9000004C  }
0xb3: {  	s29 =	simm.s32 $0x9;
	_ =	strace $0x8000004E  }
0xb4: {  	_ =	swait.ge [sflag:s29], $0x1  }
0xb5: {  	[sflag:s29] =	ssyncadd.s32 $0xFFFFFFFF  }
0xb6: {  	_ =	strace $0x9000004E  }
0xb7: {  	_ =	sfence  }
0xb8: {  	s30 =	sld [smem:$0x0];
	_ =	sdelay $0x2  }
0xb9: {  	s31 =	sshll.u32 s1, $0xD;
	s1 =	sshrl.u32 s1, $0x2  }
0xba: {  	s3 =	sand.u32 $0x4000, s31;
	s1 =	sadd.s32 s1, s30  }
0xbb: {  	s0 =	sor.u32 s3, s0;
	s1 =	sshll.u32 s1, $0x11  }
0xbc: {  	s0 =	sor.u32 s1, s0  }
0xbd: {  	s0 =	sadd.s32 $0x8F2B, s0  }
0xbe: {  	[sflag:s0] =	ssyncadd.remote.s32 $0x1  }
0xbf: {  	_ =	sfence.sel $0xFFFF  }
0xc0: {  	[dreg:$0x0] =	wrdreg $0xFFFFFFFF;
	(pc) =	sbr.abs _section_cstart, $3  }
0xc1: {  	[dreg:$0x1] =	wrdreg $0xFFFFFFFF  }
0xc2: {  	_ =	task.clear_ibuf [dreg:s7], $0x2FFFF;
	_ =	strace $0x9FFFFFFF  }
0xc3: {  	(tm) =	ssettm $0x7FFFFFFF  }
tec
execute0_lowered:
.L_overlay_start_1:
0x0: {  	(tag) =	ssettag $0x1  }
0x1: {  	s1 =	rddreg [dreg:$0x0]  }
0x2: {  	s0 =	srdreg.scid;
	s3 =	rddreg [dreg:$0x1]  }
0x3: {  	s10 =	stileid.u32;
	s2 =	rddreg [dreg:$0x2]  }
0x4: {  	s25 =	simm.s32 $0x0;
	s28 =	simm.s32 $0x3;
	s29 =	simm.s32 $0x1  }
0x5: {  	s30 =	simm.s32 $0x2;
	s31 =	simm.s32 $0x80;
	s0 =	sand.u32 $0x1, s0  }
0x6: {  	[smem:$0x7FF] =	sst s25;
	s7 =	smul.u32 $0x50000, s10;
	s8 =	sadd.s32 $0x2600, s1  }
0x7: {  	s18 =	smul.u32 $0x280, s10;
	s4 =	sshll.u32 s0, $0x4;
	_ =	strace $0x8000004D  }
0x8: {  	s9 =	ssub.s32 $0x2, s0;
	s0 =	smul.u32 $0x2800, s0;
	s5 =	sor.u32 s10, s4  }
0x9: {  	s4 =	sadd.s32 $0xC600, s1;
	s1 =	sadd.s32 $0x34600, s1;
	s26 =	sshrl.u32 s9, $0x1  }
0xa: {  	s12 =	sshrl.u32 s7, $0x2;
	s16 =	sadd.s32 $0x80, s18;
	s19 =	sadd.s32 $0x100, s18  }
0xb: {  	s23 =	sadd.s32 $0x180, s18;
	s25 =	sadd.s32 $0x200, s18;
	s6 =	smul.u32 $0x500, s5  }
0xc: {  	s5 =	smul.u32 $0x2800, s5;
	s9 =	ssub.s32 s9, s26;
	s13 =	sadd.s32 s0, s18  }
0xd: {  	s7 =	sadd.s32 s12, s2;
	s17 =	sshll.u32 s16, $0x7;
	s20 =	sadd.s32 s0, s19  }
0xe: {  	s21 =	sshll.u32 s19, $0x7;
	s24 =	sshll.u32 s23, $0x7;
	s26 =	sshll.u32 s25, $0x7  }
0xf: {  	s14 =	sshll.u32 s13, $0x4;
	s12 =	sadd.s32 $0x4000, s7;
	s13 =	sadd.s32 $0x8000, s7  }
0x10: {  	s22 =	sshll.u32 s20, $0x4;
	s20 =	simm.s32 $0x14000;
	s11 =	sadd.s32 s8, s6  }
0x11: {  	s6 =	sadd.s32 s3, s6;
	s5 =	sshrl.u32 s5, $0x3;
	[dreg:$0x4] =	wrdreg s11  }
0x12: {  	s15 =	sadd.s32 s1, s14;
	s14 =	sadd.s32 $0xC000, s7;
	[dreg:$0x5] =	wrdreg s6  }
0x13: {  	s5 =	sadd.s32 $0x280, s5;
	[dreg:$0x8] =	wrdreg s15;
	s11 =	smax.u32 s9, $0x1  }
0x14: {  	s15 =	sadd.s32 $0x10000, s7;
	s6 =	sadd.s32 s0, s23;
	s8 =	sadd.s32 s8, s5  }
0x15: {  	s3 =	sadd.s32 s3, s5;
	s5 =	sadd.s32 s17, s2;
	[dreg:$0x6] =	wrdreg s8  }
0x16: {  	s17 =	sadd.s32 s1, s22;
	s6 =	sshll.u32 s6, $0x4;
	[dreg:$0x7] =	wrdreg s3  }
0x17: {  	s3 =	sadd.s32 s0, s16;
	s8 =	sadd.s32 s24, s2;
	s0 =	sadd.s32 s0, s25  }
0x18: {  	s18 =	sadd.s32 s1, s6;
	s6 =	sadd.s32 s26, s2;
	s22 =	sshrl.u32 s5, $0x3  }
0x19: {  	s26 =	simm.s32 $0x1A800;
	s5 =	simm.s32 $0x16780;
	s3 =	sshll.u32 s3, $0x4  }
0x1a: {  	s0 =	sshll.u32 s0, $0x4;
	s24 =	sshrl.u32 s8, $0x3;
	s25 =	sshrl.u32 s6, $0x3  }
0x1b: {  	s6 =	simm.s32 $0x0;
	s16 =	sadd.s32 s1, s3;
	s3 =	sadd.s32 s21, s2  }
0x1c: {  	s19 =	sadd.s32 s1, s0;
	s21 =	simm.s32 $0x15400;
	s1 =	simm.s32 $0x16800  }
0x1d: {  	v0 =	vimm.f32 $0.0e+00;
	s0 =	simm.s32 $0x15380;
	s23 =	sshrl.u32 s3, $0x3;
	s3 =	simm.s32 $0x16700  }
.LBB2_1:
0x1e: {  	s8 =	simm.s32 $0x0;
	s9 =	rddreg [dreg:$0x4]  }
0x1f: {  	[tilespmem:s20], [sflag:$0x1] =	stream.linear.gather [hbm4b:s9+s8], $0x1400, $0x38;
	[tilespmem:$0x1E800] =	vst v63  }
0x20: {  	s10 =	rddreg [dreg:$0x5]  }
0x21: {  	[tilespmem:s21], [sflag:$0x2] =	stream.linear.gather [hbm4b:s10+s8], $0x1400, $0x38;
	[tilespmem:$0x1E800] =	vst v63  }
0x22: {  	s9 =	simm.s32 $0x200;
	s8 =	simm.s32 $0x0  }
.LBB2_2:
0x23: {  	p0 =	sne.s32 s9, $0xFE00;
	[tilespmem:s8+$0x1A870] =	vst v0  }
0x24: {  	[tilespmem:s8+$0x1A800] =	vst v0  }
0x25: {  	[tilespmem:s8+$0x1A810] =	vst v0  }
.Ltmp0:
0x26: {  	[tilespmem:s8+$0x1A820] =	vst v0;
	(pc) =	sbr.rel @p0 .LBB2_2-.Ltmp0, $4  }
0x27: {  	[tilespmem:s8+$0x1A830] =	vst v0  }
0x28: {  	[tilespmem:s8+$0x1A840] =	vst v0  }
0x29: {  	[tilespmem:s8+$0x1A850] =	vst v0  }
0x2a: {  	[tilespmem:s8+$0x1A860] =	vst v0;
	s8 =	sshra.s32 s9, $0x2;
	s9 =	sadd.s32 $0x200, s9  }
0x2b: {  	[tilespmem:s8+$0x1A870] =	vst v0  }
0x2c: {  	[tilespmem:s8+$0x1A800] =	vst v0  }
0x2d: {  	[tilespmem:s8+$0x1A810] =	vst v0  }
0x2e: {  	[tilespmem:s8+$0x1A820] =	vst v0  }
0x2f: {  	[tilespmem:s8+$0x1A830] =	vst v0  }
0x30: {  	[tilespmem:s8+$0x1A840] =	vst v0  }
0x31: {  	[tilespmem:s8+$0x1A850] =	vst v0  }
0x32: {  	[tilespmem:s8+$0x1A860] =	vst v0  }
0x33: {  	[spmem:s7] =	stream.linear.scatter [tilespmem:s26], [sflag:$0x3], $0x4000, $0x38;
	[tilespmem:$0x1E800] =	vst v63  }
0x34: {  	_ =	swait.ge [sflag:s28], $0x4000  }
0x35: {  	[sflag:s28] =	ssyncset.done $0x0  }
0x36: {  	[sflag:s28] =	ssyncadd.s32 $0xFFFFC000  }
0x37: {  	[spmem:s12] =	stream.linear.scatter [tilespmem:s26], [sflag:$0x3], $0x4000, $0x38;
	[tilespmem:$0x1E800] =	vst v63  }
0x38: {  	_ =	swait.ge [sflag:s28], $0x4000  }
0x39: {  	[sflag:s28] =	ssyncset.done $0x0  }
0x3a: {  	[sflag:s28] =	ssyncadd.s32 $0xFFFFC000  }
0x3b: {  	[spmem:s13] =	stream.linear.scatter [tilespmem:s26], [sflag:$0x3], $0x4000, $0x38;
	[tilespmem:$0x1E800] =	vst v63  }
0x3c: {  	_ =	swait.ge [sflag:s28], $0x4000  }
0x3d: {  	[sflag:s28] =	ssyncset.done $0x0  }
0x3e: {  	[sflag:s28] =	ssyncadd.s32 $0xFFFFC000  }
0x3f: {  	[spmem:s14] =	stream.linear.scatter [tilespmem:s26], [sflag:$0x3], $0x4000, $0x38;
	[tilespmem:$0x1E800] =	vst v63  }
0x40: {  	_ =	swait.ge [sflag:s28], $0x4000  }
0x41: {  	[sflag:s28] =	ssyncset.done $0x0  }
0x42: {  	[sflag:s28] =	ssyncadd.s32 $0xFFFFC000  }
0x43: {  	[spmem:s15] =	stream.linear.scatter [tilespmem:s26], [sflag:$0x3], $0x4000, $0x38;
	[tilespmem:$0x1E800] =	vst v63  }
0x44: {  	_ =	swait.ge [sflag:s28], $0x4000  }
0x45: {  	[sflag:s28] =	ssyncset.done $0x0  }
0x46: {  	[sflag:s28] =	ssyncadd.s32 $0xFFFFC000  }
0x47: {  	_ =	swait.ge [sflag:s29], $0x1400  }
0x48: {  	[sflag:s29] =	ssyncset.done $0x0  }
0x49: {  	[sflag:s29] =	ssyncadd.s32 $0xFFFFEC00  }
0x4a: {  	_ =	swait.ge [sflag:s30], $0x1400  }
0x4b: {  	[sflag:s30] =	ssyncset.done $0x0  }
0x4c: {  	[sflag:s30] =	ssyncadd.s32 $0xFFFFEC00  }
0x4d: {  	[tilespmem:s1], [sflag:$0x1] =	stream.indirect.gather [hbm4b:s4+s31], $0x80, s20, s31, $0xb8;
	[tilespmem:$0x1E800] =	vst v63  }
0x4e: {  	[bflag:$0x0] =	sbarrier.arrive $0xFFFF  }
0x4f: {  	_ =	swait.ge [sflag:s29], $0x4000  }
0x50: {  	[sflag:s29] =	ssyncset.done $0x0  }
0x51: {  	s9 =	simm.s32 $0x14080;
	[sflag:s29] =	ssyncadd.s32 $0xFFFFC000  }
0x52: {  	[tilespmem:s26], [sflag:$0x2] =	stream.indirect.gather [hbm4b:s4+s31], $0x80, s9, s31, $0xb8;
	[tilespmem:$0x1E800] =	vst v63  }
0x53: {  	s10 =	simm.s32 $0x15400  }
0x54: {  	[spmem:s2] =	stream.indirect.scatter.add.f32 [tilespmem:s1], [sflag:$0x3], $0x80, s10, s31, $0xb8;
	[tilespmem:$0x1E800] =	vst v63  }
0x55: {  	_ =	swait.ge [sflag:s28], $0x4000  }
0x56: {  	[sflag:s28] =	ssyncset.done $0x0  }
0x57: {  	[sflag:s28] =	ssyncadd.s32 $0xFFFFC000  }
0x58: {  	_ =	swait.ge [sflag:s30], $0x4000  }
0x59: {  	[sflag:s30] =	ssyncset.done $0x0  }
0x5a: {  	s9 =	simm.s32 $0x14100;
	[sflag:s30] =	ssyncadd.s32 $0xFFFFC000  }
0x5b: {  	[tilespmem:s1], [sflag:$0x1] =	stream.indirect.gather [hbm4b:s4+s31], $0x80, s9, s31, $0xb8;
	[tilespmem:$0x1E800] =	vst v63  }
0x5c: {  	s10 =	simm.s32 $0x15480  }
0x5d: {  	[spmem:s2] =	stream.indirect.scatter.add.f32 [tilespmem:s26], [sflag:$0x3], $0x80, s10, s31, $0xb8;
	[tilespmem:$0x1E800] =	vst v63  }
0x5e: {  	_ =	swait.ge [sflag:s28], $0x4000  }
0x5f: {  	s8 =	simm.s32 $0x400;
	[sflag:s28] =	ssyncset.done $0x0  }
.LBB2_4:
0x60: {  	p0 =	sne.s32 s8, $0x4800  }
0x61: {  	[sflag:s28] =	ssyncadd.s32 $0xFFFFC000;
	s9 =	smov.u32 s8;
	s8 =	sadd.s32 $0x400, s8  }
0x62: {  	_ = 	snop  }
0x63: {  	_ =	swait.ge [sflag:s29], $0x4000  }
0x64: {  	s9 =	sshra.s32 s9, $0x2;
	[sflag:s29] =	ssyncset.done $0x0  }
0x65: {  	s10 =	sadd.s32 $0x14080, s9;
	[sflag:s29] =	ssyncadd.s32 $0xFFFFC000  }
0x66: {  	[tilespmem:s26], [sflag:$0x2] =	stream.indirect.gather [hbm4b:s4+s31], $0x80, s10, s31, $0xb8;
	[tilespmem:$0x1E800] =	vst v63  }
0x67: {  	s10 =	sadd.s32 $0x15400, s9  }
0x68: {  	[spmem:s2] =	stream.indirect.scatter.add.f32 [tilespmem:s1], [sflag:$0x3], $0x80, s10, s31, $0xb8;
	[tilespmem:$0x1E800] =	vst v63  }
0x69: {  	_ =	swait.ge [sflag:s28], $0x4000  }
0x6a: {  	[sflag:s28] =	ssyncset.done $0x0  }
0x6b: {  	[sflag:s28] =	ssyncadd.s32 $0xFFFFC000  }
0x6c: {  	_ =	swait.ge [sflag:s30], $0x4000  }
0x6d: {  	[sflag:s30] =	ssyncset.done $0x0  }
0x6e: {  	s10 =	sadd.s32 $0x14100, s9;
	[sflag:s30] =	ssyncadd.s32 $0xFFFFC000  }
0x6f: {  	[tilespmem:s1], [sflag:$0x1] =	stream.indirect.gather [hbm4b:s4+s31], $0x80, s10, s31, $0xb8;
	[tilespmem:$0x1E800] =	vst v63  }
.Ltmp1:
0x70: {  	_ = 	snop;
	(pc) =	sbr.rel @p0 .LBB2_4-.Ltmp1, $4  }
0x71: {  	s9 =	sadd.s32 $0x15480, s9  }
0x72: {  	[spmem:s2] =	stream.indirect.scatter.add.f32 [tilespmem:s26], [sflag:$0x3], $0x80, s9, s31, $0xb8;
	[tilespmem:$0x1E800] =	vst v63  }
0x73: {  	_ =	swait.ge [sflag:s28], $0x4000  }
0x74: {  	[sflag:s28] =	ssyncset.done $0x0  }
0x75: {  	[sflag:s28] =	ssyncadd.s32 $0xFFFFC000  }
0x76: {  	_ =	swait.ge [sflag:s29], $0x4000  }
0x77: {  	[sflag:s29] =	ssyncset.done $0x0  }
0x78: {  	[sflag:s29] =	ssyncadd.s32 $0xFFFFC000  }
0x79: {  	[tilespmem:s26], [sflag:$0x2] =	stream.indirect.gather [hbm4b:s4+s31], $0x80, s0, s31, $0xb8;
	[tilespmem:$0x1E800] =	vst v63  }
0x7a: {  	_ = 	snop  }
0x7b: {  	[spmem:s2] =	stream.indirect.scatter.add.f32 [tilespmem:s1], [sflag:$0x3], $0x80, s3, s31, $0xb8;
	[tilespmem:$0x1E800] =	vst v63  }
0x7c: {  	_ =	swait.ge [sflag:s28], $0x4000  }
0x7d: {  	[sflag:s28] =	ssyncset.done $0x0  }
0x7e: {  	[sflag:s28] =	ssyncadd.s32 $0xFFFFC000  }
0x7f: {  	_ =	swait.ge [sflag:s30], $0x4000  }
0x80: {  	[sflag:s30] =	ssyncset.done $0x0  }
0x81: {  	[sflag:s30] =	ssyncadd.s32 $0xFFFFC000  }
0x82: {  	[tilespmem:s1], [sflag:$0x1] =	stream.indirect.gather [hbm4b:s4+s31], $0x80, s0, s31, $0xb8;
	[tilespmem:$0x1E800] =	vst v63  }
0x83: {  	_ = 	snop  }
0x84: {  	[spmem:s2] =	stream.indirect.scatter.add.f32 [tilespmem:s26], [sflag:$0x3], $0x80, s5, s31, $0xb8;
	[tilespmem:$0x1E800] =	vst v63  }
0x85: {  	_ =	swait.ge [sflag:s28], $0x4000  }
0x86: {  	[sflag:s28] =	ssyncset.done $0x0  }
0x87: {  	[sflag:s28] =	ssyncadd.s32 $0xFFFFC000  }
0x88: {  	_ =	swait.ge [sflag:s29], $0x4000  }
0x89: {  	[sflag:s29] =	ssyncset.done $0x0  }
0x8a: {  	s8 =	simm.s32 $0x0;
	s9 =	rddreg [dreg:$0x6];
	[sflag:s29] =	ssyncadd.s32 $0xFFFFC000  }
0x8b: {  	[tilespmem:s20], [sflag:$0x3] =	stream.linear.gather [hbm4b:s9+s8], $0x1400, $0x38;
	[tilespmem:$0x1E800] =	vst v63  }
0x8c: {  	_ =	swait.ge [sflag:s28], $0x1400  }
0x8d: {  	[sflag:s28] =	ssyncset.done $0x0  }
0x8e: {  	s10 =	rddreg [dreg:$0x7];
	[sflag:s28] =	ssyncadd.s32 $0xFFFFEC00  }
0x8f: {  	[tilespmem:s21], [sflag:$0x3] =	stream.linear.gather [hbm4b:s10+s8], $0x1400, $0x38;
	[tilespmem:$0x1E800] =	vst v63  }
0x90: {  	_ =	swait.ge [sflag:s28], $0x1400  }
0x91: {  	[sflag:s28] =	ssyncset.done $0x0  }
0x92: {  	[sflag:s28] =	ssyncadd.s32 $0xFFFFEC00  }
0x93: {  	[tilespmem:s1], [sflag:$0x1] =	stream.indirect.gather [hbm4b:s4+s31], $0x80, s20, s31, $0xb8;
	[tilespmem:$0x1E800] =	vst v63  }
0x94: {  	_ =	swait.ge [sflag:s29], $0x4000  }
0x95: {  	[sflag:s29] =	ssyncset.done $0x0  }
0x96: {  	s9 =	simm.s32 $0x14080;
	[sflag:s29] =	ssyncadd.s32 $0xFFFFC000  }
0x97: {  	[tilespmem:s26], [sflag:$0x2] =	stream.indirect.gather [hbm4b:s4+s31], $0x80, s9, s31, $0xb8;
	[tilespmem:$0x1E800] =	vst v63  }
0x98: {  	s10 =	simm.s32 $0x15400  }
0x99: {  	[spmem:s2] =	stream.indirect.scatter.add.f32 [tilespmem:s1], [sflag:$0x3], $0x80, s10, s31, $0xb8;
	[tilespmem:$0x1E800] =	vst v63  }
0x9a: {  	_ =	swait.ge [sflag:s28], $0x4000  }
0x9b: {  	[sflag:s28] =	ssyncset.done $0x0  }
0x9c: {  	[sflag:s28] =	ssyncadd.s32 $0xFFFFC000  }
0x9d: {  	_ =	swait.ge [sflag:s30], $0x4000  }
0x9e: {  	[sflag:s30] =	ssyncset.done $0x0  }
0x9f: {  	s9 =	simm.s32 $0x14100;
	[sflag:s30] =	ssyncadd.s32 $0xFFFFC000  }
0xa0: {  	[tilespmem:s1], [sflag:$0x1] =	stream.indirect.gather [hbm4b:s4+s31], $0x80, s9, s31, $0xb8;
	[tilespmem:$0x1E800] =	vst v63  }
0xa1: {  	s10 =	simm.s32 $0x15480  }
0xa2: {  	[spmem:s2] =	stream.indirect.scatter.add.f32 [tilespmem:s26], [sflag:$0x3], $0x80, s10, s31, $0xb8;
	[tilespmem:$0x1E800] =	vst v63  }
0xa3: {  	_ =	swait.ge [sflag:s28], $0x4000  }
0xa4: {  	s8 =	simm.s32 $0x400;
	[sflag:s28] =	ssyncset.done $0x0  }
.LBB2_6:
0xa5: {  	p0 =	sne.s32 s8, $0x4800  }
0xa6: {  	[sflag:s28] =	ssyncadd.s32 $0xFFFFC000;
	s9 =	smov.u32 s8;
	s8 =	sadd.s32 $0x400, s8  }
0xa7: {  	_ = 	snop  }
0xa8: {  	_ =	swait.ge [sflag:s29], $0x4000  }
0xa9: {  	s9 =	sshra.s32 s9, $0x2;
	[sflag:s29] =	ssyncset.done $0x0  }
0xaa: {  	s10 =	sadd.s32 $0x14080, s9;
	[sflag:s29] =	ssyncadd.s32 $0xFFFFC000  }
0xab: {  	[tilespmem:s26], [sflag:$0x2] =	stream.indirect.gather [hbm4b:s4+s31], $0x80, s10, s31, $0xb8;
	[tilespmem:$0x1E800] =	vst v63  }
0xac: {  	s10 =	sadd.s32 $0x15400, s9  }
0xad: {  	[spmem:s2] =	stream.indirect.scatter.add.f32 [tilespmem:s1], [sflag:$0x3], $0x80, s10, s31, $0xb8;
	[tilespmem:$0x1E800] =	vst v63  }
0xae: {  	_ =	swait.ge [sflag:s28], $0x4000  }
0xaf: {  	[sflag:s28] =	ssyncset.done $0x0  }
0xb0: {  	[sflag:s28] =	ssyncadd.s32 $0xFFFFC000  }
0xb1: {  	_ =	swait.ge [sflag:s30], $0x4000  }
0xb2: {  	[sflag:s30] =	ssyncset.done $0x0  }
0xb3: {  	s10 =	sadd.s32 $0x14100, s9;
	[sflag:s30] =	ssyncadd.s32 $0xFFFFC000  }
0xb4: {  	[tilespmem:s1], [sflag:$0x1] =	stream.indirect.gather [hbm4b:s4+s31], $0x80, s10, s31, $0xb8;
	[tilespmem:$0x1E800] =	vst v63  }
.Ltmp2:
0xb5: {  	_ = 	snop;
	(pc) =	sbr.rel @p0 .LBB2_6-.Ltmp2, $4  }
0xb6: {  	s9 =	sadd.s32 $0x15480, s9  }
0xb7: {  	[spmem:s2] =	stream.indirect.scatter.add.f32 [tilespmem:s26], [sflag:$0x3], $0x80, s9, s31, $0xb8;
	[tilespmem:$0x1E800] =	vst v63  }
0xb8: {  	_ =	swait.ge [sflag:s28], $0x4000  }
0xb9: {  	[sflag:s28] =	ssyncset.done $0x0  }
0xba: {  	[sflag:s28] =	ssyncadd.s32 $0xFFFFC000  }
0xbb: {  	_ =	swait.ge [sflag:s29], $0x4000  }
0xbc: {  	[sflag:s29] =	ssyncset.done $0x0  }
0xbd: {  	[sflag:s29] =	ssyncadd.s32 $0xFFFFC000  }
0xbe: {  	[tilespmem:s26], [sflag:$0x2] =	stream.indirect.gather [hbm4b:s4+s31], $0x80, s0, s31, $0xb8;
	[tilespmem:$0x1E800] =	vst v63  }
0xbf: {  	_ = 	snop  }
0xc0: {  	[spmem:s2] =	stream.indirect.scatter.add.f32 [tilespmem:s1], [sflag:$0x3], $0x80, s3, s31, $0xb8;
	[tilespmem:$0x1E800] =	vst v63  }
0xc1: {  	_ =	swait.ge [sflag:s28], $0x4000  }
0xc2: {  	[sflag:s28] =	ssyncset.done $0x0  }
0xc3: {  	[sflag:s28] =	ssyncadd.s32 $0xFFFFC000  }
0xc4: {  	_ =	swait.ge [sflag:s30], $0x4000  }
0xc5: {  	[sflag:s30] =	ssyncset.done $0x0  }
0xc6: {  	[sflag:s30] =	ssyncadd.s32 $0xFFFFC000  }
0xc7: {  	[tilespmem:s1], [sflag:$0x1] =	stream.indirect.gather [hbm4b:s4+s31], $0x80, s0, s31, $0xb8;
	[tilespmem:$0x1E800] =	vst v63  }
0xc8: {  	_ = 	snop  }
0xc9: {  	[spmem:s2] =	stream.indirect.scatter.add.f32 [tilespmem:s26], [sflag:$0x3], $0x80, s5, s31, $0xb8;
	[tilespmem:$0x1E800] =	vst v63  }
0xca: {  	_ =	swait.ge [sflag:s28], $0x4000  }
0xcb: {  	[sflag:s28] =	ssyncset.done $0x0  }
0xcc: {  	[sflag:s28] =	ssyncadd.s32 $0xFFFFC000  }
0xcd: {  	_ =	swait.ge [sflag:s29], $0x4000  }
0xce: {  	[sflag:s29] =	ssyncset.done $0x0  }
0xcf: {  	s8 =	stileid.u32;
	[sflag:s29] =	ssyncadd.s32 $0xFFFFC000  }
0xd0: {  	s8 =	sshll.u32 s8, $0x6;
	[bflag:$0x0] =	sbarrier.arrive $0xFFFF  }
0xd1: {  	s9 =	sshrl.u32 s7, $0x3;
	s8 =	sor.u32 $0x1C03, s8;
	s10 =	rddreg [dreg:$0x8]  }
0xd2: {  	[hbm:s10], [sflag:s8] =	dma.local [spmem:s9], $0x800  }
0xd3: {  	_ =	swait.ge [sflag:s28], $0x800  }
0xd4: {  	[sflag:s28] =	ssyncset.done $0x0  }
0xd5: {  	[sflag:s28] =	ssyncadd.s32 $0xFFFFF800  }
0xd6: {  	[hbm:s16], [sflag:s8] =	dma.local [spmem:s22], $0x800  }
0xd7: {  	_ =	swait.ge [sflag:s28], $0x800  }
0xd8: {  	[sflag:s28] =	ssyncset.done $0x0  }
0xd9: {  	[sflag:s28] =	ssyncadd.s32 $0xFFFFF800  }
0xda: {  	[hbm:s17], [sflag:s8] =	dma.local [spmem:s23], $0x800  }
0xdb: {  	_ =	swait.ge [sflag:s28], $0x800  }
0xdc: {  	[sflag:s28] =	ssyncset.done $0x0  }
0xdd: {  	[sflag:s28] =	ssyncadd.s32 $0xFFFFF800  }
0xde: {  	[hbm:s18], [sflag:s8] =	dma.local [spmem:s24], $0x800  }
0xdf: {  	s6 =	sadd.s32 $0x1, s6;
	_ =	swait.ge [sflag:s28], $0x800  }
0xe0: {  	p0 =	sne.s32 s6, s11;
	[sflag:s28] =	ssyncset.done $0x0  }
.Ltmp3:
0xe1: {  	[sflag:s28] =	ssyncadd.s32 $0xFFFFF800;
	(pc) =	sbr.rel @p0 .LBB2_1-.Ltmp3, $4  }
0xe2: {  	[hbm:s19], [sflag:s8] =	dma.local [spmem:s25], $0x800  }
0xe3: {  	_ =	swait.ge [sflag:s28], $0x800  }
0xe4: {  	[sflag:s28] =	ssyncset.done $0x0  }
0xe5: {  	[sflag:s28] =	ssyncadd.s32 $0xFFFFF800  }
0xe6: {  	_ =	sfence.sel $0x180000  }
0xe7: {  	[bflag:$0x0] =	sbarrier.arrive $0xFFFF  }
0xe8: {  	_ =	strace $0x9000004D  }
0xe9: {  	s0 =	stileid.u32;
	[bflag:$0x2] =	sbarrier.arrive $0xFFFF  }
0xea: {  	p0 =	sne.s32 s0, $0x0;
	s0 =	rddreg [dreg:$0x3]  }
0xeb: {  	s0 =	sadd.s32 @!p0 $0x100000, s0  }
0xec: {  	[sflag:s0] =	ssyncadd.tile.s32 @!p0 $0x1;
	_ =	shalt  }
.Lfunc_end2:
_tile_overlayer_lowered:
.L_overlay_start_2:
0xed: {  	(tag) =	ssettag $0x2  }
0xee: {  	s0 =	rddreg [dreg:$0x0];
	s2 =	stileid.u32  }
0xef: {  	s1 =	rddreg [dreg:$0x1];
	p0 =	sne.s32 s2, $0x0  }
0xf0: {  	s3 =	rddreg [dreg:$0x2];
	[bflag:$0x3] =	sbarrier.arrive $0xFFFF;
	s2 =	simm.s32 @!p0 $0x1C03  }
0xf1: {  	[timem:s3], [sflag:s2] =	dma.local @!p0 [hbm:s0], s1  }
0xf2: {  	s0 =	simm.s32 @!p0 $0x3  }
0xf3: {  	_ =	swait.ge @!p0 [sflag:s0], s1  }
0xf4: {  	s1 =	ssub.s32 @!p0 $0x0, s1;
	[sflag:s0] =	ssyncset.done @!p0 $0x0  }
0xf5: {  	[sflag:s0] =	ssyncadd.s32 @!p0 s1  }
0xf6: {  	[bflag:$0x3] =	sbarrier.arrive $0xFFFF  }
0xf7: {  	_ =	shalt  }

// kernel: kernel.8.cloned.1.call-start
scs
__scs_entry_jumppad:
0x0: {  	(pc) =	sbr.rel $0x88, $3  }
0x1: {  	(tag) =	ssettag $0x0;
	lr =	simm.s32 $0x1  }
0x2: {  	[smem:$0x3F9B] =	sst lr;
	_ =	strace $0xD0000000  }
0x3: {  	_ = 	snop  }
0x4: {  	_ = 	snop  }
0x5: {  	_ = 	snop  }
0x6: {  	_ = 	snop  }
0x7: {  	_ = 	snop  }
__scs_overlays_trampoline_lowered:
0x8: {  	[smem:$0x3FAA] =	sst s0  }
0x9: {  	[smem:$0x3FAB] =	sst s1  }
0xa: {  	[smem:$0x3FAC] =	sst s2  }
0xb: {  	[smem:$0x3FAD] =	sst s3  }
0xc: {  	[smem:$0x3FAE] =	sst s4  }
0xd: {  	[smem:$0x3FAF] =	sst s5  }
0xe: {  	[smem:$0x3FB0] =	sst s6  }
0xf: {  	[smem:$0x3FB1] =	sst s7  }
0x10: {  	[smem:$0x3FB2] =	sst s8  }
0x11: {  	[smem:$0x3FB3] =	sst s9;
	s0 =	simm.s32 @!p0 $0x0  }
0x12: {  	s1 =	sld [smem:$0x3F99];
	s0 =	simm.s32 @p0 $0x1  }
0x13: {  	[smem:$0x3FB4] =	sst s0;
	s0 =	simm.s32 @!p1 $0x0  }
0x14: {  	s2 =	sld [smem:$0x3F98];
	s0 =	simm.s32 @p1 $0x1  }
0x15: {  	[smem:$0x3FB5] =	sst s0;
	s0 =	simm.s32 @!p2 $0x0  }
0x16: {  	s3 =	sld [smem:$0x3FDB];
	s0 =	simm.s32 @p2 $0x1  }
0x17: {  	s4 =	simm.s32 $0x1BF5;
	[smem:$0x3FB7] =	sst s0  }
0x18: {  	s0 =	sld [smem:$0x3F9A];
	_ =	swait.ge [sflag:s4], $0x0  }
0x19: {  	s7 =	sld [smem:$0x3F9B]  }
0x1a: {  	s8 =	sadd.s32 $0xFFFFE003, lr  }
0x1b: {  	s9 =	sadd.s32 $0xFFFFFEF7, lr;
	s5 =	simm.s32 $0xFFFFFFFF;
	p2 =	slt.u32 s8, $0xFFFFF086  }
0x1c: {  	p1 =	slt.u32 s9, $0xF7A;
	s5 =	simm.s32 @!p2 $0x0  }
0x1d: {  	s5 =	simm.s32 @p1 $0x1;
	p0 =	seq.s32 s7, s2  }
0x1e: {  	s7 =	smul.u32 @!p0 $0xF7A, s2;
	p2 =	seq.s32 @!p0 s5, $0x0  }
0x1f: {  	s9 =	smul.u32 $0xF7A, s1;
	s8 =	simm.s32 @!p0 $0x1BF5;
	p2 =	por !p2, p0  }
0x20: {  	[sflag:s8] =	ssyncset.s32 @!p0 $0xFFFFF086;
	s6 =	sadd.s32 @!p0 s3, s7;
	s7 =	simm.s32 @!p0 $0x108  }
0x21: {  	s3 =	sadd.s32 s3, s9;
	s6 =	sadd.s32 @!p0 $0x88, s6;
	s7 =	simm.s32 @p2 $0x1082  }
0x22: {  	[simem:s7], [sflag:s8] =	dma.local @!p0 [hbm:s6], $0xF7A  }
0x23: {  	s9 =	sor.u32 $0xD0000000, s2;
	s6 =	simm.s32 $0x108;
	_ =	swait.ge @!p0 [sflag:s8], $0x0  }
0x24: {  	s3 =	sadd.s32 $0x88, s3;
	s6 =	simm.s32 @!p1 $0x1082;
	[sflag:s4] =	ssyncset.s32 $0xFFFFF086  }
0x25: {  	[simem:s6], [sflag:s4] =	dma.local [hbm:s3], $0xF7A  }
0x26: {  	[smem:$0x3F9B] =	sst s1;
	(tag) =	ssettag s2;
	_ =	strace s9  }
0x27: {  	s1 =	sld [smem:$0x3FAB]  }
0x28: {  	s2 =	sld [smem:$0x3FAC]  }
0x29: {  	s4 =	sld [smem:$0x3FAE]  }
0x2a: {  	p0 =	seq.s32 s5, $0x0;
	s5 =	sld [smem:$0x3FAF]  }
0x2b: {  	s6 =	sld [smem:$0x3FB0]  }
0x2c: {  	s7 =	sld [smem:$0x3FB1]  }
0x2d: {  	s3 =	simm.s32 $0x108;
	s8 =	sld [smem:$0x3FB2]  }
0x2e: {  	s3 =	simm.s32 @!p0 $0x1082;
	s9 =	sld [smem:$0x3FB3]  }
0x2f: {  	lr =	sadd.s32 s0, s3;
	s0 =	sld [smem:$0x3FAA]  }
0x30: {  	s3 =	sld [smem:$0x3FAD]  }
0x31: {  	[smem:$0x3FB6] =	sst s10  }
0x32: {  	s10 =	sld [smem:$0x3FB4];
	_ =	sdelay $0x3  }
0x33: {  	p0 =	seq.s32 s10, $0x1;
	s10 =	sld [smem:$0x3FB6];
	_ =	sdelay $0x3  }
0x34: {  	[smem:$0x3FB6] =	sst s10  }
0x35: {  	s10 =	sld [smem:$0x3FB5];
	_ =	sdelay $0x3  }
0x36: {  	p1 =	seq.s32 s10, $0x1;
	s10 =	sld [smem:$0x3FB6];
	_ =	sdelay $0x3  }
0x37: {  	[smem:$0x3FB6] =	sst s10  }
0x38: {  	s10 =	sld [smem:$0x3FB7]  }
0x39: {  	_ = 	snop;
	(pc) =	sbr.ind lr, $3  }
0x3a: {  	_ = 	snop  }
0x3b: {  	_ = 	snop  }
0x3c: {  	p2 =	seq.s32 s10, $0x1;
	s10 =	sld [smem:$0x3FB6]  }
0x3d: {  	_ =	shalt  }
0x3e: {  	_ =	shalt  }
0x3f: {  	_ =	shalt  }
0x40: {  	_ =	shalt  }
0x41: {  	_ =	shalt  }
0x42: {  	_ =	shalt  }
0x43: {  	_ =	shalt  }
0x44: {  	_ =	shalt  }
0x45: {  	_ =	shalt  }
0x46: {  	_ =	shalt  }
0x47: {  	_ =	shalt  }
0x48: {  	_ =	shalt  }
0x49: {  	_ =	shalt  }
0x4a: {  	_ =	shalt  }
0x4b: {  	_ =	shalt  }
0x4c: {  	_ =	shalt  }
0x4d: {  	_ =	shalt  }
0x4e: {  	_ =	shalt  }
0x4f: {  	_ =	shalt  }
0x50: {  	_ =	shalt  }
0x51: {  	_ =	shalt  }
0x52: {  	_ =	shalt  }
0x53: {  	_ =	shalt  }
0x54: {  	_ =	shalt  }
0x55: {  	_ =	shalt  }
0x56: {  	_ =	shalt  }
0x57: {  	_ =	shalt  }
0x58: {  	_ =	shalt  }
0x59: {  	_ =	shalt  }
0x5a: {  	_ =	shalt  }
0x5b: {  	_ =	shalt  }
0x5c: {  	_ =	shalt  }
0x5d: {  	_ =	shalt  }
0x5e: {  	_ =	shalt  }
0x5f: {  	_ =	shalt  }
0x60: {  	_ =	shalt  }
0x61: {  	_ =	shalt  }
0x62: {  	_ =	shalt  }
0x63: {  	_ =	shalt  }
0x64: {  	_ =	shalt  }
0x65: {  	_ =	shalt  }
0x66: {  	_ =	shalt  }
0x67: {  	_ =	shalt  }
0x68: {  	_ =	shalt  }
0x69: {  	_ =	shalt  }
0x6a: {  	_ =	shalt  }
0x6b: {  	_ =	shalt  }
0x6c: {  	_ =	shalt  }
0x6d: {  	_ =	shalt  }
0x6e: {  	_ =	shalt  }
0x6f: {  	_ =	shalt  }
0x70: {  	_ =	shalt  }
0x71: {  	_ =	shalt  }
0x72: {  	_ =	shalt  }
0x73: {  	_ =	shalt  }
0x74: {  	_ =	shalt  }
0x75: {  	_ =	shalt  }
0x76: {  	_ =	shalt  }
0x77: {  	_ =	shalt  }
0x78: {  	_ =	shalt  }
0x79: {  	_ =	shalt  }
0x7a: {  	_ =	shalt  }
0x7b: {  	_ =	shalt  }
0x7c: {  	_ =	shalt  }
0x7d: {  	_ =	shalt  }
0x7e: {  	_ =	shalt  }
0x7f: {  	_ =	shalt  }
0x80: {  	_ =	shalt  }
0x81: {  	_ =	shalt  }
0x82: {  	_ =	shalt  }
0x83: {  	_ =	shalt  }
0x84: {  	_ =	shalt  }
0x85: {  	_ =	shalt  }
0x86: {  	_ =	shalt  }
0x87: {  	_ =	shalt  }
.Lfunc_end0:
.L_simem_size_0:
called_computation_lowered:
.L_overlay_start_0:
0x88: {  	s2 =	sld [smem:$0x3FD9]  }
0x89: {  	s3 =	sld [smem:$0x3FFE];
	_ =	sdelay $0x1  }
0x8a: {  	s1 =	srdreg.scid  }
0x8b: {  	s0 =	sand.u32 $0x1, s1  }
0x8c: {  	s17 =	sshll.u32 s0, $0xA;
	s2 =	sadd.s32 s3, s2  }
0x8d: {  	s2 =	sadd.s32 s2, s17  }
0x8e: {  	[smem:$0x3FC2] =	sst s2  }
0x8f: {  	_ = 	snop  }
0x90: {  	s2 =	sld [smem:$0x3FD0];
	(tm) =	ssettm $0x1  }
0x91: {  	s18 =	sld [smem:$0x3FFB];
	_ =	sdelay $0x3  }
0x92: {  	_ =	strace s18  }
0x93: {  	s3 =	sld [smem:$0x3FFC];
	_ =	sdelay $0x3  }
0x94: {  	_ =	strace s3  }
0x95: {  	s3 =	sld [smem:$0x3FFD];
	_ =	sdelay $0x3  }
0x96: {  	_ =	strace s3  }
0x97: {  	_ =	strace $0x8FFFFFFF  }
0x98: {  	s19 =	sld [smem:$0x3FDB];
	_ =	sdelay $0x1  }
0x99: {  	s4 =	simm.s32 $_scs_section_size  }
0x9a: {  	s5 =	simm.s32 $_size__tile_overlayer_lowered;
	s6 =	simm.s32 $_tile_overlayer_lowered  }
0x9b: {  	s22 =	simm.s32 $0x1BFF;
	s21 =	sshll.u32 s6, $0x1;
	s3 =	sadd.s32 s4, s19  }
0x9c: {  	s7 =	simm.s32 $0x0;
	s20 =	sshll.u32 s5, $0x1;
	s5 =	sadd.s32 s21, s3  }
0x9d: {  	[timem:s7], [sflag:s22] =	dma.local [hbm:s5], s20  }
0x9e: {  	_ =	swait.ge [sflag:s22], s20  }
0x9f: {  	s4 =	ssub.s32 $0x0, s20;
	[sflag:s22] =	ssyncset.done $0x0  }
0xa0: {  	[sflag:s22] =	ssyncadd.s32 s4;
	_ =	sdelay $0x1  }
0xa1: {  	s23 =	simm.s32 $0x1B8B  }
0xa2: {  	_ =	swait.ge [sflag:s23], $0x1  }
0xa3: {  	[sflag:s23] =	ssyncset.done $0x0  }
0xa4: {  	s25 =	simm.s32 $0x1B8E;
	s24 =	sld [smem:$0x3FFE];
	[sflag:s23] =	ssyncadd.s32 $0xFFFFFFFF  }
0xa5: {  	s26 =	simm.s32 $execute0_lowered;
	[smem:$0x3FD2] =	sst s25  }
0xa6: {  	s5 =	sshll.u32 s26, $0x1;
	_ =	strace $0x80000046;
	[dreg:$0x1] =	wrdreg $0xFFFFFFFF  }
0xa7: {  	s28 =	simm.s32 $_size_execute0_lowered;
	s3 =	sadd.s32 s3, s5;
	[dreg:$0x0] =	wrdreg $0x0  }
0xa8: {  	s5 =	sshll.u32 s28, $0x1;
	[dreg:$0x2] =	wrdreg s3  }
0xa9: {  	[dreg:$0x3] =	wrdreg s5  }
0xaa: {  	[dreg:$0x4] =	wrdreg $0xC0  }
0xab: {  	_ =	task [dreg:s7], $0x5FFFF  }
0xac: {  	[dreg:$0x1] =	wrdreg $0xFFFFFFFF  }
0xad: {  	[dreg:$0x0] =	wrdreg $0x60  }
0xae: {  	[dreg:$0x2] =	wrdreg s24  }
0xaf: {  	[dreg:$0x3] =	wrdreg s2  }
0xb0: {  	[dreg:$0x4] =	wrdreg $0x0  }
0xb1: {  	[dreg:$0x5] =	wrdreg $0x2800  }
0xb2: {  	[dreg:$0x6] =	wrdreg $0x9  }
0xb3: {  	_ =	task.clear_ibuf [dreg:s7], $0x7FFFF;
	_ =	strace $0x90000046  }
0xb4: {  	s29 =	simm.s32 $0x9;
	_ =	strace $0x80000048  }
0xb5: {  	_ =	swait.ge [sflag:s29], $0x1  }
0xb6: {  	[sflag:s29] =	ssyncadd.s32 $0xFFFFFFFF  }
0xb7: {  	_ =	strace $0x90000048  }
0xb8: {  	_ =	sfence  }
0xb9: {  	s30 =	sld [smem:$0x0];
	_ =	sdelay $0x2  }
0xba: {  	s31 =	sshll.u32 s1, $0xD;
	s1 =	sshrl.u32 s1, $0x2  }
0xbb: {  	s3 =	sand.u32 $0x4000, s31;
	s1 =	sadd.s32 s1, s30  }
0xbc: {  	s0 =	sor.u32 s3, s0;
	s1 =	sshll.u32 s1, $0x11  }
0xbd: {  	s0 =	sor.u32 s1, s0  }
0xbe: {  	s0 =	sadd.s32 $0x8F2B, s0  }
0xbf: {  	[sflag:s0] =	ssyncadd.remote.s32 $0x1  }
0xc0: {  	_ =	sfence.sel $0xFFFF  }
0xc1: {  	[dreg:$0x0] =	wrdreg $0xFFFFFFFF;
	(pc) =	sbr.abs _section_cstart, $3  }
0xc2: {  	[dreg:$0x1] =	wrdreg $0xFFFFFFFF  }
0xc3: {  	_ =	task.clear_ibuf [dreg:s7], $0x2FFFF;
	_ =	strace $0x9FFFFFFF  }
0xc4: {  	(tm) =	ssettm $0x7FFFFFFF  }
0xc5: {  	_ =	shalt  }
tec
execute0_lowered:
.L_overlay_start_1:
0x0: {  	(tag) =	ssettag $0x1  }
0x1: {  	s5 =	rddreg [dreg:$0x0]  }
0x2: {  	s8 =	rddreg [dreg:$0x1]  }
0x3: {  	s1 =	rddreg [dreg:$0x2]  }
0x4: {  	s2 =	rddreg [dreg:$0x3];
	s3 =	srdreg.scid  }
0x5: {  	s0 =	rddreg [dreg:$0x4];
	s4 =	simm.s32 $0x0;
	s15 =	simm.s32 $0x500  }
0x6: {  	s16 =	simm.s32 $0x2D00;
	s17 =	simm.s32 $0x50;
	s18 =	simm.s32 $0xA500  }
0x7: {  	s6 =	sand.u32 $0x1, s3;
	s3 =	stileid.u32;
	[smem:$0x7FF] =	sst s4  }
0x8: {  	s7 =	sshll.u32 s6, $0x4;
	s9 =	smul.u32 $0x2800, s6;
	s10 =	sshll.u32 s3, $0xA  }
0x9: {  	s6 =	ssub.s32 $0x2, s6;
	_ =	strace $0x80000047;
	s7 =	sor.u32 s3, s7  }
0xa: {  	s31 =	sshrl.u32 s6, $0x1;
	s11 =	smul.u32 $0x500, s7;
	s30 =	sadd.s32 s9, s10  }
0xb: {  	p0 =	sgt.u32 s3, $0x9;
	s14 =	ssub.s32 s6, s31;
	s7 =	sshrl.u32 s30, $0x3  }
0xc: {  	s6 =	sadd.s32 s10, s2;
	s12 =	sadd.s32 s11, s5;
	s13 =	sadd.s32 s7, s5  }
0xd: {  	v0 =	vlaneseq.u32;
	s5 =	sadd.s32 s10, s1;
	s8 =	sadd.s32 s8, s11;
	s11 =	smax.u32 s14, $0x1  }
0xe: {  	v1 =	vimm.f32 $0.0e+00;
	v6 =	vimm.f32 $1.000000000e+00;
	v2 =	vor.u32 $0x10, v0;
	s14 =	simm.s32 $0x7D00;
	s7 =	sadd.s32 $0x2600, s12;
	s9 =	sadd.s32 $0xC600, s13  }
0xf: {  	v3 =	vor.u32 $0x20, v0;
	v4 =	vor.u32 $0x30, v0;
	v5 =	vor.u32 $0x40, v0;
	s10 =	sadd.s32 $0xD000, s13;
	s12 =	simm.s32 $0x5500;
	s13 =	simm.s32 $0x1  }
.LBB2_1:
0x10: {  	s19 =	simm.s32 $0x70;
	s20 =	simm.s32 $0x3C0  }
.LBB2_2:
0x11: {  	p1 =	sne.s32 s20, $0x9FC0;
	[tilespmem:s19+$0x500] =	vst v1  }
0x12: {  	[tilespmem:s19+$0x490] =	vst v1  }
0x13: {  	[tilespmem:s19+$0x4A0] =	vst v1  }
.Ltmp0:
0x14: {  	[tilespmem:s19+$0x4B0] =	vst v1;
	(pc) =	sbr.rel @p1 .LBB2_2-.Ltmp0, $4  }
0x15: {  	[tilespmem:s19+$0x4C0] =	vst v1  }
0x16: {  	[tilespmem:s19+$0x4D0] =	vst v1  }
0x17: {  	[tilespmem:s19+$0x4E0] =	vst v1  }
0x18: {  	[tilespmem:s19+$0x4F0] =	vst v1;
	s19 =	sshra.s32 s20, $0x2;
	s20 =	sadd.s32 $0x200, s20  }
0x19: {  	[tilespmem:s19+$0x500] =	vst v1  }
0x1a: {  	[tilespmem:s19+$0x490] =	vst v1  }
0x1b: {  	[tilespmem:s19+$0x4A0] =	vst v1  }
0x1c: {  	[tilespmem:s19+$0x4B0] =	vst v1  }
0x1d: {  	[tilespmem:s19+$0x4C0] =	vst v1  }
0x1e: {  	[tilespmem:s19+$0x4D0] =	vst v1  }
0x1f: {  	[tilespmem:s19+$0x4E0] =	vst v1  }
0x20: {  	[tilespmem:s19+$0x4F0] =	vst v1;
	s19 =	simm.s32 $0x70;
	s20 =	simm.s32 $0x3C0  }
.LBB2_4:
0x21: {  	p1 =	sne.s32 s20, $0x9FC0;
	[tilespmem:s19+$0x2D00] =	vst v1  }
0x22: {  	[tilespmem:s19+$0x2C90] =	vst v1  }
0x23: {  	[tilespmem:s19+$0x2CA0] =	vst v1  }
.Ltmp1:
0x24: {  	[tilespmem:s19+$0x2CB0] =	vst v1;
	(pc) =	sbr.rel @p1 .LBB2_4-.Ltmp1, $4  }
0x25: {  	[tilespmem:s19+$0x2CC0] =	vst v1  }
0x26: {  	[tilespmem:s19+$0x2CD0] =	vst v1  }
0x27: {  	[tilespmem:s19+$0x2CE0] =	vst v1  }
0x28: {  	[tilespmem:s19+$0x2CF0] =	vst v1;
	s19 =	sshra.s32 s20, $0x2;
	s20 =	sadd.s32 $0x200, s20  }
0x29: {  	[tilespmem:s19+$0x2D00] =	vst v1  }
0x2a: {  	[tilespmem:s19+$0x2C90] =	vst v1  }
0x2b: {  	[tilespmem:s19+$0x2CA0] =	vst v1  }
0x2c: {  	[tilespmem:s19+$0x2CB0] =	vst v1  }
0x2d: {  	[tilespmem:s19+$0x2CC0] =	vst v1  }
0x2e: {  	[tilespmem:s19+$0x2CD0] =	vst v1  }
0x2f: {  	[tilespmem:s19+$0x2CE0] =	vst v1  }
0x30: {  	[tilespmem:s19+$0x2CF0] =	vst v1  }
0x31: {  	[tilespmem:$0xA500] =	vst v0  }
0x32: {  	[tilespmem:$0xA510] =	vst v2  }
0x33: {  	[tilespmem:$0xA520] =	vst v3  }
0x34: {  	[tilespmem:$0xA530] =	vst v4  }
0x35: {  	s19 =	simm.s32 @!p0 $0x500;
	s20 =	simm.s32 @!p0 $0x1;
	[tilespmem:$0xA540] =	vst v5  }
0x36: {  	[spmem:s5] =	stream.linear.scatter @!p0 [tilespmem:s19], [sflag:$0x1], $0x400, $0x38;
	[tilespmem:$0xA580] =	vst v63  }
0x37: {  	_ =	swait.ge @!p0 [sflag:s20], $0x400  }
0x38: {  	[sflag:s20] =	ssyncset.done @!p0 $0x0  }
0x39: {  	[sflag:s20] =	ssyncadd.s32 @!p0 $0xFFFFFC00  }
0x3a: {  	[spmem:s6] =	stream.linear.scatter @!p0 [tilespmem:s19], [sflag:$0x1], $0x400, $0x38;
	[tilespmem:$0xA580] =	vst v63  }
0x3b: {  	_ =	swait.ge @!p0 [sflag:s20], $0x400  }
0x3c: {  	[sflag:s20] =	ssyncset.done @!p0 $0x0  }
0x3d: {  	[sflag:s20] =	ssyncadd.s32 @!p0 $0xFFFFFC00  }
0x3e: {  	s19 =	simm.s32 $0x0;
	[bflag:$0x0] =	sbarrier.arrive $0xFFFF  }
0x3f: {  	[tilespmem:s12], [sflag:$0x1] =	stream.linear.gather [hbm4b:s7+s19], $0x2800, $0x38;
	[tilespmem:$0xA580] =	vst v63  }
0x40: {  	_ =	swait.ge [sflag:s13], $0x2800  }
0x41: {  	[sflag:s13] =	ssyncset.done $0x0  }
0x42: {  	[sflag:s13] =	ssyncadd.s32 $0xFFFFD800  }
0x43: {  	[tilespmem:s14], [sflag:$0x1] =	stream.linear.gather [hbm4b:s8+s19], $0x2800, $0x38;
	[tilespmem:$0xA580] =	vst v63  }
0x44: {  	_ =	swait.ge [sflag:s13], $0x2800  }
0x45: {  	[sflag:s13] =	ssyncset.done $0x0  }
0x46: {  	[sflag:s13] =	ssyncadd.s32 $0xFFFFD800  }
.LBB2_6:
0x47: {  	s20 =	sshra.s32 s19, $0x2  }
0x48: {  	v7 =	vld [tilespmem:s20+$0x5500];
	_ =	sdelay $0x7  }
0x49: {  	[tilespmem:v7+s15+$0x0] =	vst.idx.add.f32.msk $0xffff, v6  }
0x4a: {  	v7 =	vld [tilespmem:s20+$0x7D00];
	_ =	sdelay $0x7  }
0x4b: {  	[tilespmem:v7+s16+$0x0] =	vst.idx.add.f32.msk $0xffff, v6  }
0x4c: {  	v7 =	vld [tilespmem:s20+$0x5510];
	_ =	sdelay $0x7  }
0x4d: {  	[tilespmem:v7+s15+$0x0] =	vst.idx.add.f32.msk $0xffff, v6  }
0x4e: {  	v7 =	vld [tilespmem:s20+$0x7D10];
	_ =	sdelay $0x7  }
0x4f: {  	[tilespmem:v7+s16+$0x0] =	vst.idx.add.f32.msk $0xffff, v6  }
0x50: {  	v7 =	vld [tilespmem:s20+$0x5520];
	_ =	sdelay $0x7  }
0x51: {  	[tilespmem:v7+s15+$0x0] =	vst.idx.add.f32.msk $0xffff, v6  }
0x52: {  	v7 =	vld [tilespmem:s20+$0x7D20];
	_ =	sdelay $0x7  }
0x53: {  	[tilespmem:v7+s16+$0x0] =	vst.idx.add.f32.msk $0xffff, v6  }
0x54: {  	v7 =	vld [tilespmem:s20+$0x5530];
	_ =	sdelay $0x7  }
0x55: {  	[tilespmem:v7+s15+$0x0] =	vst.idx.add.f32.msk $0xffff, v6  }
0x56: {  	v7 =	vld [tilespmem:s20+$0x7D30];
	_ =	sdelay $0x7  }
0x57: {  	[tilespmem:v7+s16+$0x0] =	vst.idx.add.f32.msk $0xffff, v6  }
0x58: {  	v7 =	vld [tilespmem:s20+$0x5540];
	_ =	sdelay $0x7  }
0x59: {  	[tilespmem:v7+s15+$0x0] =	vst.idx.add.f32.msk $0xffff, v6  }
0x5a: {  	v7 =	vld [tilespmem:s20+$0x7D40];
	_ =	sdelay $0x7  }
0x5b: {  	[tilespmem:v7+s16+$0x0] =	vst.idx.add.f32.msk $0xffff, v6  }
0x5c: {  	v7 =	vld [tilespmem:s20+$0x5550];
	_ =	sdelay $0x7  }
0x5d: {  	[tilespmem:v7+s15+$0x0] =	vst.idx.add.f32.msk $0xffff, v6  }
0x5e: {  	v7 =	vld [tilespmem:s20+$0x7D50];
	_ =	sdelay $0x7  }
0x5f: {  	[tilespmem:v7+s16+$0x0] =	vst.idx.add.f32.msk $0xffff, v6  }
0x60: {  	v7 =	vld [tilespmem:s20+$0x5560];
	_ =	sdelay $0x7  }
0x61: {  	[tilespmem:v7+s15+$0x0] =	vst.idx.add.f32.msk $0xffff, v6  }
0x62: {  	v7 =	vld [tilespmem:s20+$0x7D60];
	_ =	sdelay $0x7  }
0x63: {  	[tilespmem:v7+s16+$0x0] =	vst.idx.add.f32.msk $0xffff, v6  }
0x64: {  	v7 =	vld [tilespmem:s20+$0x5570];
	_ =	sdelay $0x7  }
0x65: {  	[tilespmem:v7+s15+$0x0] =	vst.idx.add.f32.msk $0xffff, v6  }
0x66: {  	v7 =	vld [tilespmem:s20+$0x7D70];
	_ =	sdelay $0x2  }
0x67: {  	p1 =	sne.s32 s19, $0x9E00  }
.Ltmp2:
0x68: {  	_ = 	snop;
	(pc) =	sbr.rel @p1 .LBB2_6-.Ltmp2, $2  }
0x69: {  	_ =	sdelay $0x2  }
0x6a: {  	s19 =	sadd.s32 $0x200, s19;
	[tilespmem:v7+s16+$0x0] =	vst.idx.add.f32.msk $0xffff, v6  }
0x6b: {  	[spmem:s1] =	stream.indirect.scatter.add.f32 [tilespmem:s15], [sflag:$0x1], $0x80, s18, s17, $0xb8;
	[tilespmem:$0xA580] =	vst v63  }
0x6c: {  	_ =	swait.ge [sflag:s13], $0x2800  }
0x6d: {  	[sflag:s13] =	ssyncset.done $0x0  }
0x6e: {  	[sflag:s13] =	ssyncadd.s32 $0xFFFFD800  }
0x6f: {  	[spmem:s2] =	stream.indirect.scatter.add.f32 [tilespmem:s16], [sflag:$0x1], $0x80, s18, s17, $0xb8;
	[tilespmem:$0xA580] =	vst v63  }
0x70: {  	_ =	swait.ge [sflag:s13], $0x2800  }
0x71: {  	[sflag:s13] =	ssyncset.done $0x0  }
0x72: {  	s19 =	sshll.u32 @!p0 s3, $0x6;
	[sflag:s13] =	ssyncadd.s32 $0xFFFFD800  }
0x73: {  	s20 =	sshrl.u32 @!p0 s5, $0x3;
	s19 =	sor.u32 @!p0 $0x1C01, s19;
	[bflag:$0x0] =	sbarrier.arrive $0xFFFF  }
0x74: {  	[hbm:s9], [sflag:s19] =	dma.local @!p0 [spmem:s20], $0x80  }
0x75: {  	s20 =	simm.s32 @!p0 $0x1  }
0x76: {  	s4 =	sadd.s32 $0x1, s4;
	_ =	swait.ge @!p0 [sflag:s20], $0x80  }
0x77: {  	p1 =	sne.s32 s4, s11;
	[sflag:s20] =	ssyncset.done @!p0 $0x0  }
.Ltmp3:
0x78: {  	s21 =	sshrl.u32 @!p0 s6, $0x3;
	[sflag:s20] =	ssyncadd.s32 @!p0 $0xFFFFFF80;
	(pc) =	sbr.rel @p1 .LBB2_1-.Ltmp3, $4  }
0x79: {  	[hbm:s10], [sflag:s19] =	dma.local @!p0 [spmem:s21], $0x80  }
0x7a: {  	_ =	swait.ge @!p0 [sflag:s20], $0x80  }
0x7b: {  	[sflag:s20] =	ssyncset.done @!p0 $0x0  }
0x7c: {  	[sflag:s20] =	ssyncadd.s32 @!p0 $0xFFFFFF80  }
0x7d: {  	_ =	sfence.sel $0x180000  }
0x7e: {  	[bflag:$0x0] =	sbarrier.arrive $0xFFFF  }
0x7f: {  	p0 =	sne.s32 s3, $0x0;
	_ =	strace $0x90000047  }
0x80: {  	s0 =	sadd.s32 @!p0 $0x100000, s0;
	[bflag:$0x2] =	sbarrier.arrive $0xFFFF  }
0x81: {  	[sflag:s0] =	ssyncadd.tile.s32 @!p0 $0x1;
	_ =	shalt  }
.Lfunc_end2:
_tile_overlayer_lowered:
.L_overlay_start_2:
0x82: {  	(tag) =	ssettag $0x2  }
0x83: {  	s0 =	rddreg [dreg:$0x0];
	s2 =	stileid.u32  }
0x84: {  	s1 =	rddreg [dreg:$0x1];
	p0 =	sne.s32 s2, $0x0  }
0x85: {  	s3 =	rddreg [dreg:$0x2];
	[bflag:$0x3] =	sbarrier.arrive $0xFFFF;
	s2 =	simm.s32 @!p0 $0x1C01  }
0x86: {  	[timem:s3], [sflag:s2] =	dma.local @!p0 [hbm:s0], s1  }
0x87: {  	s0 =	simm.s32 @!p0 $0x1  }
0x88: {  	_ =	swait.ge @!p0 [sflag:s0], s1  }
0x89: {  	s1 =	ssub.s32 @!p0 $0x0, s1;
	[sflag:s0] =	ssyncset.done @!p0 $0x0  }
0x8a: {  	[sflag:s0] =	ssyncadd.s32 @!p0 s1  }
0x8b: {  	[bflag:$0x3] =	sbarrier.arrive $0xFFFF  }
0x8c: {  	_ =	shalt  }

</sc_bundles>
